<compile_context>
chip_gen: v7x
topology: tpu7x:2x2x1
jax: 0.10.2.dev20260603
libtpu: 0.0.44.dev20260713+nightly
codegen_flags: <defaults>
</compile_context>

<pallas_src>
import functools

import jax
import jax.numpy as jnp
from jax import lax
from jax.experimental import pallas as pl
from jax.experimental.pallas import tpu as pltpu
from jax.experimental.pallas import tpu_sc as plsc

_IP = 5888


def _tc_tables(qos_t):
    U, T, I = qos_t.shape
    UB = 8
    UP8 = ((U + UB - 1) // UB) * UB
    NSTEP = UP8 // UB

    def body(q_ref, s_ref, c_ref):
        x = q_ref[...]
        s = jnp.sum(x, axis=1)
        c = jnp.sum(jnp.where(x > 0, 1.0, 0.0), axis=1)
        for r in range(UB):
            ksl = pl.ds(pl.multiple_of(r * _IP, 128), I)
            s_ref[ksl] = s[r]
            c_ref[ksl] = c[r]

    out_sd = jax.ShapeDtypeStruct((UP8 * _IP,), jnp.float32)
    return pl.pallas_call(
        body,
        grid=(NSTEP,),
        compiler_params=pltpu.CompilerParams(
            vmem_limit_bytes=100 * 1024 * 1024),
        in_specs=[pl.BlockSpec((UB, T, I), lambda u: (u, 0, 0))],
        out_specs=[pl.BlockSpec((UB * _IP,), lambda u: (u,)),
                   pl.BlockSpec((UB * _IP,), lambda u: (u,))],
        out_shape=[out_sd, out_sd],
    )(qos_t)


def _make_sc_curr(B, T, U, I):
    info = plsc.get_sparse_core_info()
    NC, NS, L = info.num_cores, info.num_subcores, info.num_lanes
    NW = NC * NS
    assert B % (8 * NW) == 0
    BPW = B // NW
    NF = 16

    mesh = plsc.VectorSubcoreMesh(core_axis_name="c", subcore_axis_name="s")

    @functools.partial(
        pl.kernel,
        mesh=mesh,
        out_type=jax.ShapeDtypeStruct((B,), jnp.float32),
        compiler_params=pltpu.CompilerParams(needs_layout_passes=False,
                                             use_tc_tiling_on_sc=True),
        scratch_types=[
            pltpu.VMEM((BPW,), jnp.int32),
            pltpu.VMEM((BPW,), jnp.int32),
            pltpu.VMEM((BPW,), jnp.int32),
            pltpu.VMEM((NF, 8, 128), jnp.float32),
            pltpu.VMEM((BPW,), jnp.float32),
        ] + [pltpu.SemaphoreType.DMA] * NF,
    )
    def sc_curr(uid_h, iid_h, tid_h, qos_h, cur_out_h,
                uid_v, iid_v, tid_v, tiles_v, cur_v, *sems):
        wid = lax.axis_index("s") * NC + lax.axis_index("c")
        q0 = wid * BPW
        pltpu.sync_copy(uid_h.at[pl.ds(q0, BPW)], uid_v)
        pltpu.sync_copy(iid_h.at[pl.ds(q0, BPW)], iid_v)
        pltpu.sync_copy(tid_h.at[pl.ds(q0, BPW)], tid_v)

        def wave(w, _):
            w0 = w * NF
            wsl = pl.ds(w0, L)
            uvec = uid_v[wsl]
            ivec = iid_v[wsl]
            tvec = tid_v[wsl]
            cps = []
            for c in range(NF):
                t0 = pl.multiple_of(tvec[c] & -8, 8)
                i0 = pl.multiple_of(ivec[c] & -128, 128)
                cps.append(pltpu.async_copy(
                    qos_h.at[uvec[c], pl.ds(t0, 8), pl.ds(i0, 128)],
                    tiles_v.at[c], sems[c]))
            for cp in cps:
                cp.wait()
            cur_v[wsl] = plsc.load_gather(
                tiles_v, [lax.iota(jnp.int32, L), tvec & 7, ivec & 127])
            return 0

        lax.fori_loop(0, BPW // NF, wave, 0)
        pltpu.sync_copy(cur_v, cur_out_h.at[pl.ds(q0, BPW)])

    return sc_curr


def _make_sc_combine(B):
    info = plsc.get_sparse_core_info()
    NC, NS, L = info.num_cores, info.num_subcores, info.num_lanes
    NW = NC * NS
    BPW = B // NW

    mesh = plsc.VectorSubcoreMesh(core_axis_name="c", subcore_axis_name="s")

    @functools.partial(
        pl.kernel,
        mesh=mesh,
        out_type=jax.ShapeDtypeStruct((B,), jnp.float32),
        compiler_params=pltpu.CompilerParams(needs_layout_passes=False),
        scratch_types=[
            pltpu.VMEM((BPW,), jnp.int32),
            pltpu.VMEM((BPW,), jnp.int32),
            pltpu.VMEM((BPW,), jnp.int32),
            pltpu.VMEM((BPW,), jnp.float32),
            pltpu.VMEM((BPW,), jnp.float32),
            pltpu.VMEM((BPW,), jnp.float32),
            pltpu.VMEM((BPW,), jnp.float32),
            pltpu.SemaphoreType.DMA,
            pltpu.SemaphoreType.DMA,
        ],
    )
    def sc_combine(uid_h, iid_h, cur_h, sum_h, cnt_h, out_h,
                   uid_v, iid_v, pix_v, s_v, c_v, cur_v, out_v,
                   sem_s, sem_c):
        wid = lax.axis_index("s") * NC + lax.axis_index("c")
        q0 = wid * BPW
        pltpu.sync_copy(uid_h.at[pl.ds(q0, BPW)], uid_v)
        pltpu.sync_copy(iid_h.at[pl.ds(q0, BPW)], iid_v)
        pltpu.sync_copy(cur_h.at[pl.ds(q0, BPW)], cur_v)

        for g in range(BPW // L):
            sl = pl.ds(g * L, L)
            pix_v[sl] = uid_v[sl] * _IP + iid_v[sl]

        cp_s = pltpu.async_copy(sum_h.at[pix_v], s_v, sem_s)
        cp_c = pltpu.async_copy(cnt_h.at[pix_v], c_v, sem_c)
        cp_s.wait()
        cp_c.wait()

        for g in range(BPW // L):
            sl = pl.ds(g * L, L)
            s = s_v[sl]
            c = c_v[sl]
            cur = cur_v[sl]
            s_o = s - cur
            c_o = c - jnp.where(cur > 0, 1.0, 0.0)
            out_v[sl] = jnp.where(c_o > 0, s_o / c_o, 0.0)

        pltpu.sync_copy(out_v, out_h.at[pl.ds(q0, BPW)])

    return sc_combine


def kernel(user_id, item_id, time_id, qos_tensor):
    T, U, I = qos_tensor.shape
    B = user_id.shape[0]
    uid = user_id.astype(jnp.int32)
    iid = item_id.astype(jnp.int32)
    tid = time_id.astype(jnp.int32)
    qos_t = jnp.transpose(qos_tensor, (1, 0, 2))
    cur = _make_sc_curr(B, T, U, I)(uid, iid, tid, qos_t)
    sum_tab, cnt_tab = _tc_tables(qos_t)
    return _make_sc_combine(B)(uid, iid, cur, sum_tab, cnt_tab)

# --- scband reference (transcript-rebuilt; emitter-appended) ---
"""Pipeline reference for scband-temporal-forecast-22136261443916 (READ-ONLY COPY).

The authoritative reference and input builder live on the scoring server;
editing this copy changes nothing except your own understanding.
"""

import jax, jax.numpy as jnp
import numpy as np

T, U, I = 64, 339, 5825
B = 16384


def setup_inputs(seed: int = 0) -> dict:
    key = jax.random.key(seed)
    k1, k2, k3, k4 = jax.random.split(key, 4)
    qos_tensor = jax.random.uniform(k4, (T, U, I), dtype=jnp.float32)
    user_id = jax.random.randint(k1, (B,), 0, U, dtype=jnp.int64) if jax.config.jax_enable_x64 else jax.random.randint(k1, (B,), 0, U).astype(jnp.int32)
    item_id = jax.random.randint(k2, (B,), 0, I).astype(user_id.dtype)
    time_id = jax.random.randint(k3, (B,), 0, T).astype(user_id.dtype)
    return {"user_id": user_id, "item_id": item_id, "time_id": time_id, "qos_tensor": qos_tensor}


def reference(user_id, item_id, time_id, qos_tensor):
    # Precomputed buffers from __init__ (derived from qos_tensor)
    total_sum = qos_tensor.sum(axis=0)                              # [U, I]
    total_cnt = (qos_tensor > 0).sum(axis=0).astype(jnp.float32)    # [U, I]
    # Forward: gather current value and per-pair aggregates
    curr_val = qos_tensor[time_id, user_id, item_id]                # [B]
    curr_nonzero = (curr_val > 0).astype(jnp.float32)
    sum_others = total_sum[user_id, item_id] - curr_val
    cnt_others = total_cnt[user_id, item_id] - curr_nonzero
    return jnp.where(cnt_others > 0, sum_others / cnt_others, jnp.zeros_like(sum_others))

if __name__ == "__main__":
    import jax
    _d = setup_inputs()
    print(jax.jit(kernel)(*tuple(_d.values())))

</pallas_src>

<mosaic_0001>
#map = affine_map<(d0, d1) -> (0)>
module attributes {stable_mosaic.version = 14 : i64} {
  func.func @sc_combine(%arg0: i32, %arg1: i32, %arg2: memref<16384xi32, #tpu.memory_space<hbm>>, %arg3: memref<16384xi32, #tpu.memory_space<hbm>>, %arg4: memref<16384xf32, #tpu.memory_space<hbm>>, %arg5: memref<2025472xf32, #tpu.memory_space<hbm>>, %arg6: memref<2025472xf32, #tpu.memory_space<hbm>>, %arg7: memref<16384xf32, #tpu.memory_space<hbm>>, %arg8: memref<512xi32, #tpu.memory_space<vmem>>, %arg9: memref<512xi32, #tpu.memory_space<vmem>>, %arg10: memref<512xi32, #tpu.memory_space<vmem>>, %arg11: memref<512xf32, #tpu.memory_space<vmem>>, %arg12: memref<512xf32, #tpu.memory_space<vmem>>, %arg13: memref<512xf32, #tpu.memory_space<vmem>>, %arg14: memref<512xf32, #tpu.memory_space<vmem>>, %arg15: memref<!tpu.dma_semaphore, #tpu.memory_space<semaphore_mem>>, %arg16: memref<!tpu.dma_semaphore, #tpu.memory_space<semaphore_mem>>) attributes {dimension_semantics = [#tpu.dimension_semantics<core_parallel>, #tpu.dimension_semantics<subcore_parallel>], iteration_bounds = array<i64: 2, 16>, scalar_prefetch = 0 : i64, scratch_operands = 9 : i64, tpu.core_type = #tpu.core_type<sc_vector_subcore>, window_params = [{transform_indices = #map}, {transform_indices = #map}, {transform_indices = #map}, {transform_indices = #map}, {transform_indices = #map}, {transform_indices = #map}]} {
    %mul3A = arith.constant 2 : i32
    %mul3A_0 = arith.muli %arg1, %mul3A : i32
    %add3A = arith.addi %mul3A_0, %arg0 : i32
    %mul3A_1 = arith.constant 512 : i32
    %mul3A_2 = arith.muli %add3A, %mul3A_1 : i32
    "tpu.region"() ({
      %run_scoped3A = tpu.sem_alloc : memref<!tpu.dma_semaphore, #tpu.memory_space<semaphore_mem>>
      %dma_start3A_1121 = tpu.memref_slice %arg2[%mul3A_2] : memref<16384xi32, #tpu.memory_space<hbm>> -> memref<512xi32, #tpu.memory_space<hbm>>
      %dma_start3A_1122 = tpu.memref_slice %arg2[%mul3A_2] : memref<16384xi32, #tpu.memory_space<hbm>> -> memref<512xi32, #tpu.memory_space<hbm>>
      tpu.enqueue_dma source(%dma_start3A_1122 : memref<512xi32, #tpu.memory_space<hbm>>) target(%arg8 : memref<512xi32, #tpu.memory_space<vmem>>) target_semaphore(%run_scoped3A : memref<!tpu.dma_semaphore, #tpu.memory_space<semaphore_mem>>)
      %dma_wait3A_1123 = tpu.memref_slice %arg2[%mul3A_2] : memref<16384xi32, #tpu.memory_space<hbm>> -> memref<512xi32, #tpu.memory_space<hbm>>
      %dma_wait3A_1124 = tpu.memref_slice %arg2[%mul3A_2] : memref<16384xi32, #tpu.memory_space<hbm>> -> memref<512xi32, #tpu.memory_space<hbm>>
      tpu.wait_dma2 semaphore(%run_scoped3A : memref<!tpu.dma_semaphore, #tpu.memory_space<semaphore_mem>>) src(%dma_wait3A_1124 : memref<512xi32, #tpu.memory_space<hbm>>) dst(%arg8 : memref<512xi32, #tpu.memory_space<vmem>>)
      tpu.yield
    }) : () -> ()
    "tpu.region"() ({
      %run_scoped3A = tpu.sem_alloc : memref<!tpu.dma_semaphore, #tpu.memory_space<semaphore_mem>>
      %dma_start3A_1121 = tpu.memref_slice %arg3[%mul3A_2] : memref<16384xi32, #tpu.memory_space<hbm>> -> memref<512xi32, #tpu.memory_space<hbm>>
      %dma_start3A_1122 = tpu.memref_slice %arg3[%mul3A_2] : memref<16384xi32, #tpu.memory_space<hbm>> -> memref<512xi32, #tpu.memory_space<hbm>>
      tpu.enqueue_dma source(%dma_start3A_1122 : memref<512xi32, #tpu.memory_space<hbm>>) target(%arg9 : memref<512xi32, #tpu.memory_space<vmem>>) target_semaphore(%run_scoped3A : memref<!tpu.dma_semaphore, #tpu.memory_space<semaphore_mem>>)
      %dma_wait3A_1123 = tpu.memref_slice %arg3[%mul3A_2] : memref<16384xi32, #tpu.memory_space<hbm>> -> memref<512xi32, #tpu.memory_space<hbm>>
      %dma_wait3A_1124 = tpu.memref_slice %arg3[%mul3A_2] : memref<16384xi32, #tpu.memory_space<hbm>> -> memref<512xi32, #tpu.memory_space<hbm>>
      tpu.wait_dma2 semaphore(%run_scoped3A : memref<!tpu.dma_semaphore, #tpu.memory_space<semaphore_mem>>) src(%dma_wait3A_1124 : memref<512xi32, #tpu.memory_space<hbm>>) dst(%arg9 : memref<512xi32, #tpu.memory_space<vmem>>)
      tpu.yield
    }) : () -> ()
    "tpu.region"() ({
      %run_scoped3A = tpu.sem_alloc : memref<!tpu.dma_semaphore, #tpu.memory_space<semaphore_mem>>
      %dma_start3A_1121 = tpu.memref_slice %arg4[%mul3A_2] : memref<16384xf32, #tpu.memory_space<hbm>> -> memref<512xf32, #tpu.memory_space<hbm>>
      %dma_start3A_1122 = tpu.memref_slice %arg4[%mul3A_2] : memref<16384xf32, #tpu.memory_space<hbm>> -> memref<512xf32, #tpu.memory_space<hbm>>
      tpu.enqueue_dma source(%dma_start3A_1122 : memref<512xf32, #tpu.memory_space<hbm>>) target(%arg13 : memref<512xf32, #tpu.memory_space<vmem>>) target_semaphore(%run_scoped3A : memref<!tpu.dma_semaphore, #tpu.memory_space<semaphore_mem>>)
      %dma_wait3A_1123 = tpu.memref_slice %arg4[%mul3A_2] : memref<16384xf32, #tpu.memory_space<hbm>> -> memref<512xf32, #tpu.memory_space<hbm>>
      %dma_wait3A_1124 = tpu.memref_slice %arg4[%mul3A_2] : memref<16384xf32, #tpu.memory_space<hbm>> -> memref<512xf32, #tpu.memory_space<hbm>>
      tpu.wait_dma2 semaphore(%run_scoped3A : memref<!tpu.dma_semaphore, #tpu.memory_space<semaphore_mem>>) src(%dma_wait3A_1124 : memref<512xf32, #tpu.memory_space<hbm>>) dst(%arg13 : memref<512xf32, #tpu.memory_space<vmem>>)
      tpu.yield
    }) : () -> ()
    %get3A = arith.constant 0 : index
    %get3A_3 = tpu.vector_load %arg8[%get3A] {strides = array<i32>} : memref<512xi32, #tpu.memory_space<vmem>>, vector<16xi32>,
    %mul3A_4 = arith.constant 5888 : i32
    %mul3A_5 = vector.broadcast %mul3A_4 : i32 to vector<16xi32>
    %mul3A_6 = arith.muli %get3A_3, %mul3A_5 : vector<16xi32>
    %get3A_7 = arith.constant 0 : index
    %get3A_8 = tpu.vector_load %arg9[%get3A_7] {strides = array<i32>} : memref<512xi32, #tpu.memory_space<vmem>>, vector<16xi32>,
    %add3A_9 = arith.addi %mul3A_6, %get3A_8 : vector<16xi32>
    %swap3A = arith.constant 0 : index
    %swap3A_10 = tpu.vector_load %arg10[%swap3A] {strides = array<i32>} : memref<512xi32, #tpu.memory_space<vmem>>, vector<16xi32>,
    tpu.vector_store %arg10[%swap3A], %add3A_9 {strides = array<i32>} : memref<512xi32, #tpu.memory_space<vmem>>, vector<16xi32>,
    %get3A_11 = arith.constant 16 : index
    %get3A_12 = tpu.vector_load %arg8[%get3A_11] {strides = array<i32>} : memref<512xi32, #tpu.memory_space<vmem>>, vector<16xi32>,
    %mul3A_13 = arith.constant 5888 : i32
    %mul3A_14 = vector.broadcast %mul3A_13 : i32 to vector<16xi32>
    %mul3A_15 = arith.muli %get3A_12, %mul3A_14 : vector<16xi32>
    %get3A_16 = arith.constant 16 : index
    %get3A_17 = tpu.vector_load %arg9[%get3A_16] {strides = array<i32>} : memref<512xi32, #tpu.memory_space<vmem>>, vector<16xi32>,
    %add3A_18 = arith.addi %mul3A_15, %get3A_17 : vector<16xi32>
    %swap3A_19 = arith.constant 16 : index
    %swap3A_20 = tpu.vector_load %arg10[%swap3A_19] {strides = array<i32>} : memref<512xi32, #tpu.memory_space<vmem>>, vector<16xi32>,
    tpu.vector_store %arg10[%swap3A_19], %add3A_18 {strides = array<i32>} : memref<512xi32, #tpu.memory_space<vmem>>, vector<16xi32>,
    %get3A_21 = arith.constant 32 : index
    %get3A_22 = tpu.vector_load %arg8[%get3A_21] {strides = array<i32>} : memref<512xi32, #tpu.memory_space<vmem>>, vector<16xi32>,
    %mul3A_23 = arith.constant 5888 : i32
    %mul3A_24 = vector.broadcast %mul3A_23 : i32 to vector<16xi32>
    %mul3A_25 = arith.muli %get3A_22, %mul3A_24 : vector<16xi32>
    %get3A_26 = arith.constant 32 : index
    %get3A_27 = tpu.vector_load %arg9[%get3A_26] {strides = array<i32>} : memref<512xi32, #tpu.memory_space<vmem>>, vector<16xi32>,
    %add3A_28 = arith.addi %mul3A_25, %get3A_27 : vector<16xi32>
    %swap3A_29 = arith.constant 32 : index
    %swap3A_30 = tpu.vector_load %arg10[%swap3A_29] {strides = array<i32>} : memref<512xi32, #tpu.memory_space<vmem>>, vector<16xi32>,
    tpu.vector_store %arg10[%swap3A_29], %add3A_28 {strides = array<i32>} : memref<512xi32, #tpu.memory_space<vmem>>, vector<16xi32>,
    %get3A_31 = arith.constant 48 : index
    %get3A_32 = tpu.vector_load %arg8[%get3A_31] {strides = array<i32>} : memref<512xi32, #tpu.memory_space<vmem>>, vector<16xi32>,
    %mul3A_33 = arith.constant 5888 : i32
    %mul3A_34 = vector.broadcast %mul3A_33 : i32 to vector<16xi32>
    %mul3A_35 = arith.muli %get3A_32, %mul3A_34 : vector<16xi32>
    %get3A_36 = arith.constant 48 : index
    %get3A_37 = tpu.vector_load %arg9[%get3A_36] {strides = array<i32>} : memref<512xi32, #tpu.memory_space<vmem>>, vector<16xi32>,
    %add3A_38 = arith.addi %mul3A_35, %get3A_37 : vector<16xi32>
    %swap3A_39 = arith.constant 48 : index
    %swap3A_40 = tpu.vector_load %arg10[%swap3A_39] {strides = array<i32>} : memref<512xi32, #tpu.memory_space<vmem>>, vector<16xi32>,
    tpu.vector_store %arg10[%swap3A_39], %add3A_38 {strides = array<i32>} : memref<512xi32, #tpu.memory_space<vmem>>, vector<16xi32>,
    %get3A_41 = arith.constant 64 : index
    %get3A_42 = tpu.vector_load %arg8[%get3A_41] {strides = array<i32>} : memref<512xi32, #tpu.memory_space<vmem>>, vector<16xi32>,
    %mul3A_43 = arith.constant 5888 : i32
    %mul3A_44 = vector.broadcast %mul3A_43 : i32 to vector<16xi32>
    %mul3A_45 = arith.muli %get3A_42, %mul3A_44 : vector<16xi32>
    %get3A_46 = arith.constant 64 : index
    %get3A_47 = tpu.vector_load %arg9[%get3A_46] {strides = array<i32>} : memref<512xi32, #tpu.memory_space<vmem>>, vector<16xi32>,
    %add3A_48 = arith.addi %mul3A_45, %get3A_47 : vector<16xi32>
    %swap3A_49 = arith.constant 64 : index
    %swap3A_50 = tpu.vector_load %arg10[%swap3A_49] {strides = array<i32>} : memref<512xi32, #tpu.memory_space<vmem>>, vector<16xi32>,
    tpu.vector_store %arg10[%swap3A_49], %add3A_48 {strides = array<i32>} : memref<512xi32, #tpu.memory_space<vmem>>, vector<16xi32>,
    %get3A_51 = arith.constant 80 : index
    %get3A_52 = tpu.vector_load %arg8[%get3A_51] {strides = array<i32>} : memref<512xi32, #tpu.memory_space<vmem>>, vector<16xi32>,
    %mul3A_53 = arith.constant 5888 : i32
    %mul3A_54 = vector.broadcast %mul3A_53 : i32 to vector<16xi32>
    %mul3A_55 = arith.muli %get3A_52, %mul3A_54 : vector<16xi32>
    %get3A_56 = arith.constant 80 : index
    %get3A_57 = tpu.vector_load %arg9[%get3A_56] {strides = array<i32>} : memref<512xi32, #tpu.memory_space<vmem>>, vector<16xi32>,
    %add3A_58 = arith.addi %mul3A_55, %get3A_57 : vector<16xi32>
    %swap3A_59 = arith.constant 80 : index
    %swap3A_60 = tpu.vector_load %arg10[%swap3A_59] {strides = array<i32>} : memref<512xi32, #tpu.memory_space<vmem>>, vector<16xi32>,
    tpu.vector_store %arg10[%swap3A_59], %add3A_58 {strides = array<i32>} : memref<512xi32, #tpu.memory_space<vmem>>, vector<16xi32>,
    %get3A_61 = arith.constant 96 : index
    %get3A_62 = tpu.vector_load %arg8[%get3A_61] {strides = array<i32>} : memref<512xi32, #tpu.memory_space<vmem>>, vector<16xi32>,
    %mul3A_63 = arith.constant 5888 : i32
    %mul3A_64 = vector.broadcast %mul3A_63 : i32 to vector<16xi32>
    %mul3A_65 = arith.muli %get3A_62, %mul3A_64 : vector<16xi32>
    %get3A_66 = arith.constant 96 : index
    %get3A_67 = tpu.vector_load %arg9[%get3A_66] {strides = array<i32>} : memref<512xi32, #tpu.memory_space<vmem>>, vector<16xi32>,
    %add3A_68 = arith.addi %mul3A_65, %get3A_67 : vector<16xi32>
    %swap3A_69 = arith.constant 96 : index
    %swap3A_70 = tpu.vector_load %arg10[%swap3A_69] {strides = array<i32>} : memref<512xi32, #tpu.memory_space<vmem>>, vector<16xi32>,
    tpu.vector_store %arg10[%swap3A_69], %add3A_68 {strides = array<i32>} : memref<512xi32, #tpu.memory_space<vmem>>, vector<16xi32>,
    %get3A_71 = arith.constant 112 : index
    %get3A_72 = tpu.vector_load %arg8[%get3A_71] {strides = array<i32>} : memref<512xi32, #tpu.memory_space<vmem>>, vector<16xi32>,
    %mul3A_73 = arith.constant 5888 : i32
    %mul3A_74 = vector.broadcast %mul3A_73 : i32 to vector<16xi32>
    %mul3A_75 = arith.muli %get3A_72, %mul3A_74 : vector<16xi32>
    %get3A_76 = arith.constant 112 : index
    %get3A_77 = tpu.vector_load %arg9[%get3A_76] {strides = array<i32>} : memref<512xi32, #tpu.memory_space<vmem>>, vector<16xi32>,
    %add3A_78 = arith.addi %mul3A_75, %get3A_77 : vector<16xi32>
    %swap3A_79 = arith.constant 112 : index
    %swap3A_80 = tpu.vector_load %arg10[%swap3A_79] {strides = array<i32>} : memref<512xi32, #tpu.memory_space<vmem>>, vector<16xi32>,
    tpu.vector_store %arg10[%swap3A_79], %add3A_78 {strides = array<i32>} : memref<512xi32, #tpu.memory_space<vmem>>, vector<16xi32>,
    %get3A_81 = arith.constant 128 : index
    %get3A_82 = tpu.vector_load %arg8[%get3A_81] {strides = array<i32>} : memref<512xi32, #tpu.memory_space<vmem>>, vector<16xi32>,
    %mul3A_83 = arith.constant 5888 : i32
    %mul3A_84 = vector.broadcast %mul3A_83 : i32 to vector<16xi32>
    %mul3A_85 = arith.muli %get3A_82, %mul3A_84 : vector<16xi32>
    %get3A_86 = arith.constant 128 : index
    %get3A_87 = tpu.vector_load %arg9[%get3A_86] {strides = array<i32>} : memref<512xi32, #tpu.memory_space<vmem>>, vector<16xi32>,
    %add3A_88 = arith.addi %mul3A_85, %get3A_87 : vector<16xi32>
    %swap3A_89 = arith.constant 128 : index
    %swap3A_90 = tpu.vector_load %arg10[%swap3A_89] {strides = array<i32>} : memref<512xi32, #tpu.memory_space<vmem>>, vector<16xi32>,
    tpu.vector_store %arg10[%swap3A_89], %add3A_88 {strides = array<i32>} : memref<512xi32, #tpu.memory_space<vmem>>, vector<16xi32>,
    %get3A_91 = arith.constant 144 : index
    %get3A_92 = tpu.vector_load %arg8[%get3A_91] {strides = array<i32>} : memref<512xi32, #tpu.memory_space<vmem>>, vector<16xi32>,
    %mul3A_93 = arith.constant 5888 : i32
    %mul3A_94 = vector.broadcast %mul3A_93 : i32 to vector<16xi32>
    %mul3A_95 = arith.muli %get3A_92, %mul3A_94 : vector<16xi32>
    %get3A_96 = arith.constant 144 : index
    %get3A_97 = tpu.vector_load %arg9[%get3A_96] {strides = array<i32>} : memref<512xi32, #tpu.memory_space<vmem>>, vector<16xi32>,
    %add3A_98 = arith.addi %mul3A_95, %get3A_97 : vector<16xi32>
    %swap3A_99 = arith.constant 144 : index
    %swap3A_100 = tpu.vector_load %arg10[%swap3A_99] {strides = array<i32>} : memref<512xi32, #tpu.memory_space<vmem>>, vector<16xi32>,
    tpu.vector_store %arg10[%swap3A_99], %add3A_98 {strides = array<i32>} : memref<512xi32, #tpu.memory_space<vmem>>, vector<16xi32>,
    %get3A_101 = arith.constant 160 : index
    %get3A_102 = tpu.vector_load %arg8[%get3A_101] {strides = array<i32>} : memref<512xi32, #tpu.memory_space<vmem>>, vector<16xi32>,
    %mul3A_103 = arith.constant 5888 : i32
    %mul3A_104 = vector.broadcast %mul3A_103 : i32 to vector<16xi32>
    %mul3A_105 = arith.muli %get3A_102, %mul3A_104 : vector<16xi32>
    %get3A_106 = arith.constant 160 : index
    %get3A_107 = tpu.vector_load %arg9[%get3A_106] {strides = array<i32>} : memref<512xi32, #tpu.memory_space<vmem>>, vector<16xi32>,
    %add3A_108 = arith.addi %mul3A_105, %get3A_107 : vector<16xi32>
    %swap3A_109 = arith.constant 160 : index
    %swap3A_110 = tpu.vector_load %arg10[%swap3A_109] {strides = array<i32>} : memref<512xi32, #tpu.memory_space<vmem>>, vector<16xi32>,
    tpu.vector_store %arg10[%swap3A_109], %add3A_108 {strides = array<i32>} : memref<512xi32, #tpu.memory_space<vmem>>, vector<16xi32>,
    %get3A_111 = arith.constant 176 : index
    %get3A_112 = tpu.vector_load %arg8[%get3A_111] {strides = array<i32>} : memref<512xi32, #tpu.memory_space<vmem>>, vector<16xi32>,
    %mul3A_113 = arith.constant 5888 : i32
    %mul3A_114 = vector.broadcast %mul3A_113 : i32 to vector<16xi32>
    %mul3A_115 = arith.muli %get3A_112, %mul3A_114 : vector<16xi32>
    %get3A_116 = arith.constant 176 : index
    %get3A_117 = tpu.vector_load %arg9[%get3A_116] {strides = array<i32>} : memref<512xi32, #tpu.memory_space<vmem>>, vector<16xi32>,
    %add3A_118 = arith.addi %mul3A_115, %get3A_117 : vector<16xi32>
    %swap3A_119 = arith.constant 176 : index
    %swap3A_120 = tpu.vector_load %arg10[%swap3A_119] {strides = array<i32>} : memref<512xi32, #tpu.memory_space<vmem>>, vector<16xi32>,
    tpu.vector_store %arg10[%swap3A_119], %add3A_118 {strides = array<i32>} : memref<512xi32, #tpu.memory_space<vmem>>, vector<16xi32>,
    %get3A_121 = arith.constant 192 : index
    %get3A_122 = tpu.vector_load %arg8[%get3A_121] {strides = array<i32>} : memref<512xi32, #tpu.memory_space<vmem>>, vector<16xi32>,
    %mul3A_123 = arith.constant 5888 : i32
    %mul3A_124 = vector.broadcast %mul3A_123 : i32 to vector<16xi32>
    %mul3A_125 = arith.muli %get3A_122, %mul3A_124 : vector<16xi32>
    %get3A_126 = arith.constant 192 : index
    %get3A_127 = tpu.vector_load %arg9[%get3A_126] {strides = array<i32>} : memref<512xi32, #tpu.memory_space<vmem>>, vector<16xi32>,
    %add3A_128 = arith.addi %mul3A_125, %get3A_127 : vector<16xi32>
    %swap3A_129 = arith.constant 192 : index
    %swap3A_130 = tpu.vector_load %arg10[%swap3A_129] {strides = array<i32>} : memref<512xi32, #tpu.memory_space<vmem>>, vector<16xi32>,
    tpu.vector_store %arg10[%swap3A_129], %add3A_128 {strides = array<i32>} : memref<512xi32, #tpu.memory_space<vmem>>, vector<16xi32>,
    %get3A_131 = arith.constant 208 : index
    %get3A_132 = tpu.vector_load %arg8[%get3A_131] {strides = array<i32>} : memref<512xi32, #tpu.memory_space<vmem>>, vector<16xi32>,
    %mul3A_133 = arith.constant 5888 : i32
    %mul3A_134 = vector.broadcast %mul3A_133 : i32 to vector<16xi32>
    %mul3A_135 = arith.muli %get3A_132, %mul3A_134 : vector<16xi32>
    %get3A_136 = arith.constant 208 : index
    %get3A_137 = tpu.vector_load %arg9[%get3A_136] {strides = array<i32>} : memref<512xi32, #tpu.memory_space<vmem>>, vector<16xi32>,
    %add3A_138 = arith.addi %mul3A_135, %get3A_137 : vector<16xi32>
    %swap3A_139 = arith.constant 208 : index
    %swap3A_140 = tpu.vector_load %arg10[%swap3A_139] {strides = array<i32>} : memref<512xi32, #tpu.memory_space<vmem>>, vector<16xi32>,
    tpu.vector_store %arg10[%swap3A_139], %add3A_138 {strides = array<i32>} : memref<512xi32, #tpu.memory_space<vmem>>, vector<16xi32>,
    %get3A_141 = arith.constant 224 : index
    %get3A_142 = tpu.vector_load %arg8[%get3A_141] {strides = array<i32>} : memref<512xi32, #tpu.memory_space<vmem>>, vector<16xi32>,
    %mul3A_143 = arith.constant 5888 : i32
    %mul3A_144 = vector.broadcast %mul3A_143 : i32 to vector<16xi32>
    %mul3A_145 = arith.muli %get3A_142, %mul3A_144 : vector<16xi32>
    %get3A_146 = arith.constant 224 : index
    %get3A_147 = tpu.vector_load %arg9[%get3A_146] {strides = array<i32>} : memref<512xi32, #tpu.memory_space<vmem>>, vector<16xi32>,
    %add3A_148 = arith.addi %mul3A_145, %get3A_147 : vector<16xi32>
    %swap3A_149 = arith.constant 224 : index
    %swap3A_150 = tpu.vector_load %arg10[%swap3A_149] {strides = array<i32>} : memref<512xi32, #tpu.memory_space<vmem>>, vector<16xi32>,
    tpu.vector_store %arg10[%swap3A_149], %add3A_148 {strides = array<i32>} : memref<512xi32, #tpu.memory_space<vmem>>, vector<16xi32>,
    %get3A_151 = arith.constant 240 : index
    %get3A_152 = tpu.vector_load %arg8[%get3A_151] {strides = array<i32>} : memref<512xi32, #tpu.memory_space<vmem>>, vector<16xi32>,
    %mul3A_153 = arith.constant 5888 : i32
    %mul3A_154 = vector.broadcast %mul3A_153 : i32 to vector<16xi32>
    %mul3A_155 = arith.muli %get3A_152, %mul3A_154 : vector<16xi32>
    %get3A_156 = arith.constant 240 : index
    %get3A_157 = tpu.vector_load %arg9[%get3A_156] {strides = array<i32>} : memref<512xi32, #tpu.memory_space<vmem>>, vector<16xi32>,
    %add3A_158 = arith.addi %mul3A_155, %get3A_157 : vector<16xi32>
    %swap3A_159 = arith.constant 240 : index
    %swap3A_160 = tpu.vector_load %arg10[%swap3A_159] {strides = array<i32>} : memref<512xi32, #tpu.memory_space<vmem>>, vector<16xi32>,
    tpu.vector_store %arg10[%swap3A_159], %add3A_158 {strides = array<i32>} : memref<512xi32, #tpu.memory_space<vmem>>, vector<16xi32>,
    %get3A_161 = arith.constant 256 : index
    %get3A_162 = tpu.vector_load %arg8[%get3A_161] {strides = array<i32>} : memref<512xi32, #tpu.memory_space<vmem>>, vector<16xi32>,
    %mul3A_163 = arith.constant 5888 : i32
    %mul3A_164 = vector.broadcast %mul3A_163 : i32 to vector<16xi32>
    %mul3A_165 = arith.muli %get3A_162, %mul3A_164 : vector<16xi32>
    %get3A_166 = arith.constant 256 : index
    %get3A_167 = tpu.vector_load %arg9[%get3A_166] {strides = array<i32>} : memref<512xi32, #tpu.memory_space<vmem>>, vector<16xi32>,
    %add3A_168 = arith.addi %mul3A_165, %get3A_167 : vector<16xi32>
    %swap3A_169 = arith.constant 256 : index
    %swap3A_170 = tpu.vector_load %arg10[%swap3A_169] {strides = array<i32>} : memref<512xi32, #tpu.memory_space<vmem>>, vector<16xi32>,
    tpu.vector_store %arg10[%swap3A_169], %add3A_168 {strides = array<i32>} : memref<512xi32, #tpu.memory_space<vmem>>, vector<16xi32>,
    %get3A_171 = arith.constant 272 : index
    %get3A_172 = tpu.vector_load %arg8[%get3A_171] {strides = array<i32>} : memref<512xi32, #tpu.memory_space<vmem>>, vector<16xi32>,
    %mul3A_173 = arith.constant 5888 : i32
    %mul3A_174 = vector.broadcast %mul3A_173 : i32 to vector<16xi32>
    %mul3A_175 = arith.muli %get3A_172, %mul3A_174 : vector<16xi32>
    %get3A_176 = arith.constant 272 : index
    %get3A_177 = tpu.vector_load %arg9[%get3A_176] {strides = array<i32>} : memref<512xi32, #tpu.memory_space<vmem>>, vector<16xi32>,
    %add3A_178 = arith.addi %mul3A_175, %get3A_177 : vector<16xi32>
    %swap3A_179 = arith.constant 272 : index
    %swap3A_180 = tpu.vector_load %arg10[%swap3A_179] {strides = array<i32>} : memref<512xi32, #tpu.memory_space<vmem>>, vector<16xi32>,
    tpu.vector_store %arg10[%swap3A_179], %add3A_178 {strides = array<i32>} : memref<512xi32, #tpu.memory_space<vmem>>, vector<16xi32>,
    %get3A_181 = arith.constant 288 : index
    %get3A_182 = tpu.vector_load %arg8[%get3A_181] {strides = array<i32>} : memref<512xi32, #tpu.memory_space<vmem>>, vector<16xi32>,
    %mul3A_183 = arith.constant 5888 : i32
    %mul3A_184 = vector.broadcast %mul3A_183 : i32 to vector<16xi32>
    %mul3A_185 = arith.muli %get3A_182, %mul3A_184 : vector<16xi32>
    %get3A_186 = arith.constant 288 : index
    %get3A_187 = tpu.vector_load %arg9[%get3A_186] {strides = array<i32>} : memref<512xi32, #tpu.memory_space<vmem>>, vector<16xi32>,
    %add3A_188 = arith.addi %mul3A_185, %get3A_187 : vector<16xi32>
    %swap3A_189 = arith.constant 288 : index
    %swap3A_190 = tpu.vector_load %arg10[%swap3A_189] {strides = array<i32>} : memref<512xi32, #tpu.memory_space<vmem>>, vector<16xi32>,
    tpu.vector_store %arg10[%swap3A_189], %add3A_188 {strides = array<i32>} : memref<512xi32, #tpu.memory_space<vmem>>, vector<16xi32>,
    %get3A_191 = arith.constant 304 : index
    %get3A_192 = tpu.vector_load %arg8[%get3A_191] {strides = array<i32>} : memref<512xi32, #tpu.memory_space<vmem>>, vector<16xi32>,
    %mul3A_193 = arith.constant 5888 : i32
    %mul3A_194 = vector.broadcast %mul3A_193 : i32 to vector<16xi32>
    %mul3A_195 = arith.muli %get3A_192, %mul3A_194 : vector<16xi32>
    %get3A_196 = arith.constant 304 : index
    %get3A_197 = tpu.vector_load %arg9[%get3A_196] {strides = array<i32>} : memref<512xi32, #tpu.memory_space<vmem>>, vector<16xi32>,
    %add3A_198 = arith.addi %mul3A_195, %get3A_197 : vector<16xi32>
    %swap3A_199 = arith.constant 304 : index
    %swap3A_200 = tpu.vector_load %arg10[%swap3A_199] {strides = array<i32>} : memref<512xi32, #tpu.memory_space<vmem>>, vector<16xi32>,
    tpu.vector_store %arg10[%swap3A_199], %add3A_198 {strides = array<i32>} : memref<512xi32, #tpu.memory_space<vmem>>, vector<16xi32>,
    %get3A_201 = arith.constant 320 : index
    %get3A_202 = tpu.vector_load %arg8[%get3A_201] {strides = array<i32>} : memref<512xi32, #tpu.memory_space<vmem>>, vector<16xi32>,
    %mul3A_203 = arith.constant 5888 : i32
    %mul3A_204 = vector.broadcast %mul3A_203 : i32 to vector<16xi32>
    %mul3A_205 = arith.muli %get3A_202, %mul3A_204 : vector<16xi32>
    %get3A_206 = arith.constant 320 : index
    %get3A_207 = tpu.vector_load %arg9[%get3A_206] {strides = array<i32>} : memref<512xi32, #tpu.memory_space<vmem>>, vector<16xi32>,
    %add3A_208 = arith.addi %mul3A_205, %get3A_207 : vector<16xi32>
    %swap3A_209 = arith.constant 320 : index
    %swap3A_210 = tpu.vector_load %arg10[%swap3A_209] {strides = array<i32>} : memref<512xi32, #tpu.memory_space<vmem>>, vector<16xi32>,
    tpu.vector_store %arg10[%swap3A_209], %add3A_208 {strides = array<i32>} : memref<512xi32, #tpu.memory_space<vmem>>, vector<16xi32>,
    %get3A_211 = arith.constant 336 : index
    %get3A_212 = tpu.vector_load %arg8[%get3A_211] {strides = array<i32>} : memref<512xi32, #tpu.memory_space<vmem>>, vector<16xi32>,
    %mul3A_213 = arith.constant 5888 : i32
    %mul3A_214 = vector.broadcast %mul3A_213 : i32 to vector<16xi32>
    %mul3A_215 = arith.muli %get3A_212, %mul3A_214 : vector<16xi32>
    %get3A_216 = arith.constant 336 : index
    %get3A_217 = tpu.vector_load %arg9[%get3A_216] {strides = array<i32>} : memref<512xi32, #tpu.memory_space<vmem>>, vector<16xi32>,
    %add3A_218 = arith.addi %mul3A_215, %get3A_217 : vector<16xi32>
    %swap3A_219 = arith.constant 336 : index
    %swap3A_220 = tpu.vector_load %arg10[%swap3A_219] {strides = array<i32>} : memref<512xi32, #tpu.memory_space<vmem>>, vector<16xi32>,
    tpu.vector_store %arg10[%swap3A_219], %add3A_218 {strides = array<i32>} : memref<512xi32, #tpu.memory_space<vmem>>, vector<16xi32>,
    %get3A_221 = arith.constant 352 : index
    %get3A_222 = tpu.vector_load %arg8[%get3A_221] {strides = array<i32>} : memref<512xi32, #tpu.memory_space<vmem>>, vector<16xi32>,
    %mul3A_223 = arith.constant 5888 : i32
    %mul3A_224 = vector.broadcast %mul3A_223 : i32 to vector<16xi32>
    %mul3A_225 = arith.muli %get3A_222, %mul3A_224 : vector<16xi32>
    %get3A_226 = arith.constant 352 : index
    %get3A_227 = tpu.vector_load %arg9[%get3A_226] {strides = array<i32>} : memref<512xi32, #tpu.memory_space<vmem>>, vector<16xi32>,
    %add3A_228 = arith.addi %mul3A_225, %get3A_227 : vector<16xi32>
    %swap3A_229 = arith.constant 352 : index
    %swap3A_230 = tpu.vector_load %arg10[%swap3A_229] {strides = array<i32>} : memref<512xi32, #tpu.memory_space<vmem>>, vector<16xi32>,
    tpu.vector_store %arg10[%swap3A_229], %add3A_228 {strides = array<i32>} : memref<512xi32, #tpu.memory_space<vmem>>, vector<16xi32>,
    %get3A_231 = arith.constant 368 : index
    %get3A_232 = tpu.vector_load %arg8[%get3A_231] {strides = array<i32>} : memref<512xi32, #tpu.memory_space<vmem>>, vector<16xi32>,
    %mul3A_233 = arith.constant 5888 : i32
    %mul3A_234 = vector.broadcast %mul3A_233 : i32 to vector<16xi32>
    %mul3A_235 = arith.muli %get3A_232, %mul3A_234 : vector<16xi32>
    %get3A_236 = arith.constant 368 : index
    %get3A_237 = tpu.vector_load %arg9[%get3A_236] {strides = array<i32>} : memref<512xi32, #tpu.memory_space<vmem>>, vector<16xi32>,
    %add3A_238 = arith.addi %mul3A_235, %get3A_237 : vector<16xi32>
    %swap3A_239 = arith.constant 368 : index
    %swap3A_240 = tpu.vector_load %arg10[%swap3A_239] {strides = array<i32>} : memref<512xi32, #tpu.memory_space<vmem>>, vector<16xi32>,
    tpu.vector_store %arg10[%swap3A_239], %add3A_238 {strides = array<i32>} : memref<512xi32, #tpu.memory_space<vmem>>, vector<16xi32>,
    %get3A_241 = arith.constant 384 : index
    %get3A_242 = tpu.vector_load %arg8[%get3A_241] {strides = array<i32>} : memref<512xi32, #tpu.memory_space<vmem>>, vector<16xi32>,
    %mul3A_243 = arith.constant 5888 : i32
    %mul3A_244 = vector.broadcast %mul3A_243 : i32 to vector<16xi32>
    %mul3A_245 = arith.muli %get3A_242, %mul3A_244 : vector<16xi32>
    %get3A_246 = arith.constant 384 : index
    %get3A_247 = tpu.vector_load %arg9[%get3A_246] {strides = array<i32>} : memref<512xi32, #tpu.memory_space<vmem>>, vector<16xi32>,
    %add3A_248 = arith.addi %mul3A_245, %get3A_247 : vector<16xi32>
    %swap3A_249 = arith.constant 384 : index
    %swap3A_250 = tpu.vector_load %arg10[%swap3A_249] {strides = array<i32>} : memref<512xi32, #tpu.memory_space<vmem>>, vector<16xi32>,
    tpu.vector_store %arg10[%swap3A_249], %add3A_248 {strides = array<i32>} : memref<512xi32, #tpu.memory_space<vmem>>, vector<16xi32>,
    %get3A_251 = arith.constant 400 : index
    %get3A_252 = tpu.vector_load %arg8[%get3A_251] {strides = array<i32>} : memref<512xi32, #tpu.memory_space<vmem>>, vector<16xi32>,
    %mul3A_253 = arith.constant 5888 : i32
    %mul3A_254 = vector.broadcast %mul3A_253 : i32 to vector<16xi32>
    %mul3A_255 = arith.muli %get3A_252, %mul3A_254 : vector<16xi32>
    %get3A_256 = arith.constant 400 : index
    %get3A_257 = tpu.vector_load %arg9[%get3A_256] {strides = array<i32>} : memref<512xi32, #tpu.memory_space<vmem>>, vector<16xi32>,
    %add3A_258 = arith.addi %mul3A_255, %get3A_257 : vector<16xi32>
    %swap3A_259 = arith.constant 400 : index
    %swap3A_260 = tpu.vector_load %arg10[%swap3A_259] {strides = array<i32>} : memref<512xi32, #tpu.memory_space<vmem>>, vector<16xi32>,
    tpu.vector_store %arg10[%swap3A_259], %add3A_258 {strides = array<i32>} : memref<512xi32, #tpu.memory_space<vmem>>, vector<16xi32>,
    %get3A_261 = arith.constant 416 : index
    %get3A_262 = tpu.vector_load %arg8[%get3A_261] {strides = array<i32>} : memref<512xi32, #tpu.memory_space<vmem>>, vector<16xi32>,
    %mul3A_263 = arith.constant 5888 : i32
    %mul3A_264 = vector.broadcast %mul3A_263 : i32 to vector<16xi32>
    %mul3A_265 = arith.muli %get3A_262, %mul3A_264 : vector<16xi32>
    %get3A_266 = arith.constant 416 : index
    %get3A_267 = tpu.vector_load %arg9[%get3A_266] {strides = array<i32>} : memref<512xi32, #tpu.memory_space<vmem>>, vector<16xi32>,
    %add3A_268 = arith.addi %mul3A_265, %get3A_267 : vector<16xi32>
    %swap3A_269 = arith.constant 416 : index
    %swap3A_270 = tpu.vector_load %arg10[%swap3A_269] {strides = array<i32>} : memref<512xi32, #tpu.memory_space<vmem>>, vector<16xi32>,
    tpu.vector_store %arg10[%swap3A_269], %add3A_268 {strides = array<i32>} : memref<512xi32, #tpu.memory_space<vmem>>, vector<16xi32>,
    %get3A_271 = arith.constant 432 : index
    %get3A_272 = tpu.vector_load %arg8[%get3A_271] {strides = array<i32>} : memref<512xi32, #tpu.memory_space<vmem>>, vector<16xi32>,
    %mul3A_273 = arith.constant 5888 : i32
    %mul3A_274 = vector.broadcast %mul3A_273 : i32 to vector<16xi32>
    %mul3A_275 = arith.muli %get3A_272, %mul3A_274 : vector<16xi32>
    %get3A_276 = arith.constant 432 : index
    %get3A_277 = tpu.vector_load %arg9[%get3A_276] {strides = array<i32>} : memref<512xi32, #tpu.memory_space<vmem>>, vector<16xi32>,
    %add3A_278 = arith.addi %mul3A_275, %get3A_277 : vector<16xi32>
    %swap3A_279 = arith.constant 432 : index
    %swap3A_280 = tpu.vector_load %arg10[%swap3A_279] {strides = array<i32>} : memref<512xi32, #tpu.memory_space<vmem>>, vector<16xi32>,
    tpu.vector_store %arg10[%swap3A_279], %add3A_278 {strides = array<i32>} : memref<512xi32, #tpu.memory_space<vmem>>, vector<16xi32>,
    %get3A_281 = arith.constant 448 : index
    %get3A_282 = tpu.vector_load %arg8[%get3A_281] {strides = array<i32>} : memref<512xi32, #tpu.memory_space<vmem>>, vector<16xi32>,
    %mul3A_283 = arith.constant 5888 : i32
    %mul3A_284 = vector.broadcast %mul3A_283 : i32 to vector<16xi32>
    %mul3A_285 = arith.muli %get3A_282, %mul3A_284 : vector<16xi32>
    %get3A_286 = arith.constant 448 : index
    %get3A_287 = tpu.vector_load %arg9[%get3A_286] {strides = array<i32>} : memref<512xi32, #tpu.memory_space<vmem>>, vector<16xi32>,
    %add3A_288 = arith.addi %mul3A_285, %get3A_287 : vector<16xi32>
    %swap3A_289 = arith.constant 448 : index
    %swap3A_290 = tpu.vector_load %arg10[%swap3A_289] {strides = array<i32>} : memref<512xi32, #tpu.memory_space<vmem>>, vector<16xi32>,
    tpu.vector_store %arg10[%swap3A_289], %add3A_288 {strides = array<i32>} : memref<512xi32, #tpu.memory_space<vmem>>, vector<16xi32>,
    %get3A_291 = arith.constant 464 : index
    %get3A_292 = tpu.vector_load %arg8[%get3A_291] {strides = array<i32>} : memref<512xi32, #tpu.memory_space<vmem>>, vector<16xi32>,
    %mul3A_293 = arith.constant 5888 : i32
    %mul3A_294 = vector.broadcast %mul3A_293 : i32 to vector<16xi32>
    %mul3A_295 = arith.muli %get3A_292, %mul3A_294 : vector<16xi32>
    %get3A_296 = arith.constant 464 : index
    %get3A_297 = tpu.vector_load %arg9[%get3A_296] {strides = array<i32>} : memref<512xi32, #tpu.memory_space<vmem>>, vector<16xi32>,
    %add3A_298 = arith.addi %mul3A_295, %get3A_297 : vector<16xi32>
    %swap3A_299 = arith.constant 464 : index
    %swap3A_300 = tpu.vector_load %arg10[%swap3A_299] {strides = array<i32>} : memref<512xi32, #tpu.memory_space<vmem>>, vector<16xi32>,
    tpu.vector_store %arg10[%swap3A_299], %add3A_298 {strides = array<i32>} : memref<512xi32, #tpu.memory_space<vmem>>, vector<16xi32>,
    %get3A_301 = arith.constant 480 : index
    %get3A_302 = tpu.vector_load %arg8[%get3A_301] {strides = array<i32>} : memref<512xi32, #tpu.memory_space<vmem>>, vector<16xi32>,
    %mul3A_303 = arith.constant 5888 : i32
    %mul3A_304 = vector.broadcast %mul3A_303 : i32 to vector<16xi32>
    %mul3A_305 = arith.muli %get3A_302, %mul3A_304 : vector<16xi32>
    %get3A_306 = arith.constant 480 : index
    %get3A_307 = tpu.vector_load %arg9[%get3A_306] {strides = array<i32>} : memref<512xi32, #tpu.memory_space<vmem>>, vector<16xi32>,
    %add3A_308 = arith.addi %mul3A_305, %get3A_307 : vector<16xi32>
    %swap3A_309 = arith.constant 480 : index
    %swap3A_310 = tpu.vector_load %arg10[%swap3A_309] {strides = array<i32>} : memref<512xi32, #tpu.memory_space<vmem>>, vector<16xi32>,
    tpu.vector_store %arg10[%swap3A_309], %add3A_308 {strides = array<i32>} : memref<512xi32, #tpu.memory_space<vmem>>, vector<16xi32>,
    %get3A_311 = arith.constant 496 : index
    %get3A_312 = tpu.vector_load %arg8[%get3A_311] {strides = array<i32>} : memref<512xi32, #tpu.memory_space<vmem>>, vector<16xi32>,
    %mul3A_313 = arith.constant 5888 : i32
    %mul3A_314 = vector.broadcast %mul3A_313 : i32 to vector<16xi32>
    %mul3A_315 = arith.muli %get3A_312, %mul3A_314 : vector<16xi32>
    %get3A_316 = arith.constant 496 : index
    %get3A_317 = tpu.vector_load %arg9[%get3A_316] {strides = array<i32>} : memref<512xi32, #tpu.memory_space<vmem>>, vector<16xi32>,
    %add3A_318 = arith.addi %mul3A_315, %get3A_317 : vector<16xi32>
    %swap3A_319 = arith.constant 496 : index
    %swap3A_320 = tpu.vector_load %arg10[%swap3A_319] {strides = array<i32>} : memref<512xi32, #tpu.memory_space<vmem>>, vector<16xi32>,
    tpu.vector_store %arg10[%swap3A_319], %add3A_318 {strides = array<i32>} : memref<512xi32, #tpu.memory_space<vmem>>, vector<16xi32>,
    %dma_start3A = arith.constant 0 : i32
    %dma_start3A_321 = tpu.memref_slice %arg5[%dma_start3A] : memref<2025472xf32, #tpu.memory_space<hbm>> -> memref<2025472xf32, #tpu.memory_space<hbm>>
    tpu.enqueue_indirect_dma source(%dma_start3A_321 : memref<2025472xf32, #tpu.memory_space<hbm>>) target(%arg11 : memref<512xf32, #tpu.memory_space<vmem>>) offsets(%arg10 : memref<512xi32, #tpu.memory_space<vmem>>) semaphore(%arg15 : memref<!tpu.dma_semaphore, #tpu.memory_space<semaphore_mem>>)
    %dma_start3A_322 = arith.constant 0 : i32
    %dma_start3A_323 = tpu.memref_slice %arg6[%dma_start3A_322] : memref<2025472xf32, #tpu.memory_space<hbm>> -> memref<2025472xf32, #tpu.memory_space<hbm>>
    tpu.enqueue_indirect_dma source(%dma_start3A_323 : memref<2025472xf32, #tpu.memory_space<hbm>>) target(%arg12 : memref<512xf32, #tpu.memory_space<vmem>>) offsets(%arg10 : memref<512xi32, #tpu.memory_space<vmem>>) semaphore(%arg16 : memref<!tpu.dma_semaphore, #tpu.memory_space<semaphore_mem>>)
    %dma_wait3A = arith.constant 0 : i32
    %dma_wait3A_324 = tpu.memref_slice %arg5[%dma_wait3A] : memref<2025472xf32, #tpu.memory_space<hbm>> -> memref<2025472xf32, #tpu.memory_space<hbm>>
    tpu.wait_indirect_dma semaphore(%arg15 : memref<!tpu.dma_semaphore, #tpu.memory_space<semaphore_mem>>) src(%dma_wait3A_324 : memref<2025472xf32, #tpu.memory_space<hbm>>) dst(%arg11 : memref<512xf32, #tpu.memory_space<vmem>>)
    %dma_wait3A_325 = arith.constant 0 : i32
    %dma_wait3A_326 = tpu.memref_slice %arg6[%dma_wait3A_325] : memref<2025472xf32, #tpu.memory_space<hbm>> -> memref<2025472xf32, #tpu.memory_space<hbm>>
    tpu.wait_indirect_dma semaphore(%arg16 : memref<!tpu.dma_semaphore, #tpu.memory_space<semaphore_mem>>) src(%dma_wait3A_326 : memref<2025472xf32, #tpu.memory_space<hbm>>) dst(%arg12 : memref<512xf32, #tpu.memory_space<vmem>>)
    %get3A_327 = arith.constant 0 : index
    %get3A_328 = tpu.vector_load %arg11[%get3A_327] {strides = array<i32>} : memref<512xf32, #tpu.memory_space<vmem>>, vector<16xf32>,
    %get3A_329 = arith.constant 0 : index
    %get3A_330 = tpu.vector_load %arg12[%get3A_329] {strides = array<i32>} : memref<512xf32, #tpu.memory_space<vmem>>, vector<16xf32>,
    %get3A_331 = arith.constant 0 : index
    %get3A_332 = tpu.vector_load %arg13[%get3A_331] {strides = array<i32>} : memref<512xf32, #tpu.memory_space<vmem>>, vector<16xf32>,
    %sub3A = arith.subf %get3A_328, %get3A_332 : vector<16xf32>
    %gt3A = arith.constant 0.000000e+00 : f32
    %gt3A_333 = vector.broadcast %gt3A : f32 to vector<16xf32>
    %gt3A_334 = arith.cmpf ogt, %get3A_332, %gt3A_333 : vector<16xf32>
    %jit3A = arith.constant 1.000000e+00 : f32
    %jit3A_335 = arith.constant 0.000000e+00 : f32
    %broadcast_in_dim3A = vector.broadcast %jit3A : f32 to vector<16xf32>
    %broadcast_in_dim3A_336 = vector.broadcast %jit3A_335 : f32 to vector<16xf32>
    %select_n3A = arith.select %gt3A_334, %broadcast_in_dim3A, %broadcast_in_dim3A_336 : vector<16xi1>, vector<16xf32>
    %sub3A_337 = arith.subf %get3A_330, %select_n3A : vector<16xf32>
    %gt3A_338 = arith.constant 0.000000e+00 : f32
    %gt3A_339 = vector.broadcast %gt3A_338 : f32 to vector<16xf32>
    %gt3A_340 = arith.cmpf ogt, %sub3A_337, %gt3A_339 : vector<16xf32>
    %div3A = arith.divf %sub3A, %sub3A_337 : vector<16xf32>
    %jit3A_341 = arith.constant 0.000000e+00 : f32
    %broadcast_in_dim3A_342 = vector.broadcast %jit3A_341 : f32 to vector<16xf32>
    %select_n3A_343 = arith.select %gt3A_340, %div3A, %broadcast_in_dim3A_342 : vector<16xi1>, vector<16xf32>
    %swap3A_344 = arith.constant 0 : index
    %swap3A_345 = tpu.vector_load %arg14[%swap3A_344] {strides = array<i32>} : memref<512xf32, #tpu.memory_space<vmem>>, vector<16xf32>,
    tpu.vector_store %arg14[%swap3A_344], %select_n3A_343 {strides = array<i32>} : memref<512xf32, #tpu.memory_space<vmem>>, vector<16xf32>,
    %get3A_346 = arith.constant 16 : index
    %get3A_347 = tpu.vector_load %arg11[%get3A_346] {strides = array<i32>} : memref<512xf32, #tpu.memory_space<vmem>>, vector<16xf32>,
    %get3A_348 = arith.constant 16 : index
    %get3A_349 = tpu.vector_load %arg12[%get3A_348] {strides = array<i32>} : memref<512xf32, #tpu.memory_space<vmem>>, vector<16xf32>,
    %get3A_350 = arith.constant 16 : index
    %get3A_351 = tpu.vector_load %arg13[%get3A_350] {strides = array<i32>} : memref<512xf32, #tpu.memory_space<vmem>>, vector<16xf32>,
    %sub3A_352 = arith.subf %get3A_347, %get3A_351 : vector<16xf32>
    %gt3A_353 = arith.constant 0.000000e+00 : f32
    %gt3A_354 = vector.broadcast %gt3A_353 : f32 to vector<16xf32>
    %gt3A_355 = arith.cmpf ogt, %get3A_351, %gt3A_354 : vector<16xf32>
    %jit3A_356 = arith.constant 1.000000e+00 : f32
    %jit3A_357 = arith.constant 0.000000e+00 : f32
    %broadcast_in_dim3A_358 = vector.broadcast %jit3A_356 : f32 to vector<16xf32>
    %broadcast_in_dim3A_359 = vector.broadcast %jit3A_357 : f32 to vector<16xf32>
    %select_n3A_360 = arith.select %gt3A_355, %broadcast_in_dim3A_358, %broadcast_in_dim3A_359 : vector<16xi1>, vector<16xf32>
    %sub3A_361 = arith.subf %get3A_349, %select_n3A_360 : vector<16xf32>
    %gt3A_362 = arith.constant 0.000000e+00 : f32
    %gt3A_363 = vector.broadcast %gt3A_362 : f32 to vector<16xf32>
    %gt3A_364 = arith.cmpf ogt, %sub3A_361, %gt3A_363 : vector<16xf32>
    %div3A_365 = arith.divf %sub3A_352, %sub3A_361 : vector<16xf32>
    %jit3A_366 = arith.constant 0.000000e+00 : f32
    %broadcast_in_dim3A_367 = vector.broadcast %jit3A_366 : f32 to vector<16xf32>
    %select_n3A_368 = arith.select %gt3A_364, %div3A_365, %broadcast_in_dim3A_367 : vector<16xi1>, vector<16xf32>
    %swap3A_369 = arith.constant 16 : index
    %swap3A_370 = tpu.vector_load %arg14[%swap3A_369] {strides = array<i32>} : memref<512xf32, #tpu.memory_space<vmem>>, vector<16xf32>,
    tpu.vector_store %arg14[%swap3A_369], %select_n3A_368 {strides = array<i32>} : memref<512xf32, #tpu.memory_space<vmem>>, vector<16xf32>,
    %get3A_371 = arith.constant 32 : index
    %get3A_372 = tpu.vector_load %arg11[%get3A_371] {strides = array<i32>} : memref<512xf32, #tpu.memory_space<vmem>>, vector<16xf32>,
    %get3A_373 = arith.constant 32 : index
    %get3A_374 = tpu.vector_load %arg12[%get3A_373] {strides = array<i32>} : memref<512xf32, #tpu.memory_space<vmem>>, vector<16xf32>,
    %get3A_375 = arith.constant 32 : index
    %get3A_376 = tpu.vector_load %arg13[%get3A_375] {strides = array<i32>} : memref<512xf32, #tpu.memory_space<vmem>>, vector<16xf32>,
    %sub3A_377 = arith.subf %get3A_372, %get3A_376 : vector<16xf32>
    %gt3A_378 = arith.constant 0.000000e+00 : f32
    %gt3A_379 = vector.broadcast %gt3A_378 : f32 to vector<16xf32>
    %gt3A_380 = arith.cmpf ogt, %get3A_376, %gt3A_379 : vector<16xf32>
    %jit3A_381 = arith.constant 1.000000e+00 : f32
    %jit3A_382 = arith.constant 0.000000e+00 : f32
    %broadcast_in_dim3A_383 = vector.broadcast %jit3A_381 : f32 to vector<16xf32>
    %broadcast_in_dim3A_384 = vector.broadcast %jit3A_382 : f32 to vector<16xf32>
    %select_n3A_385 = arith.select %gt3A_380, %broadcast_in_dim3A_383, %broadcast_in_dim3A_384 : vector<16xi1>, vector<16xf32>
    %sub3A_386 = arith.subf %get3A_374, %select_n3A_385 : vector<16xf32>
    %gt3A_387 = arith.constant 0.000000e+00 : f32
    %gt3A_388 = vector.broadcast %gt3A_387 : f32 to vector<16xf32>
    %gt3A_389 = arith.cmpf ogt, %sub3A_386, %gt3A_388 : vector<16xf32>
    %div3A_390 = arith.divf %sub3A_377, %sub3A_386 : vector<16xf32>
    %jit3A_391 = arith.constant 0.000000e+00 : f32
    %broadcast_in_dim3A_392 = vector.broadcast %jit3A_391 : f32 to vector<16xf32>
    %select_n3A_393 = arith.select %gt3A_389, %div3A_390, %broadcast_in_dim3A_392 : vector<16xi1>, vector<16xf32>
    %swap3A_394 = arith.constant 32 : index
    %swap3A_395 = tpu.vector_load %arg14[%swap3A_394] {strides = array<i32>} : memref<512xf32, #tpu.memory_space<vmem>>, vector<16xf32>,
    tpu.vector_store %arg14[%swap3A_394], %select_n3A_393 {strides = array<i32>} : memref<512xf32, #tpu.memory_space<vmem>>, vector<16xf32>,
    %get3A_396 = arith.constant 48 : index
    %get3A_397 = tpu.vector_load %arg11[%get3A_396] {strides = array<i32>} : memref<512xf32, #tpu.memory_space<vmem>>, vector<16xf32>,
    %get3A_398 = arith.constant 48 : index
    %get3A_399 = tpu.vector_load %arg12[%get3A_398] {strides = array<i32>} : memref<512xf32, #tpu.memory_space<vmem>>, vector<16xf32>,
    %get3A_400 = arith.constant 48 : index
    %get3A_401 = tpu.vector_load %arg13[%get3A_400] {strides = array<i32>} : memref<512xf32, #tpu.memory_space<vmem>>, vector<16xf32>,
    %sub3A_402 = arith.subf %get3A_397, %get3A_401 : vector<16xf32>
    %gt3A_403 = arith.constant 0.000000e+00 : f32
    %gt3A_404 = vector.broadcast %gt3A_403 : f32 to vector<16xf32>
    %gt3A_405 = arith.cmpf ogt, %get3A_401, %gt3A_404 : vector<16xf32>
    %jit3A_406 = arith.constant 1.000000e+00 : f32
    %jit3A_407 = arith.constant 0.000000e+00 : f32
    %broadcast_in_dim3A_408 = vector.broadcast %jit3A_406 : f32 to vector<16xf32>
    %broadcast_in_dim3A_409 = vector.broadcast %jit3A_407 : f32 to vector<16xf32>
    %select_n3A_410 = arith.select %gt3A_405, %broadcast_in_dim3A_408, %broadcast_in_dim3A_409 : vector<16xi1>, vector<16xf32>
    %sub3A_411 = arith.subf %get3A_399, %select_n3A_410 : vector<16xf32>
    %gt3A_412 = arith.constant 0.000000e+00 : f32
    %gt3A_413 = vector.broadcast %gt3A_412 : f32 to vector<16xf32>
    %gt3A_414 = arith.cmpf ogt, %sub3A_411, %gt3A_413 : vector<16xf32>
    %div3A_415 = arith.divf %sub3A_402, %sub3A_411 : vector<16xf32>
    %jit3A_416 = arith.constant 0.000000e+00 : f32
    %broadcast_in_dim3A_417 = vector.broadcast %jit3A_416 : f32 to vector<16xf32>
    %select_n3A_418 = arith.select %gt3A_414, %div3A_415, %broadcast_in_dim3A_417 : vector<16xi1>, vector<16xf32>
    %swap3A_419 = arith.constant 48 : index
    %swap3A_420 = tpu.vector_load %arg14[%swap3A_419] {strides = array<i32>} : memref<512xf32, #tpu.memory_space<vmem>>, vector<16xf32>,
    tpu.vector_store %arg14[%swap3A_419], %select_n3A_418 {strides = array<i32>} : memref<512xf32, #tpu.memory_space<vmem>>, vector<16xf32>,
    %get3A_421 = arith.constant 64 : index
    %get3A_422 = tpu.vector_load %arg11[%get3A_421] {strides = array<i32>} : memref<512xf32, #tpu.memory_space<vmem>>, vector<16xf32>,
    %get3A_423 = arith.constant 64 : index
    %get3A_424 = tpu.vector_load %arg12[%get3A_423] {strides = array<i32>} : memref<512xf32, #tpu.memory_space<vmem>>, vector<16xf32>,
    %get3A_425 = arith.constant 64 : index
    %get3A_426 = tpu.vector_load %arg13[%get3A_425] {strides = array<i32>} : memref<512xf32, #tpu.memory_space<vmem>>, vector<16xf32>,
    %sub3A_427 = arith.subf %get3A_422, %get3A_426 : vector<16xf32>
    %gt3A_428 = arith.constant 0.000000e+00 : f32
    %gt3A_429 = vector.broadcast %gt3A_428 : f32 to vector<16xf32>
    %gt3A_430 = arith.cmpf ogt, %get3A_426, %gt3A_429 : vector<16xf32>
    %jit3A_431 = arith.constant 1.000000e+00 : f32
    %jit3A_432 = arith.constant 0.000000e+00 : f32
    %broadcast_in_dim3A_433 = vector.broadcast %jit3A_431 : f32 to vector<16xf32>
    %broadcast_in_dim3A_434 = vector.broadcast %jit3A_432 : f32 to vector<16xf32>
    %select_n3A_435 = arith.select %gt3A_430, %broadcast_in_dim3A_433, %broadcast_in_dim3A_434 : vector<16xi1>, vector<16xf32>
    %sub3A_436 = arith.subf %get3A_424, %select_n3A_435 : vector<16xf32>
    %gt3A_437 = arith.constant 0.000000e+00 : f32
    %gt3A_438 = vector.broadcast %gt3A_437 : f32 to vector<16xf32>
    %gt3A_439 = arith.cmpf ogt, %sub3A_436, %gt3A_438 : vector<16xf32>
    %div3A_440 = arith.divf %sub3A_427, %sub3A_436 : vector<16xf32>
    %jit3A_441 = arith.constant 0.000000e+00 : f32
    %broadcast_in_dim3A_442 = vector.broadcast %jit3A_441 : f32 to vector<16xf32>
    %select_n3A_443 = arith.select %gt3A_439, %div3A_440, %broadcast_in_dim3A_442 : vector<16xi1>, vector<16xf32>
    %swap3A_444 = arith.constant 64 : index
    %swap3A_445 = tpu.vector_load %arg14[%swap3A_444] {strides = array<i32>} : memref<512xf32, #tpu.memory_space<vmem>>, vector<16xf32>,
    tpu.vector_store %arg14[%swap3A_444], %select_n3A_443 {strides = array<i32>} : memref<512xf32, #tpu.memory_space<vmem>>, vector<16xf32>,
    %get3A_446 = arith.constant 80 : index
    %get3A_447 = tpu.vector_load %arg11[%get3A_446] {strides = array<i32>} : memref<512xf32, #tpu.memory_space<vmem>>, vector<16xf32>,
    %get3A_448 = arith.constant 80 : index
    %get3A_449 = tpu.vector_load %arg12[%get3A_448] {strides = array<i32>} : memref<512xf32, #tpu.memory_space<vmem>>, vector<16xf32>,
    %get3A_450 = arith.constant 80 : index
    %get3A_451 = tpu.vector_load %arg13[%get3A_450] {strides = array<i32>} : memref<512xf32, #tpu.memory_space<vmem>>, vector<16xf32>,
    %sub3A_452 = arith.subf %get3A_447, %get3A_451 : vector<16xf32>
    %gt3A_453 = arith.constant 0.000000e+00 : f32
    %gt3A_454 = vector.broadcast %gt3A_453 : f32 to vector<16xf32>
    %gt3A_455 = arith.cmpf ogt, %get3A_451, %gt3A_454 : vector<16xf32>
    %jit3A_456 = arith.constant 1.000000e+00 : f32
    %jit3A_457 = arith.constant 0.000000e+00 : f32
    %broadcast_in_dim3A_458 = vector.broadcast %jit3A_456 : f32 to vector<16xf32>
    %broadcast_in_dim3A_459 = vector.broadcast %jit3A_457 : f32 to vector<16xf32>
    %select_n3A_460 = arith.select %gt3A_455, %broadcast_in_dim3A_458, %broadcast_in_dim3A_459 : vector<16xi1>, vector<16xf32>
    %sub3A_461 = arith.subf %get3A_449, %select_n3A_460 : vector<16xf32>
    %gt3A_462 = arith.constant 0.000000e+00 : f32
    %gt3A_463 = vector.broadcast %gt3A_462 : f32 to vector<16xf32>
    %gt3A_464 = arith.cmpf ogt, %sub3A_461, %gt3A_463 : vector<16xf32>
    %div3A_465 = arith.divf %sub3A_452, %sub3A_461 : vector<16xf32>
    %jit3A_466 = arith.constant 0.000000e+00 : f32
    %broadcast_in_dim3A_467 = vector.broadcast %jit3A_466 : f32 to vector<16xf32>
    %select_n3A_468 = arith.select %gt3A_464, %div3A_465, %broadcast_in_dim3A_467 : vector<16xi1>, vector<16xf32>
    %swap3A_469 = arith.constant 80 : index
    %swap3A_470 = tpu.vector_load %arg14[%swap3A_469] {strides = array<i32>} : memref<512xf32, #tpu.memory_space<vmem>>, vector<16xf32>,
    tpu.vector_store %arg14[%swap3A_469], %select_n3A_468 {strides = array<i32>} : memref<512xf32, #tpu.memory_space<vmem>>, vector<16xf32>,
    %get3A_471 = arith.constant 96 : index
    %get3A_472 = tpu.vector_load %arg11[%get3A_471] {strides = array<i32>} : memref<512xf32, #tpu.memory_space<vmem>>, vector<16xf32>,
    %get3A_473 = arith.constant 96 : index
    %get3A_474 = tpu.vector_load %arg12[%get3A_473] {strides = array<i32>} : memref<512xf32, #tpu.memory_space<vmem>>, vector<16xf32>,
    %get3A_475 = arith.constant 96 : index
    %get3A_476 = tpu.vector_load %arg13[%get3A_475] {strides = array<i32>} : memref<512xf32, #tpu.memory_space<vmem>>, vector<16xf32>,
    %sub3A_477 = arith.subf %get3A_472, %get3A_476 : vector<16xf32>
    %gt3A_478 = arith.constant 0.000000e+00 : f32
    %gt3A_479 = vector.broadcast %gt3A_478 : f32 to vector<16xf32>
    %gt3A_480 = arith.cmpf ogt, %get3A_476, %gt3A_479 : vector<16xf32>
    %jit3A_481 = arith.constant 1.000000e+00 : f32
    %jit3A_482 = arith.constant 0.000000e+00 : f32
    %broadcast_in_dim3A_483 = vector.broadcast %jit3A_481 : f32 to vector<16xf32>
    %broadcast_in_dim3A_484 = vector.broadcast %jit3A_482 : f32 to vector<16xf32>
    %select_n3A_485 = arith.select %gt3A_480, %broadcast_in_dim3A_483, %broadcast_in_dim3A_484 : vector<16xi1>, vector<16xf32>
    %sub3A_486 = arith.subf %get3A_474, %select_n3A_485 : vector<16xf32>
    %gt3A_487 = arith.constant 0.000000e+00 : f32
    %gt3A_488 = vector.broadcast %gt3A_487 : f32 to vector<16xf32>
    %gt3A_489 = arith.cmpf ogt, %sub3A_486, %gt3A_488 : vector<16xf32>
    %div3A_490 = arith.divf %sub3A_477, %sub3A_486 : vector<16xf32>
    %jit3A_491 = arith.constant 0.000000e+00 : f32
    %broadcast_in_dim3A_492 = vector.broadcast %jit3A_491 : f32 to vector<16xf32>
    %select_n3A_493 = arith.select %gt3A_489, %div3A_490, %broadcast_in_dim3A_492 : vector<16xi1>, vector<16xf32>
    %swap3A_494 = arith.constant 96 : index
    %swap3A_495 = tpu.vector_load %arg14[%swap3A_494] {strides = array<i32>} : memref<512xf32, #tpu.memory_space<vmem>>, vector<16xf32>,
    tpu.vector_store %arg14[%swap3A_494], %select_n3A_493 {strides = array<i32>} : memref<512xf32, #tpu.memory_space<vmem>>, vector<16xf32>,
    %get3A_496 = arith.constant 112 : index
    %get3A_497 = tpu.vector_load %arg11[%get3A_496] {strides = array<i32>} : memref<512xf32, #tpu.memory_space<vmem>>, vector<16xf32>,
    %get3A_498 = arith.constant 112 : index
    %get3A_499 = tpu.vector_load %arg12[%get3A_498] {strides = array<i32>} : memref<512xf32, #tpu.memory_space<vmem>>, vector<16xf32>,
    %get3A_500 = arith.constant 112 : index
    %get3A_501 = tpu.vector_load %arg13[%get3A_500] {strides = array<i32>} : memref<512xf32, #tpu.memory_space<vmem>>, vector<16xf32>,
    %sub3A_502 = arith.subf %get3A_497, %get3A_501 : vector<16xf32>
    %gt3A_503 = arith.constant 0.000000e+00 : f32
    %gt3A_504 = vector.broadcast %gt3A_503 : f32 to vector<16xf32>
    %gt3A_505 = arith.cmpf ogt, %get3A_501, %gt3A_504 : vector<16xf32>
    %jit3A_506 = arith.constant 1.000000e+00 : f32
    %jit3A_507 = arith.constant 0.000000e+00 : f32
    %broadcast_in_dim3A_508 = vector.broadcast %jit3A_506 : f32 to vector<16xf32>
    %broadcast_in_dim3A_509 = vector.broadcast %jit3A_507 : f32 to vector<16xf32>
    %select_n3A_510 = arith.select %gt3A_505, %broadcast_in_dim3A_508, %broadcast_in_dim3A_509 : vector<16xi1>, vector<16xf32>
    %sub3A_511 = arith.subf %get3A_499, %select_n3A_510 : vector<16xf32>
    %gt3A_512 = arith.constant 0.000000e+00 : f32
    %gt3A_513 = vector.broadcast %gt3A_512 : f32 to vector<16xf32>
    %gt3A_514 = arith.cmpf ogt, %sub3A_511, %gt3A_513 : vector<16xf32>
    %div3A_515 = arith.divf %sub3A_502, %sub3A_511 : vector<16xf32>
    %jit3A_516 = arith.constant 0.000000e+00 : f32
    %broadcast_in_dim3A_517 = vector.broadcast %jit3A_516 : f32 to vector<16xf32>
    %select_n3A_518 = arith.select %gt3A_514, %div3A_515, %broadcast_in_dim3A_517 : vector<16xi1>, vector<16xf32>
    %swap3A_519 = arith.constant 112 : index
    %swap3A_520 = tpu.vector_load %arg14[%swap3A_519] {strides = array<i32>} : memref<512xf32, #tpu.memory_space<vmem>>, vector<16xf32>,
    tpu.vector_store %arg14[%swap3A_519], %select_n3A_518 {strides = array<i32>} : memref<512xf32, #tpu.memory_space<vmem>>, vector<16xf32>,
    %get3A_521 = arith.constant 128 : index
    %get3A_522 = tpu.vector_load %arg11[%get3A_521] {strides = array<i32>} : memref<512xf32, #tpu.memory_space<vmem>>, vector<16xf32>,
    %get3A_523 = arith.constant 128 : index
    %get3A_524 = tpu.vector_load %arg12[%get3A_523] {strides = array<i32>} : memref<512xf32, #tpu.memory_space<vmem>>, vector<16xf32>,
    %get3A_525 = arith.constant 128 : index
    %get3A_526 = tpu.vector_load %arg13[%get3A_525] {strides = array<i32>} : memref<512xf32, #tpu.memory_space<vmem>>, vector<16xf32>,
    %sub3A_527 = arith.subf %get3A_522, %get3A_526 : vector<16xf32>
    %gt3A_528 = arith.constant 0.000000e+00 : f32
    %gt3A_529 = vector.broadcast %gt3A_528 : f32 to vector<16xf32>
    %gt3A_530 = arith.cmpf ogt, %get3A_526, %gt3A_529 : vector<16xf32>
    %jit3A_531 = arith.constant 1.000000e+00 : f32
    %jit3A_532 = arith.constant 0.000000e+00 : f32
    %broadcast_in_dim3A_533 = vector.broadcast %jit3A_531 : f32 to vector<16xf32>
    %broadcast_in_dim3A_534 = vector.broadcast %jit3A_532 : f32 to vector<16xf32>
    %select_n3A_535 = arith.select %gt3A_530, %broadcast_in_dim3A_533, %broadcast_in_dim3A_534 : vector<16xi1>, vector<16xf32>
    %sub3A_536 = arith.subf %get3A_524, %select_n3A_535 : vector<16xf32>
    %gt3A_537 = arith.constant 0.000000e+00 : f32
    %gt3A_538 = vector.broadcast %gt3A_537 : f32 to vector<16xf32>
    %gt3A_539 = arith.cmpf ogt, %sub3A_536, %gt3A_538 : vector<16xf32>
    %div3A_540 = arith.divf %sub3A_527, %sub3A_536 : vector<16xf32>
    %jit3A_541 = arith.constant 0.000000e+00 : f32
    %broadcast_in_dim3A_542 = vector.broadcast %jit3A_541 : f32 to vector<16xf32>
    %select_n3A_543 = arith.select %gt3A_539, %div3A_540, %broadcast_in_dim3A_542 : vector<16xi1>, vector<16xf32>
    %swap3A_544 = arith.constant 128 : index
    %swap3A_545 = tpu.vector_load %arg14[%swap3A_544] {strides = array<i32>} : memref<512xf32, #tpu.memory_space<vmem>>, vector<16xf32>,
    tpu.vector_store %arg14[%swap3A_544], %select_n3A_543 {strides = array<i32>} : memref<512xf32, #tpu.memory_space<vmem>>, vector<16xf32>,
    %get3A_546 = arith.constant 144 : index
    %get3A_547 = tpu.vector_load %arg11[%get3A_546] {strides = array<i32>} : memref<512xf32, #tpu.memory_space<vmem>>, vector<16xf32>,
    %get3A_548 = arith.constant 144 : index
    %get3A_549 = tpu.vector_load %arg12[%get3A_548] {strides = array<i32>} : memref<512xf32, #tpu.memory_space<vmem>>, vector<16xf32>,
    %get3A_550 = arith.constant 144 : index
    %get3A_551 = tpu.vector_load %arg13[%get3A_550] {strides = array<i32>} : memref<512xf32, #tpu.memory_space<vmem>>, vector<16xf32>,
    %sub3A_552 = arith.subf %get3A_547, %get3A_551 : vector<16xf32>
    %gt3A_553 = arith.constant 0.000000e+00 : f32
    %gt3A_554 = vector.broadcast %gt3A_553 : f32 to vector<16xf32>
    %gt3A_555 = arith.cmpf ogt, %get3A_551, %gt3A_554 : vector<16xf32>
    %jit3A_556 = arith.constant 1.000000e+00 : f32
    %jit3A_557 = arith.constant 0.000000e+00 : f32
    %broadcast_in_dim3A_558 = vector.broadcast %jit3A_556 : f32 to vector<16xf32>
    %broadcast_in_dim3A_559 = vector.broadcast %jit3A_557 : f32 to vector<16xf32>
    %select_n3A_560 = arith.select %gt3A_555, %broadcast_in_dim3A_558, %broadcast_in_dim3A_559 : vector<16xi1>, vector<16xf32>
    %sub3A_561 = arith.subf %get3A_549, %select_n3A_560 : vector<16xf32>
    %gt3A_562 = arith.constant 0.000000e+00 : f32
    %gt3A_563 = vector.broadcast %gt3A_562 : f32 to vector<16xf32>
    %gt3A_564 = arith.cmpf ogt, %sub3A_561, %gt3A_563 : vector<16xf32>
    %div3A_565 = arith.divf %sub3A_552, %sub3A_561 : vector<16xf32>
    %jit3A_566 = arith.constant 0.000000e+00 : f32
    %broadcast_in_dim3A_567 = vector.broadcast %jit3A_566 : f32 to vector<16xf32>
    %select_n3A_568 = arith.select %gt3A_564, %div3A_565, %broadcast_in_dim3A_567 : vector<16xi1>, vector<16xf32>
    %swap3A_569 = arith.constant 144 : index
    %swap3A_570 = tpu.vector_load %arg14[%swap3A_569] {strides = array<i32>} : memref<512xf32, #tpu.memory_space<vmem>>, vector<16xf32>,
    tpu.vector_store %arg14[%swap3A_569], %select_n3A_568 {strides = array<i32>} : memref<512xf32, #tpu.memory_space<vmem>>, vector<16xf32>,
    %get3A_571 = arith.constant 160 : index
    %get3A_572 = tpu.vector_load %arg11[%get3A_571] {strides = array<i32>} : memref<512xf32, #tpu.memory_space<vmem>>, vector<16xf32>,
    %get3A_573 = arith.constant 160 : index
    %get3A_574 = tpu.vector_load %arg12[%get3A_573] {strides = array<i32>} : memref<512xf32, #tpu.memory_space<vmem>>, vector<16xf32>,
    %get3A_575 = arith.constant 160 : index
    %get3A_576 = tpu.vector_load %arg13[%get3A_575] {strides = array<i32>} : memref<512xf32, #tpu.memory_space<vmem>>, vector<16xf32>,
    %sub3A_577 = arith.subf %get3A_572, %get3A_576 : vector<16xf32>
    %gt3A_578 = arith.constant 0.000000e+00 : f32
    %gt3A_579 = vector.broadcast %gt3A_578 : f32 to vector<16xf32>
    %gt3A_580 = arith.cmpf ogt, %get3A_576, %gt3A_579 : vector<16xf32>
    %jit3A_581 = arith.constant 1.000000e+00 : f32
    %jit3A_582 = arith.constant 0.000000e+00 : f32
    %broadcast_in_dim3A_583 = vector.broadcast %jit3A_581 : f32 to vector<16xf32>
    %broadcast_in_dim3A_584 = vector.broadcast %jit3A_582 : f32 to vector<16xf32>
    %select_n3A_585 = arith.select %gt3A_580, %broadcast_in_dim3A_583, %broadcast_in_dim3A_584 : vector<16xi1>, vector<16xf32>
    %sub3A_586 = arith.subf %get3A_574, %select_n3A_585 : vector<16xf32>
    %gt3A_587 = arith.constant 0.000000e+00 : f32
    %gt3A_588 = vector.broadcast %gt3A_587 : f32 to vector<16xf32>
    %gt3A_589 = arith.cmpf ogt, %sub3A_586, %gt3A_588 : vector<16xf32>
    %div3A_590 = arith.divf %sub3A_577, %sub3A_586 : vector<16xf32>
    %jit3A_591 = arith.constant 0.000000e+00 : f32
    %broadcast_in_dim3A_592 = vector.broadcast %jit3A_591 : f32 to vector<16xf32>
    %select_n3A_593 = arith.select %gt3A_589, %div3A_590, %broadcast_in_dim3A_592 : vector<16xi1>, vector<16xf32>
    %swap3A_594 = arith.constant 160 : index
    %swap3A_595 = tpu.vector_load %arg14[%swap3A_594] {strides = array<i32>} : memref<512xf32, #tpu.memory_space<vmem>>, vector<16xf32>,
    tpu.vector_store %arg14[%swap3A_594], %select_n3A_593 {strides = array<i32>} : memref<512xf32, #tpu.memory_space<vmem>>, vector<16xf32>,
    %get3A_596 = arith.constant 176 : index
    %get3A_597 = tpu.vector_load %arg11[%get3A_596] {strides = array<i32>} : memref<512xf32, #tpu.memory_space<vmem>>, vector<16xf32>,
    %get3A_598 = arith.constant 176 : index
    %get3A_599 = tpu.vector_load %arg12[%get3A_598] {strides = array<i32>} : memref<512xf32, #tpu.memory_space<vmem>>, vector<16xf32>,
    %get3A_600 = arith.constant 176 : index
    %get3A_601 = tpu.vector_load %arg13[%get3A_600] {strides = array<i32>} : memref<512xf32, #tpu.memory_space<vmem>>, vector<16xf32>,
    %sub3A_602 = arith.subf %get3A_597, %get3A_601 : vector<16xf32>
    %gt3A_603 = arith.constant 0.000000e+00 : f32
    %gt3A_604 = vector.broadcast %gt3A_603 : f32 to vector<16xf32>
    %gt3A_605 = arith.cmpf ogt, %get3A_601, %gt3A_604 : vector<16xf32>
    %jit3A_606 = arith.constant 1.000000e+00 : f32
    %jit3A_607 = arith.constant 0.000000e+00 : f32
    %broadcast_in_dim3A_608 = vector.broadcast %jit3A_606 : f32 to vector<16xf32>
    %broadcast_in_dim3A_609 = vector.broadcast %jit3A_607 : f32 to vector<16xf32>
    %select_n3A_610 = arith.select %gt3A_605, %broadcast_in_dim3A_608, %broadcast_in_dim3A_609 : vector<16xi1>, vector<16xf32>
    %sub3A_611 = arith.subf %get3A_599, %select_n3A_610 : vector<16xf32>
    %gt3A_612 = arith.constant 0.000000e+00 : f32
    %gt3A_613 = vector.broadcast %gt3A_612 : f32 to vector<16xf32>
    %gt3A_614 = arith.cmpf ogt, %sub3A_611, %gt3A_613 : vector<16xf32>
    %div3A_615 = arith.divf %sub3A_602, %sub3A_611 : vector<16xf32>
    %jit3A_616 = arith.constant 0.000000e+00 : f32
    %broadcast_in_dim3A_617 = vector.broadcast %jit3A_616 : f32 to vector<16xf32>
    %select_n3A_618 = arith.select %gt3A_614, %div3A_615, %broadcast_in_dim3A_617 : vector<16xi1>, vector<16xf32>
    %swap3A_619 = arith.constant 176 : index
    %swap3A_620 = tpu.vector_load %arg14[%swap3A_619] {strides = array<i32>} : memref<512xf32, #tpu.memory_space<vmem>>, vector<16xf32>,
    tpu.vector_store %arg14[%swap3A_619], %select_n3A_618 {strides = array<i32>} : memref<512xf32, #tpu.memory_space<vmem>>, vector<16xf32>,
    %get3A_621 = arith.constant 192 : index
    %get3A_622 = tpu.vector_load %arg11[%get3A_621] {strides = array<i32>} : memref<512xf32, #tpu.memory_space<vmem>>, vector<16xf32>,
    %get3A_623 = arith.constant 192 : index
    %get3A_624 = tpu.vector_load %arg12[%get3A_623] {strides = array<i32>} : memref<512xf32, #tpu.memory_space<vmem>>, vector<16xf32>,
    %get3A_625 = arith.constant 192 : index
    %get3A_626 = tpu.vector_load %arg13[%get3A_625] {strides = array<i32>} : memref<512xf32, #tpu.memory_space<vmem>>, vector<16xf32>,
    %sub3A_627 = arith.subf %get3A_622, %get3A_626 : vector<16xf32>
    %gt3A_628 = arith.constant 0.000000e+00 : f32
    %gt3A_629 = vector.broadcast %gt3A_628 : f32 to vector<16xf32>
    %gt3A_630 = arith.cmpf ogt, %get3A_626, %gt3A_629 : vector<16xf32>
    %jit3A_631 = arith.constant 1.000000e+00 : f32
    %jit3A_632 = arith.constant 0.000000e+00 : f32
    %broadcast_in_dim3A_633 = vector.broadcast %jit3A_631 : f32 to vector<16xf32>
    %broadcast_in_dim3A_634 = vector.broadcast %jit3A_632 : f32 to vector<16xf32>
    %select_n3A_635 = arith.select %gt3A_630, %broadcast_in_dim3A_633, %broadcast_in_dim3A_634 : vector<16xi1>, vector<16xf32>
    %sub3A_636 = arith.subf %get3A_624, %select_n3A_635 : vector<16xf32>
    %gt3A_637 = arith.constant 0.000000e+00 : f32
    %gt3A_638 = vector.broadcast %gt3A_637 : f32 to vector<16xf32>
    %gt3A_639 = arith.cmpf ogt, %sub3A_636, %gt3A_638 : vector<16xf32>
    %div3A_640 = arith.divf %sub3A_627, %sub3A_636 : vector<16xf32>
    %jit3A_641 = arith.constant 0.000000e+00 : f32
    %broadcast_in_dim3A_642 = vector.broadcast %jit3A_641 : f32 to vector<16xf32>
    %select_n3A_643 = arith.select %gt3A_639, %div3A_640, %broadcast_in_dim3A_642 : vector<16xi1>, vector<16xf32>
    %swap3A_644 = arith.constant 192 : index
    %swap3A_645 = tpu.vector_load %arg14[%swap3A_644] {strides = array<i32>} : memref<512xf32, #tpu.memory_space<vmem>>, vector<16xf32>,
    tpu.vector_store %arg14[%swap3A_644], %select_n3A_643 {strides = array<i32>} : memref<512xf32, #tpu.memory_space<vmem>>, vector<16xf32>,
    %get3A_646 = arith.constant 208 : index
    %get3A_647 = tpu.vector_load %arg11[%get3A_646] {strides = array<i32>} : memref<512xf32, #tpu.memory_space<vmem>>, vector<16xf32>,
    %get3A_648 = arith.constant 208 : index
    %get3A_649 = tpu.vector_load %arg12[%get3A_648] {strides = array<i32>} : memref<512xf32, #tpu.memory_space<vmem>>, vector<16xf32>,
    %get3A_650 = arith.constant 208 : index
    %get3A_651 = tpu.vector_load %arg13[%get3A_650] {strides = array<i32>} : memref<512xf32, #tpu.memory_space<vmem>>, vector<16xf32>,
    %sub3A_652 = arith.subf %get3A_647, %get3A_651 : vector<16xf32>
    %gt3A_653 = arith.constant 0.000000e+00 : f32
    %gt3A_654 = vector.broadcast %gt3A_653 : f32 to vector<16xf32>
    %gt3A_655 = arith.cmpf ogt, %get3A_651, %gt3A_654 : vector<16xf32>
    %jit3A_656 = arith.constant 1.000000e+00 : f32
    %jit3A_657 = arith.constant 0.000000e+00 : f32
    %broadcast_in_dim3A_658 = vector.broadcast %jit3A_656 : f32 to vector<16xf32>
    %broadcast_in_dim3A_659 = vector.broadcast %jit3A_657 : f32 to vector<16xf32>
    %select_n3A_660 = arith.select %gt3A_655, %broadcast_in_dim3A_658, %broadcast_in_dim3A_659 : vector<16xi1>, vector<16xf32>
    %sub3A_661 = arith.subf %get3A_649, %select_n3A_660 : vector<16xf32>
    %gt3A_662 = arith.constant 0.000000e+00 : f32
    %gt3A_663 = vector.broadcast %gt3A_662 : f32 to vector<16xf32>
    %gt3A_664 = arith.cmpf ogt, %sub3A_661, %gt3A_663 : vector<16xf32>
    %div3A_665 = arith.divf %sub3A_652, %sub3A_661 : vector<16xf32>
    %jit3A_666 = arith.constant 0.000000e+00 : f32
    %broadcast_in_dim3A_667 = vector.broadcast %jit3A_666 : f32 to vector<16xf32>
    %select_n3A_668 = arith.select %gt3A_664, %div3A_665, %broadcast_in_dim3A_667 : vector<16xi1>, vector<16xf32>
    %swap3A_669 = arith.constant 208 : index
    %swap3A_670 = tpu.vector_load %arg14[%swap3A_669] {strides = array<i32>} : memref<512xf32, #tpu.memory_space<vmem>>, vector<16xf32>,
    tpu.vector_store %arg14[%swap3A_669], %select_n3A_668 {strides = array<i32>} : memref<512xf32, #tpu.memory_space<vmem>>, vector<16xf32>,
    %get3A_671 = arith.constant 224 : index
    %get3A_672 = tpu.vector_load %arg11[%get3A_671] {strides = array<i32>} : memref<512xf32, #tpu.memory_space<vmem>>, vector<16xf32>,
    %get3A_673 = arith.constant 224 : index
    %get3A_674 = tpu.vector_load %arg12[%get3A_673] {strides = array<i32>} : memref<512xf32, #tpu.memory_space<vmem>>, vector<16xf32>,
    %get3A_675 = arith.constant 224 : index
    %get3A_676 = tpu.vector_load %arg13[%get3A_675] {strides = array<i32>} : memref<512xf32, #tpu.memory_space<vmem>>, vector<16xf32>,
    %sub3A_677 = arith.subf %get3A_672, %get3A_676 : vector<16xf32>
    %gt3A_678 = arith.constant 0.000000e+00 : f32
    %gt3A_679 = vector.broadcast %gt3A_678 : f32 to vector<16xf32>
    %gt3A_680 = arith.cmpf ogt, %get3A_676, %gt3A_679 : vector<16xf32>
    %jit3A_681 = arith.constant 1.000000e+00 : f32
    %jit3A_682 = arith.constant 0.000000e+00 : f32
    %broadcast_in_dim3A_683 = vector.broadcast %jit3A_681 : f32 to vector<16xf32>
    %broadcast_in_dim3A_684 = vector.broadcast %jit3A_682 : f32 to vector<16xf32>
    %select_n3A_685 = arith.select %gt3A_680, %broadcast_in_dim3A_683, %broadcast_in_dim3A_684 : vector<16xi1>, vector<16xf32>
    %sub3A_686 = arith.subf %get3A_674, %select_n3A_685 : vector<16xf32>
    %gt3A_687 = arith.constant 0.000000e+00 : f32
    %gt3A_688 = vector.broadcast %gt3A_687 : f32 to vector<16xf32>
    %gt3A_689 = arith.cmpf ogt, %sub3A_686, %gt3A_688 : vector<16xf32>
    %div3A_690 = arith.divf %sub3A_677, %sub3A_686 : vector<16xf32>
    %jit3A_691 = arith.constant 0.000000e+00 : f32
    %broadcast_in_dim3A_692 = vector.broadcast %jit3A_691 : f32 to vector<16xf32>
    %select_n3A_693 = arith.select %gt3A_689, %div3A_690, %broadcast_in_dim3A_692 : vector<16xi1>, vector<16xf32>
    %swap3A_694 = arith.constant 224 : index
    %swap3A_695 = tpu.vector_load %arg14[%swap3A_694] {strides = array<i32>} : memref<512xf32, #tpu.memory_space<vmem>>, vector<16xf32>,
    tpu.vector_store %arg14[%swap3A_694], %select_n3A_693 {strides = array<i32>} : memref<512xf32, #tpu.memory_space<vmem>>, vector<16xf32>,
    %get3A_696 = arith.constant 240 : index
    %get3A_697 = tpu.vector_load %arg11[%get3A_696] {strides = array<i32>} : memref<512xf32, #tpu.memory_space<vmem>>, vector<16xf32>,
    %get3A_698 = arith.constant 240 : index
    %get3A_699 = tpu.vector_load %arg12[%get3A_698] {strides = array<i32>} : memref<512xf32, #tpu.memory_space<vmem>>, vector<16xf32>,
    %get3A_700 = arith.constant 240 : index
    %get3A_701 = tpu.vector_load %arg13[%get3A_700] {strides = array<i32>} : memref<512xf32, #tpu.memory_space<vmem>>, vector<16xf32>,
    %sub3A_702 = arith.subf %get3A_697, %get3A_701 : vector<16xf32>
    %gt3A_703 = arith.constant 0.000000e+00 : f32
    %gt3A_704 = vector.broadcast %gt3A_703 : f32 to vector<16xf32>
    %gt3A_705 = arith.cmpf ogt, %get3A_701, %gt3A_704 : vector<16xf32>
    %jit3A_706 = arith.constant 1.000000e+00 : f32
    %jit3A_707 = arith.constant 0.000000e+00 : f32
    %broadcast_in_dim3A_708 = vector.broadcast %jit3A_706 : f32 to vector<16xf32>
    %broadcast_in_dim3A_709 = vector.broadcast %jit3A_707 : f32 to vector<16xf32>
    %select_n3A_710 = arith.select %gt3A_705, %broadcast_in_dim3A_708, %broadcast_in_dim3A_709 : vector<16xi1>, vector<16xf32>
    %sub3A_711 = arith.subf %get3A_699, %select_n3A_710 : vector<16xf32>
    %gt3A_712 = arith.constant 0.000000e+00 : f32
    %gt3A_713 = vector.broadcast %gt3A_712 : f32 to vector<16xf32>
    %gt3A_714 = arith.cmpf ogt, %sub3A_711, %gt3A_713 : vector<16xf32>
    %div3A_715 = arith.divf %sub3A_702, %sub3A_711 : vector<16xf32>
    %jit3A_716 = arith.constant 0.000000e+00 : f32
    %broadcast_in_dim3A_717 = vector.broadcast %jit3A_716 : f32 to vector<16xf32>
    %select_n3A_718 = arith.select %gt3A_714, %div3A_715, %broadcast_in_dim3A_717 : vector<16xi1>, vector<16xf32>
    %swap3A_719 = arith.constant 240 : index
    %swap3A_720 = tpu.vector_load %arg14[%swap3A_719] {strides = array<i32>} : memref<512xf32, #tpu.memory_space<vmem>>, vector<16xf32>,
    tpu.vector_store %arg14[%swap3A_719], %select_n3A_718 {strides = array<i32>} : memref<512xf32, #tpu.memory_space<vmem>>, vector<16xf32>,
    %get3A_721 = arith.constant 256 : index
    %get3A_722 = tpu.vector_load %arg11[%get3A_721] {strides = array<i32>} : memref<512xf32, #tpu.memory_space<vmem>>, vector<16xf32>,
    %get3A_723 = arith.constant 256 : index
    %get3A_724 = tpu.vector_load %arg12[%get3A_723] {strides = array<i32>} : memref<512xf32, #tpu.memory_space<vmem>>, vector<16xf32>,
    %get3A_725 = arith.constant 256 : index
    %get3A_726 = tpu.vector_load %arg13[%get3A_725] {strides = array<i32>} : memref<512xf32, #tpu.memory_space<vmem>>, vector<16xf32>,
    %sub3A_727 = arith.subf %get3A_722, %get3A_726 : vector<16xf32>
    %gt3A_728 = arith.constant 0.000000e+00 : f32
    %gt3A_729 = vector.broadcast %gt3A_728 : f32 to vector<16xf32>
    %gt3A_730 = arith.cmpf ogt, %get3A_726, %gt3A_729 : vector<16xf32>
    %jit3A_731 = arith.constant 1.000000e+00 : f32
    %jit3A_732 = arith.constant 0.000000e+00 : f32
    %broadcast_in_dim3A_733 = vector.broadcast %jit3A_731 : f32 to vector<16xf32>
    %broadcast_in_dim3A_734 = vector.broadcast %jit3A_732 : f32 to vector<16xf32>
    %select_n3A_735 = arith.select %gt3A_730, %broadcast_in_dim3A_733, %broadcast_in_dim3A_734 : vector<16xi1>, vector<16xf32>
    %sub3A_736 = arith.subf %get3A_724, %select_n3A_735 : vector<16xf32>
    %gt3A_737 = arith.constant 0.000000e+00 : f32
    %gt3A_738 = vector.broadcast %gt3A_737 : f32 to vector<16xf32>
    %gt3A_739 = arith.cmpf ogt, %sub3A_736, %gt3A_738 : vector<16xf32>
    %div3A_740 = arith.divf %sub3A_727, %sub3A_736 : vector<16xf32>
    %jit3A_741 = arith.constant 0.000000e+00 : f32
    %broadcast_in_dim3A_742 = vector.broadcast %jit3A_741 : f32 to vector<16xf32>
    %select_n3A_743 = arith.select %gt3A_739, %div3A_740, %broadcast_in_dim3A_742 : vector<16xi1>, vector<16xf32>
    %swap3A_744 = arith.constant 256 : index
    %swap3A_745 = tpu.vector_load %arg14[%swap3A_744] {strides = array<i32>} : memref<512xf32, #tpu.memory_space<vmem>>, vector<16xf32>,
    tpu.vector_store %arg14[%swap3A_744], %select_n3A_743 {strides = array<i32>} : memref<512xf32, #tpu.memory_space<vmem>>, vector<16xf32>,
    %get3A_746 = arith.constant 272 : index
    %get3A_747 = tpu.vector_load %arg11[%get3A_746] {strides = array<i32>} : memref<512xf32, #tpu.memory_space<vmem>>, vector<16xf32>,
    %get3A_748 = arith.constant 272 : index
    %get3A_749 = tpu.vector_load %arg12[%get3A_748] {strides = array<i32>} : memref<512xf32, #tpu.memory_space<vmem>>, vector<16xf32>,
    %get3A_750 = arith.constant 272 : index
    %get3A_751 = tpu.vector_load %arg13[%get3A_750] {strides = array<i32>} : memref<512xf32, #tpu.memory_space<vmem>>, vector<16xf32>,
    %sub3A_752 = arith.subf %get3A_747, %get3A_751 : vector<16xf32>
    %gt3A_753 = arith.constant 0.000000e+00 : f32
    %gt3A_754 = vector.broadcast %gt3A_753 : f32 to vector<16xf32>
    %gt3A_755 = arith.cmpf ogt, %get3A_751, %gt3A_754 : vector<16xf32>
    %jit3A_756 = arith.constant 1.000000e+00 : f32
    %jit3A_757 = arith.constant 0.000000e+00 : f32
    %broadcast_in_dim3A_758 = vector.broadcast %jit3A_756 : f32 to vector<16xf32>
    %broadcast_in_dim3A_759 = vector.broadcast %jit3A_757 : f32 to vector<16xf32>
    %select_n3A_760 = arith.select %gt3A_755, %broadcast_in_dim3A_758, %broadcast_in_dim3A_759 : vector<16xi1>, vector<16xf32>
    %sub3A_761 = arith.subf %get3A_749, %select_n3A_760 : vector<16xf32>
    %gt3A_762 = arith.constant 0.000000e+00 : f32
    %gt3A_763 = vector.broadcast %gt3A_762 : f32 to vector<16xf32>
    %gt3A_764 = arith.cmpf ogt, %sub3A_761, %gt3A_763 : vector<16xf32>
    %div3A_765 = arith.divf %sub3A_752, %sub3A_761 : vector<16xf32>
    %jit3A_766 = arith.constant 0.000000e+00 : f32
    %broadcast_in_dim3A_767 = vector.broadcast %jit3A_766 : f32 to vector<16xf32>
    %select_n3A_768 = arith.select %gt3A_764, %div3A_765, %broadcast_in_dim3A_767 : vector<16xi1>, vector<16xf32>
    %swap3A_769 = arith.constant 272 : index
    %swap3A_770 = tpu.vector_load %arg14[%swap3A_769] {strides = array<i32>} : memref<512xf32, #tpu.memory_space<vmem>>, vector<16xf32>,
    tpu.vector_store %arg14[%swap3A_769], %select_n3A_768 {strides = array<i32>} : memref<512xf32, #tpu.memory_space<vmem>>, vector<16xf32>,
    %get3A_771 = arith.constant 288 : index
    %get3A_772 = tpu.vector_load %arg11[%get3A_771] {strides = array<i32>} : memref<512xf32, #tpu.memory_space<vmem>>, vector<16xf32>,
    %get3A_773 = arith.constant 288 : index
    %get3A_774 = tpu.vector_load %arg12[%get3A_773] {strides = array<i32>} : memref<512xf32, #tpu.memory_space<vmem>>, vector<16xf32>,
    %get3A_775 = arith.constant 288 : index
    %get3A_776 = tpu.vector_load %arg13[%get3A_775] {strides = array<i32>} : memref<512xf32, #tpu.memory_space<vmem>>, vector<16xf32>,
    %sub3A_777 = arith.subf %get3A_772, %get3A_776 : vector<16xf32>
    %gt3A_778 = arith.constant 0.000000e+00 : f32
    %gt3A_779 = vector.broadcast %gt3A_778 : f32 to vector<16xf32>
    %gt3A_780 = arith.cmpf ogt, %get3A_776, %gt3A_779 : vector<16xf32>
    %jit3A_781 = arith.constant 1.000000e+00 : f32
    %jit3A_782 = arith.constant 0.000000e+00 : f32
    %broadcast_in_dim3A_783 = vector.broadcast %jit3A_781 : f32 to vector<16xf32>
    %broadcast_in_dim3A_784 = vector.broadcast %jit3A_782 : f32 to vector<16xf32>
    %select_n3A_785 = arith.select %gt3A_780, %broadcast_in_dim3A_783, %broadcast_in_dim3A_784 : vector<16xi1>, vector<16xf32>
    %sub3A_786 = arith.subf %get3A_774, %select_n3A_785 : vector<16xf32>
    %gt3A_787 = arith.constant 0.000000e+00 : f32
    %gt3A_788 = vector.broadcast %gt3A_787 : f32 to vector<16xf32>
    %gt3A_789 = arith.cmpf ogt, %sub3A_786, %gt3A_788 : vector<16xf32>
    %div3A_790 = arith.divf %sub3A_777, %sub3A_786 : vector<16xf32>
    %jit3A_791 = arith.constant 0.000000e+00 : f32
    %broadcast_in_dim3A_792 = vector.broadcast %jit3A_791 : f32 to vector<16xf32>
    %select_n3A_793 = arith.select %gt3A_789, %div3A_790, %broadcast_in_dim3A_792 : vector<16xi1>, vector<16xf32>
    %swap3A_794 = arith.constant 288 : index
    %swap3A_795 = tpu.vector_load %arg14[%swap3A_794] {strides = array<i32>} : memref<512xf32, #tpu.memory_space<vmem>>, vector<16xf32>,
    tpu.vector_store %arg14[%swap3A_794], %select_n3A_793 {strides = array<i32>} : memref<512xf32, #tpu.memory_space<vmem>>, vector<16xf32>,
    %get3A_796 = arith.constant 304 : index
    %get3A_797 = tpu.vector_load %arg11[%get3A_796] {strides = array<i32>} : memref<512xf32, #tpu.memory_space<vmem>>, vector<16xf32>,
    %get3A_798 = arith.constant 304 : index
    %get3A_799 = tpu.vector_load %arg12[%get3A_798] {strides = array<i32>} : memref<512xf32, #tpu.memory_space<vmem>>, vector<16xf32>,
    %get3A_800 = arith.constant 304 : index
    %get3A_801 = tpu.vector_load %arg13[%get3A_800] {strides = array<i32>} : memref<512xf32, #tpu.memory_space<vmem>>, vector<16xf32>,
    %sub3A_802 = arith.subf %get3A_797, %get3A_801 : vector<16xf32>
    %gt3A_803 = arith.constant 0.000000e+00 : f32
    %gt3A_804 = vector.broadcast %gt3A_803 : f32 to vector<16xf32>
    %gt3A_805 = arith.cmpf ogt, %get3A_801, %gt3A_804 : vector<16xf32>
    %jit3A_806 = arith.constant 1.000000e+00 : f32
    %jit3A_807 = arith.constant 0.000000e+00 : f32
    %broadcast_in_dim3A_808 = vector.broadcast %jit3A_806 : f32 to vector<16xf32>
    %broadcast_in_dim3A_809 = vector.broadcast %jit3A_807 : f32 to vector<16xf32>
    %select_n3A_810 = arith.select %gt3A_805, %broadcast_in_dim3A_808, %broadcast_in_dim3A_809 : vector<16xi1>, vector<16xf32>
    %sub3A_811 = arith.subf %get3A_799, %select_n3A_810 : vector<16xf32>
    %gt3A_812 = arith.constant 0.000000e+00 : f32
    %gt3A_813 = vector.broadcast %gt3A_812 : f32 to vector<16xf32>
    %gt3A_814 = arith.cmpf ogt, %sub3A_811, %gt3A_813 : vector<16xf32>
    %div3A_815 = arith.divf %sub3A_802, %sub3A_811 : vector<16xf32>
    %jit3A_816 = arith.constant 0.000000e+00 : f32
    %broadcast_in_dim3A_817 = vector.broadcast %jit3A_816 : f32 to vector<16xf32>
    %select_n3A_818 = arith.select %gt3A_814, %div3A_815, %broadcast_in_dim3A_817 : vector<16xi1>, vector<16xf32>
    %swap3A_819 = arith.constant 304 : index
    %swap3A_820 = tpu.vector_load %arg14[%swap3A_819] {strides = array<i32>} : memref<512xf32, #tpu.memory_space<vmem>>, vector<16xf32>,
    tpu.vector_store %arg14[%swap3A_819], %select_n3A_818 {strides = array<i32>} : memref<512xf32, #tpu.memory_space<vmem>>, vector<16xf32>,
    %get3A_821 = arith.constant 320 : index
    %get3A_822 = tpu.vector_load %arg11[%get3A_821] {strides = array<i32>} : memref<512xf32, #tpu.memory_space<vmem>>, vector<16xf32>,
    %get3A_823 = arith.constant 320 : index
    %get3A_824 = tpu.vector_load %arg12[%get3A_823] {strides = array<i32>} : memref<512xf32, #tpu.memory_space<vmem>>, vector<16xf32>,
    %get3A_825 = arith.constant 320 : index
    %get3A_826 = tpu.vector_load %arg13[%get3A_825] {strides = array<i32>} : memref<512xf32, #tpu.memory_space<vmem>>, vector<16xf32>,
    %sub3A_827 = arith.subf %get3A_822, %get3A_826 : vector<16xf32>
    %gt3A_828 = arith.constant 0.000000e+00 : f32
    %gt3A_829 = vector.broadcast %gt3A_828 : f32 to vector<16xf32>
    %gt3A_830 = arith.cmpf ogt, %get3A_826, %gt3A_829 : vector<16xf32>
    %jit3A_831 = arith.constant 1.000000e+00 : f32
    %jit3A_832 = arith.constant 0.000000e+00 : f32
    %broadcast_in_dim3A_833 = vector.broadcast %jit3A_831 : f32 to vector<16xf32>
    %broadcast_in_dim3A_834 = vector.broadcast %jit3A_832 : f32 to vector<16xf32>
    %select_n3A_835 = arith.select %gt3A_830, %broadcast_in_dim3A_833, %broadcast_in_dim3A_834 : vector<16xi1>, vector<16xf32>
    %sub3A_836 = arith.subf %get3A_824, %select_n3A_835 : vector<16xf32>
    %gt3A_837 = arith.constant 0.000000e+00 : f32
    %gt3A_838 = vector.broadcast %gt3A_837 : f32 to vector<16xf32>
    %gt3A_839 = arith.cmpf ogt, %sub3A_836, %gt3A_838 : vector<16xf32>
    %div3A_840 = arith.divf %sub3A_827, %sub3A_836 : vector<16xf32>
    %jit3A_841 = arith.constant 0.000000e+00 : f32
    %broadcast_in_dim3A_842 = vector.broadcast %jit3A_841 : f32 to vector<16xf32>
    %select_n3A_843 = arith.select %gt3A_839, %div3A_840, %broadcast_in_dim3A_842 : vector<16xi1>, vector<16xf32>
    %swap3A_844 = arith.constant 320 : index
    %swap3A_845 = tpu.vector_load %arg14[%swap3A_844] {strides = array<i32>} : memref<512xf32, #tpu.memory_space<vmem>>, vector<16xf32>,
    tpu.vector_store %arg14[%swap3A_844], %select_n3A_843 {strides = array<i32>} : memref<512xf32, #tpu.memory_space<vmem>>, vector<16xf32>,
    %get3A_846 = arith.constant 336 : index
    %get3A_847 = tpu.vector_load %arg11[%get3A_846] {strides = array<i32>} : memref<512xf32, #tpu.memory_space<vmem>>, vector<16xf32>,
    %get3A_848 = arith.constant 336 : index
    %get3A_849 = tpu.vector_load %arg12[%get3A_848] {strides = array<i32>} : memref<512xf32, #tpu.memory_space<vmem>>, vector<16xf32>,
    %get3A_850 = arith.constant 336 : index
    %get3A_851 = tpu.vector_load %arg13[%get3A_850] {strides = array<i32>} : memref<512xf32, #tpu.memory_space<vmem>>, vector<16xf32>,
    %sub3A_852 = arith.subf %get3A_847, %get3A_851 : vector<16xf32>
    %gt3A_853 = arith.constant 0.000000e+00 : f32
    %gt3A_854 = vector.broadcast %gt3A_853 : f32 to vector<16xf32>
    %gt3A_855 = arith.cmpf ogt, %get3A_851, %gt3A_854 : vector<16xf32>
    %jit3A_856 = arith.constant 1.000000e+00 : f32
    %jit3A_857 = arith.constant 0.000000e+00 : f32
    %broadcast_in_dim3A_858 = vector.broadcast %jit3A_856 : f32 to vector<16xf32>
    %broadcast_in_dim3A_859 = vector.broadcast %jit3A_857 : f32 to vector<16xf32>
    %select_n3A_860 = arith.select %gt3A_855, %broadcast_in_dim3A_858, %broadcast_in_dim3A_859 : vector<16xi1>, vector<16xf32>
    %sub3A_861 = arith.subf %get3A_849, %select_n3A_860 : vector<16xf32>
    %gt3A_862 = arith.constant 0.000000e+00 : f32
    %gt3A_863 = vector.broadcast %gt3A_862 : f32 to vector<16xf32>
    %gt3A_864 = arith.cmpf ogt, %sub3A_861, %gt3A_863 : vector<16xf32>
    %div3A_865 = arith.divf %sub3A_852, %sub3A_861 : vector<16xf32>
    %jit3A_866 = arith.constant 0.000000e+00 : f32
    %broadcast_in_dim3A_867 = vector.broadcast %jit3A_866 : f32 to vector<16xf32>
    %select_n3A_868 = arith.select %gt3A_864, %div3A_865, %broadcast_in_dim3A_867 : vector<16xi1>, vector<16xf32>
    %swap3A_869 = arith.constant 336 : index
    %swap3A_870 = tpu.vector_load %arg14[%swap3A_869] {strides = array<i32>} : memref<512xf32, #tpu.memory_space<vmem>>, vector<16xf32>,
    tpu.vector_store %arg14[%swap3A_869], %select_n3A_868 {strides = array<i32>} : memref<512xf32, #tpu.memory_space<vmem>>, vector<16xf32>,
    %get3A_871 = arith.constant 352 : index
    %get3A_872 = tpu.vector_load %arg11[%get3A_871] {strides = array<i32>} : memref<512xf32, #tpu.memory_space<vmem>>, vector<16xf32>,
    %get3A_873 = arith.constant 352 : index
    %get3A_874 = tpu.vector_load %arg12[%get3A_873] {strides = array<i32>} : memref<512xf32, #tpu.memory_space<vmem>>, vector<16xf32>,
    %get3A_875 = arith.constant 352 : index
    %get3A_876 = tpu.vector_load %arg13[%get3A_875] {strides = array<i32>} : memref<512xf32, #tpu.memory_space<vmem>>, vector<16xf32>,
    %sub3A_877 = arith.subf %get3A_872, %get3A_876 : vector<16xf32>
    %gt3A_878 = arith.constant 0.000000e+00 : f32
    %gt3A_879 = vector.broadcast %gt3A_878 : f32 to vector<16xf32>
    %gt3A_880 = arith.cmpf ogt, %get3A_876, %gt3A_879 : vector<16xf32>
    %jit3A_881 = arith.constant 1.000000e+00 : f32
    %jit3A_882 = arith.constant 0.000000e+00 : f32
    %broadcast_in_dim3A_883 = vector.broadcast %jit3A_881 : f32 to vector<16xf32>
    %broadcast_in_dim3A_884 = vector.broadcast %jit3A_882 : f32 to vector<16xf32>
    %select_n3A_885 = arith.select %gt3A_880, %broadcast_in_dim3A_883, %broadcast_in_dim3A_884 : vector<16xi1>, vector<16xf32>
    %sub3A_886 = arith.subf %get3A_874, %select_n3A_885 : vector<16xf32>
    %gt3A_887 = arith.constant 0.000000e+00 : f32
    %gt3A_888 = vector.broadcast %gt3A_887 : f32 to vector<16xf32>
    %gt3A_889 = arith.cmpf ogt, %sub3A_886, %gt3A_888 : vector<16xf32>
    %div3A_890 = arith.divf %sub3A_877, %sub3A_886 : vector<16xf32>
    %jit3A_891 = arith.constant 0.000000e+00 : f32
    %broadcast_in_dim3A_892 = vector.broadcast %jit3A_891 : f32 to vector<16xf32>
    %select_n3A_893 = arith.select %gt3A_889, %div3A_890, %broadcast_in_dim3A_892 : vector<16xi1>, vector<16xf32>
    %swap3A_894 = arith.constant 352 : index
    %swap3A_895 = tpu.vector_load %arg14[%swap3A_894] {strides = array<i32>} : memref<512xf32, #tpu.memory_space<vmem>>, vector<16xf32>,
    tpu.vector_store %arg14[%swap3A_894], %select_n3A_893 {strides = array<i32>} : memref<512xf32, #tpu.memory_space<vmem>>, vector<16xf32>,
    %get3A_896 = arith.constant 368 : index
    %get3A_897 = tpu.vector_load %arg11[%get3A_896] {strides = array<i32>} : memref<512xf32, #tpu.memory_space<vmem>>, vector<16xf32>,
    %get3A_898 = arith.constant 368 : index
    %get3A_899 = tpu.vector_load %arg12[%get3A_898] {strides = array<i32>} : memref<512xf32, #tpu.memory_space<vmem>>, vector<16xf32>,
    %get3A_900 = arith.constant 368 : index
    %get3A_901 = tpu.vector_load %arg13[%get3A_900] {strides = array<i32>} : memref<512xf32, #tpu.memory_space<vmem>>, vector<16xf32>,
    %sub3A_902 = arith.subf %get3A_897, %get3A_901 : vector<16xf32>
    %gt3A_903 = arith.constant 0.000000e+00 : f32
    %gt3A_904 = vector.broadcast %gt3A_903 : f32 to vector<16xf32>
    %gt3A_905 = arith.cmpf ogt, %get3A_901, %gt3A_904 : vector<16xf32>
    %jit3A_906 = arith.constant 1.000000e+00 : f32
    %jit3A_907 = arith.constant 0.000000e+00 : f32
    %broadcast_in_dim3A_908 = vector.broadcast %jit3A_906 : f32 to vector<16xf32>
    %broadcast_in_dim3A_909 = vector.broadcast %jit3A_907 : f32 to vector<16xf32>
    %select_n3A_910 = arith.select %gt3A_905, %broadcast_in_dim3A_908, %broadcast_in_dim3A_909 : vector<16xi1>, vector<16xf32>
    %sub3A_911 = arith.subf %get3A_899, %select_n3A_910 : vector<16xf32>
    %gt3A_912 = arith.constant 0.000000e+00 : f32
    %gt3A_913 = vector.broadcast %gt3A_912 : f32 to vector<16xf32>
    %gt3A_914 = arith.cmpf ogt, %sub3A_911, %gt3A_913 : vector<16xf32>
    %div3A_915 = arith.divf %sub3A_902, %sub3A_911 : vector<16xf32>
    %jit3A_916 = arith.constant 0.000000e+00 : f32
    %broadcast_in_dim3A_917 = vector.broadcast %jit3A_916 : f32 to vector<16xf32>
    %select_n3A_918 = arith.select %gt3A_914, %div3A_915, %broadcast_in_dim3A_917 : vector<16xi1>, vector<16xf32>
    %swap3A_919 = arith.constant 368 : index
    %swap3A_920 = tpu.vector_load %arg14[%swap3A_919] {strides = array<i32>} : memref<512xf32, #tpu.memory_space<vmem>>, vector<16xf32>,
    tpu.vector_store %arg14[%swap3A_919], %select_n3A_918 {strides = array<i32>} : memref<512xf32, #tpu.memory_space<vmem>>, vector<16xf32>,
    %get3A_921 = arith.constant 384 : index
    %get3A_922 = tpu.vector_load %arg11[%get3A_921] {strides = array<i32>} : memref<512xf32, #tpu.memory_space<vmem>>, vector<16xf32>,
    %get3A_923 = arith.constant 384 : index
    %get3A_924 = tpu.vector_load %arg12[%get3A_923] {strides = array<i32>} : memref<512xf32, #tpu.memory_space<vmem>>, vector<16xf32>,
    %get3A_925 = arith.constant 384 : index
    %get3A_926 = tpu.vector_load %arg13[%get3A_925] {strides = array<i32>} : memref<512xf32, #tpu.memory_space<vmem>>, vector<16xf32>,
    %sub3A_927 = arith.subf %get3A_922, %get3A_926 : vector<16xf32>
    %gt3A_928 = arith.constant 0.000000e+00 : f32
    %gt3A_929 = vector.broadcast %gt3A_928 : f32 to vector<16xf32>
    %gt3A_930 = arith.cmpf ogt, %get3A_926, %gt3A_929 : vector<16xf32>
    %jit3A_931 = arith.constant 1.000000e+00 : f32
    %jit3A_932 = arith.constant 0.000000e+00 : f32
    %broadcast_in_dim3A_933 = vector.broadcast %jit3A_931 : f32 to vector<16xf32>
    %broadcast_in_dim3A_934 = vector.broadcast %jit3A_932 : f32 to vector<16xf32>
    %select_n3A_935 = arith.select %gt3A_930, %broadcast_in_dim3A_933, %broadcast_in_dim3A_934 : vector<16xi1>, vector<16xf32>
    %sub3A_936 = arith.subf %get3A_924, %select_n3A_935 : vector<16xf32>
    %gt3A_937 = arith.constant 0.000000e+00 : f32
    %gt3A_938 = vector.broadcast %gt3A_937 : f32 to vector<16xf32>
    %gt3A_939 = arith.cmpf ogt, %sub3A_936, %gt3A_938 : vector<16xf32>
    %div3A_940 = arith.divf %sub3A_927, %sub3A_936 : vector<16xf32>
    %jit3A_941 = arith.constant 0.000000e+00 : f32
    %broadcast_in_dim3A_942 = vector.broadcast %jit3A_941 : f32 to vector<16xf32>
    %select_n3A_943 = arith.select %gt3A_939, %div3A_940, %broadcast_in_dim3A_942 : vector<16xi1>, vector<16xf32>
    %swap3A_944 = arith.constant 384 : index
    %swap3A_945 = tpu.vector_load %arg14[%swap3A_944] {strides = array<i32>} : memref<512xf32, #tpu.memory_space<vmem>>, vector<16xf32>,
    tpu.vector_store %arg14[%swap3A_944], %select_n3A_943 {strides = array<i32>} : memref<512xf32, #tpu.memory_space<vmem>>, vector<16xf32>,
    %get3A_946 = arith.constant 400 : index
    %get3A_947 = tpu.vector_load %arg11[%get3A_946] {strides = array<i32>} : memref<512xf32, #tpu.memory_space<vmem>>, vector<16xf32>,
    %get3A_948 = arith.constant 400 : index
    %get3A_949 = tpu.vector_load %arg12[%get3A_948] {strides = array<i32>} : memref<512xf32, #tpu.memory_space<vmem>>, vector<16xf32>,
    %get3A_950 = arith.constant 400 : index
    %get3A_951 = tpu.vector_load %arg13[%get3A_950] {strides = array<i32>} : memref<512xf32, #tpu.memory_space<vmem>>, vector<16xf32>,
    %sub3A_952 = arith.subf %get3A_947, %get3A_951 : vector<16xf32>
    %gt3A_953 = arith.constant 0.000000e+00 : f32
    %gt3A_954 = vector.broadcast %gt3A_953 : f32 to vector<16xf32>
    %gt3A_955 = arith.cmpf ogt, %get3A_951, %gt3A_954 : vector<16xf32>
    %jit3A_956 = arith.constant 1.000000e+00 : f32
    %jit3A_957 = arith.constant 0.000000e+00 : f32
    %broadcast_in_dim3A_958 = vector.broadcast %jit3A_956 : f32 to vector<16xf32>
    %broadcast_in_dim3A_959 = vector.broadcast %jit3A_957 : f32 to vector<16xf32>
    %select_n3A_960 = arith.select %gt3A_955, %broadcast_in_dim3A_958, %broadcast_in_dim3A_959 : vector<16xi1>, vector<16xf32>
    %sub3A_961 = arith.subf %get3A_949, %select_n3A_960 : vector<16xf32>
    %gt3A_962 = arith.constant 0.000000e+00 : f32
    %gt3A_963 = vector.broadcast %gt3A_962 : f32 to vector<16xf32>
    %gt3A_964 = arith.cmpf ogt, %sub3A_961, %gt3A_963 : vector<16xf32>
    %div3A_965 = arith.divf %sub3A_952, %sub3A_961 : vector<16xf32>
    %jit3A_966 = arith.constant 0.000000e+00 : f32
    %broadcast_in_dim3A_967 = vector.broadcast %jit3A_966 : f32 to vector<16xf32>
    %select_n3A_968 = arith.select %gt3A_964, %div3A_965, %broadcast_in_dim3A_967 : vector<16xi1>, vector<16xf32>
    %swap3A_969 = arith.constant 400 : index
    %swap3A_970 = tpu.vector_load %arg14[%swap3A_969] {strides = array<i32>} : memref<512xf32, #tpu.memory_space<vmem>>, vector<16xf32>,
    tpu.vector_store %arg14[%swap3A_969], %select_n3A_968 {strides = array<i32>} : memref<512xf32, #tpu.memory_space<vmem>>, vector<16xf32>,
    %get3A_971 = arith.constant 416 : index
    %get3A_972 = tpu.vector_load %arg11[%get3A_971] {strides = array<i32>} : memref<512xf32, #tpu.memory_space<vmem>>, vector<16xf32>,
    %get3A_973 = arith.constant 416 : index
    %get3A_974 = tpu.vector_load %arg12[%get3A_973] {strides = array<i32>} : memref<512xf32, #tpu.memory_space<vmem>>, vector<16xf32>,
    %get3A_975 = arith.constant 416 : index
    %get3A_976 = tpu.vector_load %arg13[%get3A_975] {strides = array<i32>} : memref<512xf32, #tpu.memory_space<vmem>>, vector<16xf32>,
    %sub3A_977 = arith.subf %get3A_972, %get3A_976 : vector<16xf32>
    %gt3A_978 = arith.constant 0.000000e+00 : f32
    %gt3A_979 = vector.broadcast %gt3A_978 : f32 to vector<16xf32>
    %gt3A_980 = arith.cmpf ogt, %get3A_976, %gt3A_979 : vector<16xf32>
    %jit3A_981 = arith.constant 1.000000e+00 : f32
    %jit3A_982 = arith.constant 0.000000e+00 : f32
    %broadcast_in_dim3A_983 = vector.broadcast %jit3A_981 : f32 to vector<16xf32>
    %broadcast_in_dim3A_984 = vector.broadcast %jit3A_982 : f32 to vector<16xf32>
    %select_n3A_985 = arith.select %gt3A_980, %broadcast_in_dim3A_983, %broadcast_in_dim3A_984 : vector<16xi1>, vector<16xf32>
    %sub3A_986 = arith.subf %get3A_974, %select_n3A_985 : vector<16xf32>
    %gt3A_987 = arith.constant 0.000000e+00 : f32
    %gt3A_988 = vector.broadcast %gt3A_987 : f32 to vector<16xf32>
    %gt3A_989 = arith.cmpf ogt, %sub3A_986, %gt3A_988 : vector<16xf32>
    %div3A_990 = arith.divf %sub3A_977, %sub3A_986 : vector<16xf32>
    %jit3A_991 = arith.constant 0.000000e+00 : f32
    %broadcast_in_dim3A_992 = vector.broadcast %jit3A_991 : f32 to vector<16xf32>
    %select_n3A_993 = arith.select %gt3A_989, %div3A_990, %broadcast_in_dim3A_992 : vector<16xi1>, vector<16xf32>
    %swap3A_994 = arith.constant 416 : index
    %swap3A_995 = tpu.vector_load %arg14[%swap3A_994] {strides = array<i32>} : memref<512xf32, #tpu.memory_space<vmem>>, vector<16xf32>,
    tpu.vector_store %arg14[%swap3A_994], %select_n3A_993 {strides = array<i32>} : memref<512xf32, #tpu.memory_space<vmem>>, vector<16xf32>,
    %get3A_996 = arith.constant 432 : index
    %get3A_997 = tpu.vector_load %arg11[%get3A_996] {strides = array<i32>} : memref<512xf32, #tpu.memory_space<vmem>>, vector<16xf32>,
    %get3A_998 = arith.constant 432 : index
    %get3A_999 = tpu.vector_load %arg12[%get3A_998] {strides = array<i32>} : memref<512xf32, #tpu.memory_space<vmem>>, vector<16xf32>,
    %get3A_1000 = arith.constant 432 : index
    %get3A_1001 = tpu.vector_load %arg13[%get3A_1000] {strides = array<i32>} : memref<512xf32, #tpu.memory_space<vmem>>, vector<16xf32>,
    %sub3A_1002 = arith.subf %get3A_997, %get3A_1001 : vector<16xf32>
    %gt3A_1003 = arith.constant 0.000000e+00 : f32
    %gt3A_1004 = vector.broadcast %gt3A_1003 : f32 to vector<16xf32>
    %gt3A_1005 = arith.cmpf ogt, %get3A_1001, %gt3A_1004 : vector<16xf32>
    %jit3A_1006 = arith.constant 1.000000e+00 : f32
    %jit3A_1007 = arith.constant 0.000000e+00 : f32
    %broadcast_in_dim3A_1008 = vector.broadcast %jit3A_1006 : f32 to vector<16xf32>
    %broadcast_in_dim3A_1009 = vector.broadcast %jit3A_1007 : f32 to vector<16xf32>
    %select_n3A_1010 = arith.select %gt3A_1005, %broadcast_in_dim3A_1008, %broadcast_in_dim3A_1009 : vector<16xi1>, vector<16xf32>
    %sub3A_1011 = arith.subf %get3A_999, %select_n3A_1010 : vector<16xf32>
    %gt3A_1012 = arith.constant 0.000000e+00 : f32
    %gt3A_1013 = vector.broadcast %gt3A_1012 : f32 to vector<16xf32>
    %gt3A_1014 = arith.cmpf ogt, %sub3A_1011, %gt3A_1013 : vector<16xf32>
    %div3A_1015 = arith.divf %sub3A_1002, %sub3A_1011 : vector<16xf32>
    %jit3A_1016 = arith.constant 0.000000e+00 : f32
    %broadcast_in_dim3A_1017 = vector.broadcast %jit3A_1016 : f32 to vector<16xf32>
    %select_n3A_1018 = arith.select %gt3A_1014, %div3A_1015, %broadcast_in_dim3A_1017 : vector<16xi1>, vector<16xf32>
    %swap3A_1019 = arith.constant 432 : index
    %swap3A_1020 = tpu.vector_load %arg14[%swap3A_1019] {strides = array<i32>} : memref<512xf32, #tpu.memory_space<vmem>>, vector<16xf32>,
    tpu.vector_store %arg14[%swap3A_1019], %select_n3A_1018 {strides = array<i32>} : memref<512xf32, #tpu.memory_space<vmem>>, vector<16xf32>,
    %get3A_1021 = arith.constant 448 : index
    %get3A_1022 = tpu.vector_load %arg11[%get3A_1021] {strides = array<i32>} : memref<512xf32, #tpu.memory_space<vmem>>, vector<16xf32>,
    %get3A_1023 = arith.constant 448 : index
    %get3A_1024 = tpu.vector_load %arg12[%get3A_1023] {strides = array<i32>} : memref<512xf32, #tpu.memory_space<vmem>>, vector<16xf32>,
    %get3A_1025 = arith.constant 448 : index
    %get3A_1026 = tpu.vector_load %arg13[%get3A_1025] {strides = array<i32>} : memref<512xf32, #tpu.memory_space<vmem>>, vector<16xf32>,
    %sub3A_1027 = arith.subf %get3A_1022, %get3A_1026 : vector<16xf32>
    %gt3A_1028 = arith.constant 0.000000e+00 : f32
    %gt3A_1029 = vector.broadcast %gt3A_1028 : f32 to vector<16xf32>
    %gt3A_1030 = arith.cmpf ogt, %get3A_1026, %gt3A_1029 : vector<16xf32>
    %jit3A_1031 = arith.constant 1.000000e+00 : f32
    %jit3A_1032 = arith.constant 0.000000e+00 : f32
    %broadcast_in_dim3A_1033 = vector.broadcast %jit3A_1031 : f32 to vector<16xf32>
    %broadcast_in_dim3A_1034 = vector.broadcast %jit3A_1032 : f32 to vector<16xf32>
    %select_n3A_1035 = arith.select %gt3A_1030, %broadcast_in_dim3A_1033, %broadcast_in_dim3A_1034 : vector<16xi1>, vector<16xf32>
    %sub3A_1036 = arith.subf %get3A_1024, %select_n3A_1035 : vector<16xf32>
    %gt3A_1037 = arith.constant 0.000000e+00 : f32
    %gt3A_1038 = vector.broadcast %gt3A_1037 : f32 to vector<16xf32>
    %gt3A_1039 = arith.cmpf ogt, %sub3A_1036, %gt3A_1038 : vector<16xf32>
    %div3A_1040 = arith.divf %sub3A_1027, %sub3A_1036 : vector<16xf32>
    %jit3A_1041 = arith.constant 0.000000e+00 : f32
    %broadcast_in_dim3A_1042 = vector.broadcast %jit3A_1041 : f32 to vector<16xf32>
    %select_n3A_1043 = arith.select %gt3A_1039, %div3A_1040, %broadcast_in_dim3A_1042 : vector<16xi1>, vector<16xf32>
    %swap3A_1044 = arith.constant 448 : index
    %swap3A_1045 = tpu.vector_load %arg14[%swap3A_1044] {strides = array<i32>} : memref<512xf32, #tpu.memory_space<vmem>>, vector<16xf32>,
    tpu.vector_store %arg14[%swap3A_1044], %select_n3A_1043 {strides = array<i32>} : memref<512xf32, #tpu.memory_space<vmem>>, vector<16xf32>,
    %get3A_1046 = arith.constant 464 : index
    %get3A_1047 = tpu.vector_load %arg11[%get3A_1046] {strides = array<i32>} : memref<512xf32, #tpu.memory_space<vmem>>, vector<16xf32>,
    %get3A_1048 = arith.constant 464 : index
    %get3A_1049 = tpu.vector_load %arg12[%get3A_1048] {strides = array<i32>} : memref<512xf32, #tpu.memory_space<vmem>>, vector<16xf32>,
    %get3A_1050 = arith.constant 464 : index
    %get3A_1051 = tpu.vector_load %arg13[%get3A_1050] {strides = array<i32>} : memref<512xf32, #tpu.memory_space<vmem>>, vector<16xf32>,
    %sub3A_1052 = arith.subf %get3A_1047, %get3A_1051 : vector<16xf32>
    %gt3A_1053 = arith.constant 0.000000e+00 : f32
    %gt3A_1054 = vector.broadcast %gt3A_1053 : f32 to vector<16xf32>
    %gt3A_1055 = arith.cmpf ogt, %get3A_1051, %gt3A_1054 : vector<16xf32>
    %jit3A_1056 = arith.constant 1.000000e+00 : f32
    %jit3A_1057 = arith.constant 0.000000e+00 : f32
    %broadcast_in_dim3A_1058 = vector.broadcast %jit3A_1056 : f32 to vector<16xf32>
    %broadcast_in_dim3A_1059 = vector.broadcast %jit3A_1057 : f32 to vector<16xf32>
    %select_n3A_1060 = arith.select %gt3A_1055, %broadcast_in_dim3A_1058, %broadcast_in_dim3A_1059 : vector<16xi1>, vector<16xf32>
    %sub3A_1061 = arith.subf %get3A_1049, %select_n3A_1060 : vector<16xf32>
    %gt3A_1062 = arith.constant 0.000000e+00 : f32
    %gt3A_1063 = vector.broadcast %gt3A_1062 : f32 to vector<16xf32>
    %gt3A_1064 = arith.cmpf ogt, %sub3A_1061, %gt3A_1063 : vector<16xf32>
    %div3A_1065 = arith.divf %sub3A_1052, %sub3A_1061 : vector<16xf32>
    %jit3A_1066 = arith.constant 0.000000e+00 : f32
    %broadcast_in_dim3A_1067 = vector.broadcast %jit3A_1066 : f32 to vector<16xf32>
    %select_n3A_1068 = arith.select %gt3A_1064, %div3A_1065, %broadcast_in_dim3A_1067 : vector<16xi1>, vector<16xf32>
    %swap3A_1069 = arith.constant 464 : index
    %swap3A_1070 = tpu.vector_load %arg14[%swap3A_1069] {strides = array<i32>} : memref<512xf32, #tpu.memory_space<vmem>>, vector<16xf32>,
    tpu.vector_store %arg14[%swap3A_1069], %select_n3A_1068 {strides = array<i32>} : memref<512xf32, #tpu.memory_space<vmem>>, vector<16xf32>,
    %get3A_1071 = arith.constant 480 : index
    %get3A_1072 = tpu.vector_load %arg11[%get3A_1071] {strides = array<i32>} : memref<512xf32, #tpu.memory_space<vmem>>, vector<16xf32>,
    %get3A_1073 = arith.constant 480 : index
    %get3A_1074 = tpu.vector_load %arg12[%get3A_1073] {strides = array<i32>} : memref<512xf32, #tpu.memory_space<vmem>>, vector<16xf32>,
    %get3A_1075 = arith.constant 480 : index
    %get3A_1076 = tpu.vector_load %arg13[%get3A_1075] {strides = array<i32>} : memref<512xf32, #tpu.memory_space<vmem>>, vector<16xf32>,
    %sub3A_1077 = arith.subf %get3A_1072, %get3A_1076 : vector<16xf32>
    %gt3A_1078 = arith.constant 0.000000e+00 : f32
    %gt3A_1079 = vector.broadcast %gt3A_1078 : f32 to vector<16xf32>
    %gt3A_1080 = arith.cmpf ogt, %get3A_1076, %gt3A_1079 : vector<16xf32>
    %jit3A_1081 = arith.constant 1.000000e+00 : f32
    %jit3A_1082 = arith.constant 0.000000e+00 : f32
    %broadcast_in_dim3A_1083 = vector.broadcast %jit3A_1081 : f32 to vector<16xf32>
    %broadcast_in_dim3A_1084 = vector.broadcast %jit3A_1082 : f32 to vector<16xf32>
    %select_n3A_1085 = arith.select %gt3A_1080, %broadcast_in_dim3A_1083, %broadcast_in_dim3A_1084 : vector<16xi1>, vector<16xf32>
    %sub3A_1086 = arith.subf %get3A_1074, %select_n3A_1085 : vector<16xf32>
    %gt3A_1087 = arith.constant 0.000000e+00 : f32
    %gt3A_1088 = vector.broadcast %gt3A_1087 : f32 to vector<16xf32>
    %gt3A_1089 = arith.cmpf ogt, %sub3A_1086, %gt3A_1088 : vector<16xf32>
    %div3A_1090 = arith.divf %sub3A_1077, %sub3A_1086 : vector<16xf32>
    %jit3A_1091 = arith.constant 0.000000e+00 : f32
    %broadcast_in_dim3A_1092 = vector.broadcast %jit3A_1091 : f32 to vector<16xf32>
    %select_n3A_1093 = arith.select %gt3A_1089, %div3A_1090, %broadcast_in_dim3A_1092 : vector<16xi1>, vector<16xf32>
    %swap3A_1094 = arith.constant 480 : index
    %swap3A_1095 = tpu.vector_load %arg14[%swap3A_1094] {strides = array<i32>} : memref<512xf32, #tpu.memory_space<vmem>>, vector<16xf32>,
    tpu.vector_store %arg14[%swap3A_1094], %select_n3A_1093 {strides = array<i32>} : memref<512xf32, #tpu.memory_space<vmem>>, vector<16xf32>,
    %get3A_1096 = arith.constant 496 : index
    %get3A_1097 = tpu.vector_load %arg11[%get3A_1096] {strides = array<i32>} : memref<512xf32, #tpu.memory_space<vmem>>, vector<16xf32>,
    %get3A_1098 = arith.constant 496 : index
    %get3A_1099 = tpu.vector_load %arg12[%get3A_1098] {strides = array<i32>} : memref<512xf32, #tpu.memory_space<vmem>>, vector<16xf32>,
    %get3A_1100 = arith.constant 496 : index
    %get3A_1101 = tpu.vector_load %arg13[%get3A_1100] {strides = array<i32>} : memref<512xf32, #tpu.memory_space<vmem>>, vector<16xf32>,
    %sub3A_1102 = arith.subf %get3A_1097, %get3A_1101 : vector<16xf32>
    %gt3A_1103 = arith.constant 0.000000e+00 : f32
    %gt3A_1104 = vector.broadcast %gt3A_1103 : f32 to vector<16xf32>
    %gt3A_1105 = arith.cmpf ogt, %get3A_1101, %gt3A_1104 : vector<16xf32>
    %jit3A_1106 = arith.constant 1.000000e+00 : f32
    %jit3A_1107 = arith.constant 0.000000e+00 : f32
    %broadcast_in_dim3A_1108 = vector.broadcast %jit3A_1106 : f32 to vector<16xf32>
    %broadcast_in_dim3A_1109 = vector.broadcast %jit3A_1107 : f32 to vector<16xf32>
    %select_n3A_1110 = arith.select %gt3A_1105, %broadcast_in_dim3A_1108, %broadcast_in_dim3A_1109 : vector<16xi1>, vector<16xf32>
    %sub3A_1111 = arith.subf %get3A_1099, %select_n3A_1110 : vector<16xf32>
    %gt3A_1112 = arith.constant 0.000000e+00 : f32
    %gt3A_1113 = vector.broadcast %gt3A_1112 : f32 to vector<16xf32>
    %gt3A_1114 = arith.cmpf ogt, %sub3A_1111, %gt3A_1113 : vector<16xf32>
    %div3A_1115 = arith.divf %sub3A_1102, %sub3A_1111 : vector<16xf32>
    %jit3A_1116 = arith.constant 0.000000e+00 : f32
    %broadcast_in_dim3A_1117 = vector.broadcast %jit3A_1116 : f32 to vector<16xf32>
    %select_n3A_1118 = arith.select %gt3A_1114, %div3A_1115, %broadcast_in_dim3A_1117 : vector<16xi1>, vector<16xf32>
    %swap3A_1119 = arith.constant 496 : index
    %swap3A_1120 = tpu.vector_load %arg14[%swap3A_1119] {strides = array<i32>} : memref<512xf32, #tpu.memory_space<vmem>>, vector<16xf32>,
    tpu.vector_store %arg14[%swap3A_1119], %select_n3A_1118 {strides = array<i32>} : memref<512xf32, #tpu.memory_space<vmem>>, vector<16xf32>,
    "tpu.region"() ({
      %run_scoped3A = tpu.sem_alloc : memref<!tpu.dma_semaphore, #tpu.memory_space<semaphore_mem>>
      %dma_start3A_1121 = tpu.memref_slice %arg7[%mul3A_2] : memref<16384xf32, #tpu.memory_space<hbm>> -> memref<512xf32, #tpu.memory_space<hbm>>
      %dma_start3A_1122 = tpu.memref_slice %arg7[%mul3A_2] : memref<16384xf32, #tpu.memory_space<hbm>> -> memref<512xf32, #tpu.memory_space<hbm>>
      tpu.enqueue_dma source(%arg14 : memref<512xf32, #tpu.memory_space<vmem>>) target(%dma_start3A_1122 : memref<512xf32, #tpu.memory_space<hbm>>) target_semaphore(%run_scoped3A : memref<!tpu.dma_semaphore, #tpu.memory_space<semaphore_mem>>)
      %dma_wait3A_1123 = tpu.memref_slice %arg7[%mul3A_2] : memref<16384xf32, #tpu.memory_space<hbm>> -> memref<512xf32, #tpu.memory_space<hbm>>
      %dma_wait3A_1124 = tpu.memref_slice %arg7[%mul3A_2] : memref<16384xf32, #tpu.memory_space<hbm>> -> memref<512xf32, #tpu.memory_space<hbm>>
      tpu.wait_dma2 semaphore(%run_scoped3A : memref<!tpu.dma_semaphore, #tpu.memory_space<semaphore_mem>>) src(%arg14 : memref<512xf32, #tpu.memory_space<vmem>>) dst(%dma_wait3A_1124 : memref<512xf32, #tpu.memory_space<hbm>>)
      tpu.yield
    }) : () -> ()
    return
  }
}

#map = affine_map<(d0, d1) -> (0)>
#map1 = affine_map<(d0, d1) -> (0, 0, 0)>
module attributes {stable_mosaic.version = 14 : i64} {
  func.func @sc_curr(%arg0: i32, %arg1: i32, %arg2: memref<16384xi32, #tpu.memory_space<hbm>>, %arg3: memref<16384xi32, #tpu.memory_space<hbm>>, %arg4: memref<16384xi32, #tpu.memory_space<hbm>>, %arg5: memref<339x64x5825xf32, #tpu.memory_space<hbm>>, %arg6: memref<16384xf32, #tpu.memory_space<hbm>>, %arg7: memref<512xi32, #tpu.memory_space<vmem>>, %arg8: memref<512xi32, #tpu.memory_space<vmem>>, %arg9: memref<512xi32, #tpu.memory_space<vmem>>, %arg10: memref<16x8x128xf32, #tpu.memory_space<vmem>>, %arg11: memref<512xf32, #tpu.memory_space<vmem>>, %arg12: memref<!tpu.dma_semaphore, #tpu.memory_space<semaphore_mem>>, %arg13: memref<!tpu.dma_semaphore, #tpu.memory_space<semaphore_mem>>, %arg14: memref<!tpu.dma_semaphore, #tpu.memory_space<semaphore_mem>>, %arg15: memref<!tpu.dma_semaphore, #tpu.memory_space<semaphore_mem>>, %arg16: memref<!tpu.dma_semaphore, #tpu.memory_space<semaphore_mem>>, %arg17: memref<!tpu.dma_semaphore, #tpu.memory_space<semaphore_mem>>, %arg18: memref<!tpu.dma_semaphore, #tpu.memory_space<semaphore_mem>>, %arg19: memref<!tpu.dma_semaphore, #tpu.memory_space<semaphore_mem>>, %arg20: memref<!tpu.dma_semaphore, #tpu.memory_space<semaphore_mem>>, %arg21: memref<!tpu.dma_semaphore, #tpu.memory_space<semaphore_mem>>, %arg22: memref<!tpu.dma_semaphore, #tpu.memory_space<semaphore_mem>>, %arg23: memref<!tpu.dma_semaphore, #tpu.memory_space<semaphore_mem>>, %arg24: memref<!tpu.dma_semaphore, #tpu.memory_space<semaphore_mem>>, %arg25: memref<!tpu.dma_semaphore, #tpu.memory_space<semaphore_mem>>, %arg26: memref<!tpu.dma_semaphore, #tpu.memory_space<semaphore_mem>>, %arg27: memref<!tpu.dma_semaphore, #tpu.memory_space<semaphore_mem>>) attributes {dimension_semantics = [#tpu.dimension_semantics<core_parallel>, #tpu.dimension_semantics<subcore_parallel>], iteration_bounds = array<i64: 2, 16>, scalar_prefetch = 0 : i64, scratch_operands = 21 : i64, tpu.core_type = #tpu.core_type<sc_vector_subcore>, window_params = [{transform_indices = #map}, {transform_indices = #map}, {transform_indices = #map}, {transform_indices = #map1}, {transform_indices = #map}]} {
    %mul3A = arith.constant 2 : i32
    %mul3A_0 = arith.muli %arg1, %mul3A : i32
    %add3A = arith.addi %mul3A_0, %arg0 : i32
    %mul3A_1 = arith.constant 512 : i32
    %mul3A_2 = arith.muli %add3A, %mul3A_1 : i32
    "tpu.region"() ({
      %run_scoped3A = tpu.sem_alloc : memref<!tpu.dma_semaphore, #tpu.memory_space<semaphore_mem>>
      %dma_start3A = tpu.memref_slice %arg2[%mul3A_2] : memref<16384xi32, #tpu.memory_space<hbm>> -> memref<512xi32, #tpu.memory_space<hbm>>
      %dma_start3A_9 = tpu.memref_slice %arg2[%mul3A_2] : memref<16384xi32, #tpu.memory_space<hbm>> -> memref<512xi32, #tpu.memory_space<hbm>>
      tpu.enqueue_dma source(%dma_start3A_9 : memref<512xi32, #tpu.memory_space<hbm>>) target(%arg7 : memref<512xi32, #tpu.memory_space<vmem>>) target_semaphore(%run_scoped3A : memref<!tpu.dma_semaphore, #tpu.memory_space<semaphore_mem>>)
      %dma_wait3A = tpu.memref_slice %arg2[%mul3A_2] : memref<16384xi32, #tpu.memory_space<hbm>> -> memref<512xi32, #tpu.memory_space<hbm>>
      %dma_wait3A_10 = tpu.memref_slice %arg2[%mul3A_2] : memref<16384xi32, #tpu.memory_space<hbm>> -> memref<512xi32, #tpu.memory_space<hbm>>
      tpu.wait_dma2 semaphore(%run_scoped3A : memref<!tpu.dma_semaphore, #tpu.memory_space<semaphore_mem>>) src(%dma_wait3A_10 : memref<512xi32, #tpu.memory_space<hbm>>) dst(%arg7 : memref<512xi32, #tpu.memory_space<vmem>>)
      tpu.yield
    }) : () -> ()
    "tpu.region"() ({
      %run_scoped3A = tpu.sem_alloc : memref<!tpu.dma_semaphore, #tpu.memory_space<semaphore_mem>>
      %dma_start3A = tpu.memref_slice %arg3[%mul3A_2] : memref<16384xi32, #tpu.memory_space<hbm>> -> memref<512xi32, #tpu.memory_space<hbm>>
      %dma_start3A_9 = tpu.memref_slice %arg3[%mul3A_2] : memref<16384xi32, #tpu.memory_space<hbm>> -> memref<512xi32, #tpu.memory_space<hbm>>
      tpu.enqueue_dma source(%dma_start3A_9 : memref<512xi32, #tpu.memory_space<hbm>>) target(%arg8 : memref<512xi32, #tpu.memory_space<vmem>>) target_semaphore(%run_scoped3A : memref<!tpu.dma_semaphore, #tpu.memory_space<semaphore_mem>>)
      %dma_wait3A = tpu.memref_slice %arg3[%mul3A_2] : memref<16384xi32, #tpu.memory_space<hbm>> -> memref<512xi32, #tpu.memory_space<hbm>>
      %dma_wait3A_10 = tpu.memref_slice %arg3[%mul3A_2] : memref<16384xi32, #tpu.memory_space<hbm>> -> memref<512xi32, #tpu.memory_space<hbm>>
      tpu.wait_dma2 semaphore(%run_scoped3A : memref<!tpu.dma_semaphore, #tpu.memory_space<semaphore_mem>>) src(%dma_wait3A_10 : memref<512xi32, #tpu.memory_space<hbm>>) dst(%arg8 : memref<512xi32, #tpu.memory_space<vmem>>)
      tpu.yield
    }) : () -> ()
    "tpu.region"() ({
      %run_scoped3A = tpu.sem_alloc : memref<!tpu.dma_semaphore, #tpu.memory_space<semaphore_mem>>
      %dma_start3A = tpu.memref_slice %arg4[%mul3A_2] : memref<16384xi32, #tpu.memory_space<hbm>> -> memref<512xi32, #tpu.memory_space<hbm>>
      %dma_start3A_9 = tpu.memref_slice %arg4[%mul3A_2] : memref<16384xi32, #tpu.memory_space<hbm>> -> memref<512xi32, #tpu.memory_space<hbm>>
      tpu.enqueue_dma source(%dma_start3A_9 : memref<512xi32, #tpu.memory_space<hbm>>) target(%arg9 : memref<512xi32, #tpu.memory_space<vmem>>) target_semaphore(%run_scoped3A : memref<!tpu.dma_semaphore, #tpu.memory_space<semaphore_mem>>)
      %dma_wait3A = tpu.memref_slice %arg4[%mul3A_2] : memref<16384xi32, #tpu.memory_space<hbm>> -> memref<512xi32, #tpu.memory_space<hbm>>
      %dma_wait3A_10 = tpu.memref_slice %arg4[%mul3A_2] : memref<16384xi32, #tpu.memory_space<hbm>> -> memref<512xi32, #tpu.memory_space<hbm>>
      tpu.wait_dma2 semaphore(%run_scoped3A : memref<!tpu.dma_semaphore, #tpu.memory_space<semaphore_mem>>) src(%dma_wait3A_10 : memref<512xi32, #tpu.memory_space<hbm>>) dst(%arg9 : memref<512xi32, #tpu.memory_space<vmem>>)
      tpu.yield
    }) : () -> ()
    %scan3A = arith.constant 0 : i32
    %scan3A_3 = arith.constant 0 : i32
    %scan3A_4 = arith.constant 32 : i32
    %scan3A_5 = arith.addi %scan3A_3, %scan3A_4 : i32
    %scan3A_6 = arith.constant 1 : i32
    %scan3A_7 = scf.for %scan3A_9 = %scan3A_3 to %scan3A_5 step %scan3A_6 iter_args(%scan3A_10 = %scan3A) -> (i32)  : i32 {
      %mul3A_11 = arith.constant 16 : i32
      %mul3A_12 = arith.muli %scan3A_9, %mul3A_11 : i32
      %get3A = arith.index_cast %mul3A_12 : i32 to index
      %get3A_13 = tpu.vector_load %arg7[%get3A] {strides = array<i32>} : memref<512xi32, #tpu.memory_space<vmem>>, vector<16xi32>,
      %get3A_14 = arith.index_cast %mul3A_12 : i32 to index
      %get3A_15 = tpu.vector_load %arg8[%get3A_14] {strides = array<i32>} : memref<512xi32, #tpu.memory_space<vmem>>, vector<16xi32>,
      %get3A_16 = arith.index_cast %mul3A_12 : i32 to index
      %get3A_17 = tpu.vector_load %arg9[%get3A_16] {strides = array<i32>} : memref<512xi32, #tpu.memory_space<vmem>>, vector<16xi32>,
      %slice3A = vector.extract_strided_slice %get3A_17 {offsets = [0], sizes = [1], strides = [1]} : vector<16xi32> to vector<1xi32>
      %squeeze3A = vector.extract %slice3A[0] : i32 from vector<1xi32>
      %and3A = arith.constant -8 : i32
      %and3A_18 = arith.andi %squeeze3A, %and3A : i32
      %multiple_of3A = tpu.assume_multiple %and3A_18, 8 : i32
      %slice3A_19 = vector.extract_strided_slice %get3A_15 {offsets = [0], sizes = [1], strides = [1]} : vector<16xi32> to vector<1xi32>
      %squeeze3A_20 = vector.extract %slice3A_19[0] : i32 from vector<1xi32>
      %and3A_21 = arith.constant -128 : i32
      %and3A_22 = arith.andi %squeeze3A_20, %and3A_21 : i32
      %multiple_of3A_23 = tpu.assume_multiple %and3A_22, 128 : i32
      %slice3A_24 = vector.extract_strided_slice %get3A_13 {offsets = [0], sizes = [1], strides = [1]} : vector<16xi32> to vector<1xi32>
      %squeeze3A_25 = vector.extract %slice3A_24[0] : i32 from vector<1xi32>
      %dma_start3A = arith.constant 0 : i32
      %dma_start3A_26 = arith.constant 0 : i32
      %dma_start3A_27 = arith.constant 0 : i32
      %dma_start3A_28 = tpu.memref_slice %arg10[%dma_start3A, %dma_start3A_26, %dma_start3A_27] : memref<16x8x128xf32, #tpu.memory_space<vmem>> -> memref<1x8x128xf32, #tpu.memory_space<vmem>>
      %dma_start3A_29 = tpu.memref_squeeze %dma_start3A_28 : memref<1x8x128xf32, #tpu.memory_space<vmem>> -> memref<8x128xf32, #tpu.memory_space<vmem>>
      %dma_start3A_30 = tpu.memref_slice %arg5[%squeeze3A_25, %multiple_of3A, %multiple_of3A_23] : memref<339x64x5825xf32, #tpu.memory_space<hbm>> -> memref<1x8x128xf32, #tpu.memory_space<hbm>>
      %dma_start3A_31 = tpu.memref_squeeze %dma_start3A_30 : memref<1x8x128xf32, #tpu.memory_space<hbm>> -> memref<8x128xf32, #tpu.memory_space<hbm>>
      %dma_start3A_32 = arith.constant 0 : i32
      %dma_start3A_33 = arith.constant 0 : i32
      %dma_start3A_34 = tpu.memref_slice %arg10[%dma_start3A, %dma_start3A_32, %dma_start3A_33] : memref<16x8x128xf32, #tpu.memory_space<vmem>> -> memref<1x8x128xf32, #tpu.memory_space<vmem>>
      %dma_start3A_35 = tpu.memref_squeeze %dma_start3A_34 : memref<1x8x128xf32, #tpu.memory_space<vmem>> -> memref<8x128xf32, #tpu.memory_space<vmem>>
      %dma_start3A_36 = tpu.memref_slice %arg5[%squeeze3A_25, %multiple_of3A, %multiple_of3A_23] : memref<339x64x5825xf32, #tpu.memory_space<hbm>> -> memref<1x8x128xf32, #tpu.memory_space<hbm>>
      %dma_start3A_37 = tpu.memref_squeeze %dma_start3A_36 : memref<1x8x128xf32, #tpu.memory_space<hbm>> -> memref<8x128xf32, #tpu.memory_space<hbm>>
      tpu.enqueue_dma source(%dma_start3A_37 : memref<8x128xf32, #tpu.memory_space<hbm>>) target(%dma_start3A_35 : memref<8x128xf32, #tpu.memory_space<vmem>>) target_semaphore(%arg12 : memref<!tpu.dma_semaphore, #tpu.memory_space<semaphore_mem>>)
      %slice3A_38 = vector.extract_strided_slice %get3A_17 {offsets = [1], sizes = [1], strides = [1]} : vector<16xi32> to vector<1xi32>
      %squeeze3A_39 = vector.extract %slice3A_38[0] : i32 from vector<1xi32>
      %and3A_40 = arith.constant -8 : i32
      %and3A_41 = arith.andi %squeeze3A_39, %and3A_40 : i32
      %multiple_of3A_42 = tpu.assume_multiple %and3A_41, 8 : i32
      %slice3A_43 = vector.extract_strided_slice %get3A_15 {offsets = [1], sizes = [1], strides = [1]} : vector<16xi32> to vector<1xi32>
      %squeeze3A_44 = vector.extract %slice3A_43[0] : i32 from vector<1xi32>
      %and3A_45 = arith.constant -128 : i32
      %and3A_46 = arith.andi %squeeze3A_44, %and3A_45 : i32
      %multiple_of3A_47 = tpu.assume_multiple %and3A_46, 128 : i32
      %slice3A_48 = vector.extract_strided_slice %get3A_13 {offsets = [1], sizes = [1], strides = [1]} : vector<16xi32> to vector<1xi32>
      %squeeze3A_49 = vector.extract %slice3A_48[0] : i32 from vector<1xi32>
      %dma_start3A_50 = arith.constant 1 : i32
      %dma_start3A_51 = arith.constant 0 : i32
      %dma_start3A_52 = arith.constant 0 : i32
      %dma_start3A_53 = tpu.memref_slice %arg10[%dma_start3A_50, %dma_start3A_51, %dma_start3A_52] : memref<16x8x128xf32, #tpu.memory_space<vmem>> -> memref<1x8x128xf32, #tpu.memory_space<vmem>>
      %dma_start3A_54 = tpu.memref_squeeze %dma_start3A_53 : memref<1x8x128xf32, #tpu.memory_space<vmem>> -> memref<8x128xf32, #tpu.memory_space<vmem>>
      %dma_start3A_55 = tpu.memref_slice %arg5[%squeeze3A_49, %multiple_of3A_42, %multiple_of3A_47] : memref<339x64x5825xf32, #tpu.memory_space<hbm>> -> memref<1x8x128xf32, #tpu.memory_space<hbm>>
      %dma_start3A_56 = tpu.memref_squeeze %dma_start3A_55 : memref<1x8x128xf32, #tpu.memory_space<hbm>> -> memref<8x128xf32, #tpu.memory_space<hbm>>
      %dma_start3A_57 = arith.constant 0 : i32
      %dma_start3A_58 = arith.constant 0 : i32
      %dma_start3A_59 = tpu.memref_slice %arg10[%dma_start3A_50, %dma_start3A_57, %dma_start3A_58] : memref<16x8x128xf32, #tpu.memory_space<vmem>> -> memref<1x8x128xf32, #tpu.memory_space<vmem>>
      %dma_start3A_60 = tpu.memref_squeeze %dma_start3A_59 : memref<1x8x128xf32, #tpu.memory_space<vmem>> -> memref<8x128xf32, #tpu.memory_space<vmem>>
      %dma_start3A_61 = tpu.memref_slice %arg5[%squeeze3A_49, %multiple_of3A_42, %multiple_of3A_47] : memref<339x64x5825xf32, #tpu.memory_space<hbm>> -> memref<1x8x128xf32, #tpu.memory_space<hbm>>
      %dma_start3A_62 = tpu.memref_squeeze %dma_start3A_61 : memref<1x8x128xf32, #tpu.memory_space<hbm>> -> memref<8x128xf32, #tpu.memory_space<hbm>>
      tpu.enqueue_dma source(%dma_start3A_62 : memref<8x128xf32, #tpu.memory_space<hbm>>) target(%dma_start3A_60 : memref<8x128xf32, #tpu.memory_space<vmem>>) target_semaphore(%arg13 : memref<!tpu.dma_semaphore, #tpu.memory_space<semaphore_mem>>)
      %slice3A_63 = vector.extract_strided_slice %get3A_17 {offsets = [2], sizes = [1], strides = [1]} : vector<16xi32> to vector<1xi32>
      %squeeze3A_64 = vector.extract %slice3A_63[0] : i32 from vector<1xi32>
      %and3A_65 = arith.constant -8 : i32
      %and3A_66 = arith.andi %squeeze3A_64, %and3A_65 : i32
      %multiple_of3A_67 = tpu.assume_multiple %and3A_66, 8 : i32
      %slice3A_68 = vector.extract_strided_slice %get3A_15 {offsets = [2], sizes = [1], strides = [1]} : vector<16xi32> to vector<1xi32>
      %squeeze3A_69 = vector.extract %slice3A_68[0] : i32 from vector<1xi32>
      %and3A_70 = arith.constant -128 : i32
      %and3A_71 = arith.andi %squeeze3A_69, %and3A_70 : i32
      %multiple_of3A_72 = tpu.assume_multiple %and3A_71, 128 : i32
      %slice3A_73 = vector.extract_strided_slice %get3A_13 {offsets = [2], sizes = [1], strides = [1]} : vector<16xi32> to vector<1xi32>
      %squeeze3A_74 = vector.extract %slice3A_73[0] : i32 from vector<1xi32>
      %dma_start3A_75 = arith.constant 2 : i32
      %dma_start3A_76 = arith.constant 0 : i32
      %dma_start3A_77 = arith.constant 0 : i32
      %dma_start3A_78 = tpu.memref_slice %arg10[%dma_start3A_75, %dma_start3A_76, %dma_start3A_77] : memref<16x8x128xf32, #tpu.memory_space<vmem>> -> memref<1x8x128xf32, #tpu.memory_space<vmem>>
      %dma_start3A_79 = tpu.memref_squeeze %dma_start3A_78 : memref<1x8x128xf32, #tpu.memory_space<vmem>> -> memref<8x128xf32, #tpu.memory_space<vmem>>
      %dma_start3A_80 = tpu.memref_slice %arg5[%squeeze3A_74, %multiple_of3A_67, %multiple_of3A_72] : memref<339x64x5825xf32, #tpu.memory_space<hbm>> -> memref<1x8x128xf32, #tpu.memory_space<hbm>>
      %dma_start3A_81 = tpu.memref_squeeze %dma_start3A_80 : memref<1x8x128xf32, #tpu.memory_space<hbm>> -> memref<8x128xf32, #tpu.memory_space<hbm>>
      %dma_start3A_82 = arith.constant 0 : i32
      %dma_start3A_83 = arith.constant 0 : i32
      %dma_start3A_84 = tpu.memref_slice %arg10[%dma_start3A_75, %dma_start3A_82, %dma_start3A_83] : memref<16x8x128xf32, #tpu.memory_space<vmem>> -> memref<1x8x128xf32, #tpu.memory_space<vmem>>
      %dma_start3A_85 = tpu.memref_squeeze %dma_start3A_84 : memref<1x8x128xf32, #tpu.memory_space<vmem>> -> memref<8x128xf32, #tpu.memory_space<vmem>>
      %dma_start3A_86 = tpu.memref_slice %arg5[%squeeze3A_74, %multiple_of3A_67, %multiple_of3A_72] : memref<339x64x5825xf32, #tpu.memory_space<hbm>> -> memref<1x8x128xf32, #tpu.memory_space<hbm>>
      %dma_start3A_87 = tpu.memref_squeeze %dma_start3A_86 : memref<1x8x128xf32, #tpu.memory_space<hbm>> -> memref<8x128xf32, #tpu.memory_space<hbm>>
      tpu.enqueue_dma source(%dma_start3A_87 : memref<8x128xf32, #tpu.memory_space<hbm>>) target(%dma_start3A_85 : memref<8x128xf32, #tpu.memory_space<vmem>>) target_semaphore(%arg14 : memref<!tpu.dma_semaphore, #tpu.memory_space<semaphore_mem>>)
      %slice3A_88 = vector.extract_strided_slice %get3A_17 {offsets = [3], sizes = [1], strides = [1]} : vector<16xi32> to vector<1xi32>
      %squeeze3A_89 = vector.extract %slice3A_88[0] : i32 from vector<1xi32>
      %and3A_90 = arith.constant -8 : i32
      %and3A_91 = arith.andi %squeeze3A_89, %and3A_90 : i32
      %multiple_of3A_92 = tpu.assume_multiple %and3A_91, 8 : i32
      %slice3A_93 = vector.extract_strided_slice %get3A_15 {offsets = [3], sizes = [1], strides = [1]} : vector<16xi32> to vector<1xi32>
      %squeeze3A_94 = vector.extract %slice3A_93[0] : i32 from vector<1xi32>
      %and3A_95 = arith.constant -128 : i32
      %and3A_96 = arith.andi %squeeze3A_94, %and3A_95 : i32
      %multiple_of3A_97 = tpu.assume_multiple %and3A_96, 128 : i32
      %slice3A_98 = vector.extract_strided_slice %get3A_13 {offsets = [3], sizes = [1], strides = [1]} : vector<16xi32> to vector<1xi32>
      %squeeze3A_99 = vector.extract %slice3A_98[0] : i32 from vector<1xi32>
      %dma_start3A_100 = arith.constant 3 : i32
      %dma_start3A_101 = arith.constant 0 : i32
      %dma_start3A_102 = arith.constant 0 : i32
      %dma_start3A_103 = tpu.memref_slice %arg10[%dma_start3A_100, %dma_start3A_101, %dma_start3A_102] : memref<16x8x128xf32, #tpu.memory_space<vmem>> -> memref<1x8x128xf32, #tpu.memory_space<vmem>>
      %dma_start3A_104 = tpu.memref_squeeze %dma_start3A_103 : memref<1x8x128xf32, #tpu.memory_space<vmem>> -> memref<8x128xf32, #tpu.memory_space<vmem>>
      %dma_start3A_105 = tpu.memref_slice %arg5[%squeeze3A_99, %multiple_of3A_92, %multiple_of3A_97] : memref<339x64x5825xf32, #tpu.memory_space<hbm>> -> memref<1x8x128xf32, #tpu.memory_space<hbm>>
      %dma_start3A_106 = tpu.memref_squeeze %dma_start3A_105 : memref<1x8x128xf32, #tpu.memory_space<hbm>> -> memref<8x128xf32, #tpu.memory_space<hbm>>
      %dma_start3A_107 = arith.constant 0 : i32
      %dma_start3A_108 = arith.constant 0 : i32
      %dma_start3A_109 = tpu.memref_slice %arg10[%dma_start3A_100, %dma_start3A_107, %dma_start3A_108] : memref<16x8x128xf32, #tpu.memory_space<vmem>> -> memref<1x8x128xf32, #tpu.memory_space<vmem>>
      %dma_start3A_110 = tpu.memref_squeeze %dma_start3A_109 : memref<1x8x128xf32, #tpu.memory_space<vmem>> -> memref<8x128xf32, #tpu.memory_space<vmem>>
      %dma_start3A_111 = tpu.memref_slice %arg5[%squeeze3A_99, %multiple_of3A_92, %multiple_of3A_97] : memref<339x64x5825xf32, #tpu.memory_space<hbm>> -> memref<1x8x128xf32, #tpu.memory_space<hbm>>
      %dma_start3A_112 = tpu.memref_squeeze %dma_start3A_111 : memref<1x8x128xf32, #tpu.memory_space<hbm>> -> memref<8x128xf32, #tpu.memory_space<hbm>>
      tpu.enqueue_dma source(%dma_start3A_112 : memref<8x128xf32, #tpu.memory_space<hbm>>) target(%dma_start3A_110 : memref<8x128xf32, #tpu.memory_space<vmem>>) target_semaphore(%arg15 : memref<!tpu.dma_semaphore, #tpu.memory_space<semaphore_mem>>)
      %slice3A_113 = vector.extract_strided_slice %get3A_17 {offsets = [4], sizes = [1], strides = [1]} : vector<16xi32> to vector<1xi32>
      %squeeze3A_114 = vector.extract %slice3A_113[0] : i32 from vector<1xi32>
      %and3A_115 = arith.constant -8 : i32
      %and3A_116 = arith.andi %squeeze3A_114, %and3A_115 : i32
      %multiple_of3A_117 = tpu.assume_multiple %and3A_116, 8 : i32
      %slice3A_118 = vector.extract_strided_slice %get3A_15 {offsets = [4], sizes = [1], strides = [1]} : vector<16xi32> to vector<1xi32>
      %squeeze3A_119 = vector.extract %slice3A_118[0] : i32 from vector<1xi32>
      %and3A_120 = arith.constant -128 : i32
      %and3A_121 = arith.andi %squeeze3A_119, %and3A_120 : i32
      %multiple_of3A_122 = tpu.assume_multiple %and3A_121, 128 : i32
      %slice3A_123 = vector.extract_strided_slice %get3A_13 {offsets = [4], sizes = [1], strides = [1]} : vector<16xi32> to vector<1xi32>
      %squeeze3A_124 = vector.extract %slice3A_123[0] : i32 from vector<1xi32>
      %dma_start3A_125 = arith.constant 4 : i32
      %dma_start3A_126 = arith.constant 0 : i32
      %dma_start3A_127 = arith.constant 0 : i32
      %dma_start3A_128 = tpu.memref_slice %arg10[%dma_start3A_125, %dma_start3A_126, %dma_start3A_127] : memref<16x8x128xf32, #tpu.memory_space<vmem>> -> memref<1x8x128xf32, #tpu.memory_space<vmem>>
      %dma_start3A_129 = tpu.memref_squeeze %dma_start3A_128 : memref<1x8x128xf32, #tpu.memory_space<vmem>> -> memref<8x128xf32, #tpu.memory_space<vmem>>
      %dma_start3A_130 = tpu.memref_slice %arg5[%squeeze3A_124, %multiple_of3A_117, %multiple_of3A_122] : memref<339x64x5825xf32, #tpu.memory_space<hbm>> -> memref<1x8x128xf32, #tpu.memory_space<hbm>>
      %dma_start3A_131 = tpu.memref_squeeze %dma_start3A_130 : memref<1x8x128xf32, #tpu.memory_space<hbm>> -> memref<8x128xf32, #tpu.memory_space<hbm>>
      %dma_start3A_132 = arith.constant 0 : i32
      %dma_start3A_133 = arith.constant 0 : i32
      %dma_start3A_134 = tpu.memref_slice %arg10[%dma_start3A_125, %dma_start3A_132, %dma_start3A_133] : memref<16x8x128xf32, #tpu.memory_space<vmem>> -> memref<1x8x128xf32, #tpu.memory_space<vmem>>
      %dma_start3A_135 = tpu.memref_squeeze %dma_start3A_134 : memref<1x8x128xf32, #tpu.memory_space<vmem>> -> memref<8x128xf32, #tpu.memory_space<vmem>>
      %dma_start3A_136 = tpu.memref_slice %arg5[%squeeze3A_124, %multiple_of3A_117, %multiple_of3A_122] : memref<339x64x5825xf32, #tpu.memory_space<hbm>> -> memref<1x8x128xf32, #tpu.memory_space<hbm>>
      %dma_start3A_137 = tpu.memref_squeeze %dma_start3A_136 : memref<1x8x128xf32, #tpu.memory_space<hbm>> -> memref<8x128xf32, #tpu.memory_space<hbm>>
      tpu.enqueue_dma source(%dma_start3A_137 : memref<8x128xf32, #tpu.memory_space<hbm>>) target(%dma_start3A_135 : memref<8x128xf32, #tpu.memory_space<vmem>>) target_semaphore(%arg16 : memref<!tpu.dma_semaphore, #tpu.memory_space<semaphore_mem>>)
      %slice3A_138 = vector.extract_strided_slice %get3A_17 {offsets = [5], sizes = [1], strides = [1]} : vector<16xi32> to vector<1xi32>
      %squeeze3A_139 = vector.extract %slice3A_138[0] : i32 from vector<1xi32>
      %and3A_140 = arith.constant -8 : i32
      %and3A_141 = arith.andi %squeeze3A_139, %and3A_140 : i32
      %multiple_of3A_142 = tpu.assume_multiple %and3A_141, 8 : i32
      %slice3A_143 = vector.extract_strided_slice %get3A_15 {offsets = [5], sizes = [1], strides = [1]} : vector<16xi32> to vector<1xi32>
      %squeeze3A_144 = vector.extract %slice3A_143[0] : i32 from vector<1xi32>
      %and3A_145 = arith.constant -128 : i32
      %and3A_146 = arith.andi %squeeze3A_144, %and3A_145 : i32
      %multiple_of3A_147 = tpu.assume_multiple %and3A_146, 128 : i32
      %slice3A_148 = vector.extract_strided_slice %get3A_13 {offsets = [5], sizes = [1], strides = [1]} : vector<16xi32> to vector<1xi32>
      %squeeze3A_149 = vector.extract %slice3A_148[0] : i32 from vector<1xi32>
      %dma_start3A_150 = arith.constant 5 : i32
      %dma_start3A_151 = arith.constant 0 : i32
      %dma_start3A_152 = arith.constant 0 : i32
      %dma_start3A_153 = tpu.memref_slice %arg10[%dma_start3A_150, %dma_start3A_151, %dma_start3A_152] : memref<16x8x128xf32, #tpu.memory_space<vmem>> -> memref<1x8x128xf32, #tpu.memory_space<vmem>>
      %dma_start3A_154 = tpu.memref_squeeze %dma_start3A_153 : memref<1x8x128xf32, #tpu.memory_space<vmem>> -> memref<8x128xf32, #tpu.memory_space<vmem>>
      %dma_start3A_155 = tpu.memref_slice %arg5[%squeeze3A_149, %multiple_of3A_142, %multiple_of3A_147] : memref<339x64x5825xf32, #tpu.memory_space<hbm>> -> memref<1x8x128xf32, #tpu.memory_space<hbm>>
      %dma_start3A_156 = tpu.memref_squeeze %dma_start3A_155 : memref<1x8x128xf32, #tpu.memory_space<hbm>> -> memref<8x128xf32, #tpu.memory_space<hbm>>
      %dma_start3A_157 = arith.constant 0 : i32
      %dma_start3A_158 = arith.constant 0 : i32
      %dma_start3A_159 = tpu.memref_slice %arg10[%dma_start3A_150, %dma_start3A_157, %dma_start3A_158] : memref<16x8x128xf32, #tpu.memory_space<vmem>> -> memref<1x8x128xf32, #tpu.memory_space<vmem>>
      %dma_start3A_160 = tpu.memref_squeeze %dma_start3A_159 : memref<1x8x128xf32, #tpu.memory_space<vmem>> -> memref<8x128xf32, #tpu.memory_space<vmem>>
      %dma_start3A_161 = tpu.memref_slice %arg5[%squeeze3A_149, %multiple_of3A_142, %multiple_of3A_147] : memref<339x64x5825xf32, #tpu.memory_space<hbm>> -> memref<1x8x128xf32, #tpu.memory_space<hbm>>
      %dma_start3A_162 = tpu.memref_squeeze %dma_start3A_161 : memref<1x8x128xf32, #tpu.memory_space<hbm>> -> memref<8x128xf32, #tpu.memory_space<hbm>>
      tpu.enqueue_dma source(%dma_start3A_162 : memref<8x128xf32, #tpu.memory_space<hbm>>) target(%dma_start3A_160 : memref<8x128xf32, #tpu.memory_space<vmem>>) target_semaphore(%arg17 : memref<!tpu.dma_semaphore, #tpu.memory_space<semaphore_mem>>)
      %slice3A_163 = vector.extract_strided_slice %get3A_17 {offsets = [6], sizes = [1], strides = [1]} : vector<16xi32> to vector<1xi32>
      %squeeze3A_164 = vector.extract %slice3A_163[0] : i32 from vector<1xi32>
      %and3A_165 = arith.constant -8 : i32
      %and3A_166 = arith.andi %squeeze3A_164, %and3A_165 : i32
      %multiple_of3A_167 = tpu.assume_multiple %and3A_166, 8 : i32
      %slice3A_168 = vector.extract_strided_slice %get3A_15 {offsets = [6], sizes = [1], strides = [1]} : vector<16xi32> to vector<1xi32>
      %squeeze3A_169 = vector.extract %slice3A_168[0] : i32 from vector<1xi32>
      %and3A_170 = arith.constant -128 : i32
      %and3A_171 = arith.andi %squeeze3A_169, %and3A_170 : i32
      %multiple_of3A_172 = tpu.assume_multiple %and3A_171, 128 : i32
      %slice3A_173 = vector.extract_strided_slice %get3A_13 {offsets = [6], sizes = [1], strides = [1]} : vector<16xi32> to vector<1xi32>
      %squeeze3A_174 = vector.extract %slice3A_173[0] : i32 from vector<1xi32>
      %dma_start3A_175 = arith.constant 6 : i32
      %dma_start3A_176 = arith.constant 0 : i32
      %dma_start3A_177 = arith.constant 0 : i32
      %dma_start3A_178 = tpu.memref_slice %arg10[%dma_start3A_175, %dma_start3A_176, %dma_start3A_177] : memref<16x8x128xf32, #tpu.memory_space<vmem>> -> memref<1x8x128xf32, #tpu.memory_space<vmem>>
      %dma_start3A_179 = tpu.memref_squeeze %dma_start3A_178 : memref<1x8x128xf32, #tpu.memory_space<vmem>> -> memref<8x128xf32, #tpu.memory_space<vmem>>
      %dma_start3A_180 = tpu.memref_slice %arg5[%squeeze3A_174, %multiple_of3A_167, %multiple_of3A_172] : memref<339x64x5825xf32, #tpu.memory_space<hbm>> -> memref<1x8x128xf32, #tpu.memory_space<hbm>>
      %dma_start3A_181 = tpu.memref_squeeze %dma_start3A_180 : memref<1x8x128xf32, #tpu.memory_space<hbm>> -> memref<8x128xf32, #tpu.memory_space<hbm>>
      %dma_start3A_182 = arith.constant 0 : i32
      %dma_start3A_183 = arith.constant 0 : i32
      %dma_start3A_184 = tpu.memref_slice %arg10[%dma_start3A_175, %dma_start3A_182, %dma_start3A_183] : memref<16x8x128xf32, #tpu.memory_space<vmem>> -> memref<1x8x128xf32, #tpu.memory_space<vmem>>
      %dma_start3A_185 = tpu.memref_squeeze %dma_start3A_184 : memref<1x8x128xf32, #tpu.memory_space<vmem>> -> memref<8x128xf32, #tpu.memory_space<vmem>>
      %dma_start3A_186 = tpu.memref_slice %arg5[%squeeze3A_174, %multiple_of3A_167, %multiple_of3A_172] : memref<339x64x5825xf32, #tpu.memory_space<hbm>> -> memref<1x8x128xf32, #tpu.memory_space<hbm>>
      %dma_start3A_187 = tpu.memref_squeeze %dma_start3A_186 : memref<1x8x128xf32, #tpu.memory_space<hbm>> -> memref<8x128xf32, #tpu.memory_space<hbm>>
      tpu.enqueue_dma source(%dma_start3A_187 : memref<8x128xf32, #tpu.memory_space<hbm>>) target(%dma_start3A_185 : memref<8x128xf32, #tpu.memory_space<vmem>>) target_semaphore(%arg18 : memref<!tpu.dma_semaphore, #tpu.memory_space<semaphore_mem>>)
      %slice3A_188 = vector.extract_strided_slice %get3A_17 {offsets = [7], sizes = [1], strides = [1]} : vector<16xi32> to vector<1xi32>
      %squeeze3A_189 = vector.extract %slice3A_188[0] : i32 from vector<1xi32>
      %and3A_190 = arith.constant -8 : i32
      %and3A_191 = arith.andi %squeeze3A_189, %and3A_190 : i32
      %multiple_of3A_192 = tpu.assume_multiple %and3A_191, 8 : i32
      %slice3A_193 = vector.extract_strided_slice %get3A_15 {offsets = [7], sizes = [1], strides = [1]} : vector<16xi32> to vector<1xi32>
      %squeeze3A_194 = vector.extract %slice3A_193[0] : i32 from vector<1xi32>
      %and3A_195 = arith.constant -128 : i32
      %and3A_196 = arith.andi %squeeze3A_194, %and3A_195 : i32
      %multiple_of3A_197 = tpu.assume_multiple %and3A_196, 128 : i32
      %slice3A_198 = vector.extract_strided_slice %get3A_13 {offsets = [7], sizes = [1], strides = [1]} : vector<16xi32> to vector<1xi32>
      %squeeze3A_199 = vector.extract %slice3A_198[0] : i32 from vector<1xi32>
      %dma_start3A_200 = arith.constant 7 : i32
      %dma_start3A_201 = arith.constant 0 : i32
      %dma_start3A_202 = arith.constant 0 : i32
      %dma_start3A_203 = tpu.memref_slice %arg10[%dma_start3A_200, %dma_start3A_201, %dma_start3A_202] : memref<16x8x128xf32, #tpu.memory_space<vmem>> -> memref<1x8x128xf32, #tpu.memory_space<vmem>>
      %dma_start3A_204 = tpu.memref_squeeze %dma_start3A_203 : memref<1x8x128xf32, #tpu.memory_space<vmem>> -> memref<8x128xf32, #tpu.memory_space<vmem>>
      %dma_start3A_205 = tpu.memref_slice %arg5[%squeeze3A_199, %multiple_of3A_192, %multiple_of3A_197] : memref<339x64x5825xf32, #tpu.memory_space<hbm>> -> memref<1x8x128xf32, #tpu.memory_space<hbm>>
      %dma_start3A_206 = tpu.memref_squeeze %dma_start3A_205 : memref<1x8x128xf32, #tpu.memory_space<hbm>> -> memref<8x128xf32, #tpu.memory_space<hbm>>
      %dma_start3A_207 = arith.constant 0 : i32
      %dma_start3A_208 = arith.constant 0 : i32
      %dma_start3A_209 = tpu.memref_slice %arg10[%dma_start3A_200, %dma_start3A_207, %dma_start3A_208] : memref<16x8x128xf32, #tpu.memory_space<vmem>> -> memref<1x8x128xf32, #tpu.memory_space<vmem>>
      %dma_start3A_210 = tpu.memref_squeeze %dma_start3A_209 : memref<1x8x128xf32, #tpu.memory_space<vmem>> -> memref<8x128xf32, #tpu.memory_space<vmem>>
      %dma_start3A_211 = tpu.memref_slice %arg5[%squeeze3A_199, %multiple_of3A_192, %multiple_of3A_197] : memref<339x64x5825xf32, #tpu.memory_space<hbm>> -> memref<1x8x128xf32, #tpu.memory_space<hbm>>
      %dma_start3A_212 = tpu.memref_squeeze %dma_start3A_211 : memref<1x8x128xf32, #tpu.memory_space<hbm>> -> memref<8x128xf32, #tpu.memory_space<hbm>>
      tpu.enqueue_dma source(%dma_start3A_212 : memref<8x128xf32, #tpu.memory_space<hbm>>) target(%dma_start3A_210 : memref<8x128xf32, #tpu.memory_space<vmem>>) target_semaphore(%arg19 : memref<!tpu.dma_semaphore, #tpu.memory_space<semaphore_mem>>)
      %slice3A_213 = vector.extract_strided_slice %get3A_17 {offsets = [8], sizes = [1], strides = [1]} : vector<16xi32> to vector<1xi32>
      %squeeze3A_214 = vector.extract %slice3A_213[0] : i32 from vector<1xi32>
      %and3A_215 = arith.constant -8 : i32
      %and3A_216 = arith.andi %squeeze3A_214, %and3A_215 : i32
      %multiple_of3A_217 = tpu.assume_multiple %and3A_216, 8 : i32
      %slice3A_218 = vector.extract_strided_slice %get3A_15 {offsets = [8], sizes = [1], strides = [1]} : vector<16xi32> to vector<1xi32>
      %squeeze3A_219 = vector.extract %slice3A_218[0] : i32 from vector<1xi32>
      %and3A_220 = arith.constant -128 : i32
      %and3A_221 = arith.andi %squeeze3A_219, %and3A_220 : i32
      %multiple_of3A_222 = tpu.assume_multiple %and3A_221, 128 : i32
      %slice3A_223 = vector.extract_strided_slice %get3A_13 {offsets = [8], sizes = [1], strides = [1]} : vector<16xi32> to vector<1xi32>
      %squeeze3A_224 = vector.extract %slice3A_223[0] : i32 from vector<1xi32>
      %dma_start3A_225 = arith.constant 8 : i32
      %dma_start3A_226 = arith.constant 0 : i32
      %dma_start3A_227 = arith.constant 0 : i32
      %dma_start3A_228 = tpu.memref_slice %arg10[%dma_start3A_225, %dma_start3A_226, %dma_start3A_227] : memref<16x8x128xf32, #tpu.memory_space<vmem>> -> memref<1x8x128xf32, #tpu.memory_space<vmem>>
      %dma_start3A_229 = tpu.memref_squeeze %dma_start3A_228 : memref<1x8x128xf32, #tpu.memory_space<vmem>> -> memref<8x128xf32, #tpu.memory_space<vmem>>
      %dma_start3A_230 = tpu.memref_slice %arg5[%squeeze3A_224, %multiple_of3A_217, %multiple_of3A_222] : memref<339x64x5825xf32, #tpu.memory_space<hbm>> -> memref<1x8x128xf32, #tpu.memory_space<hbm>>
      %dma_start3A_231 = tpu.memref_squeeze %dma_start3A_230 : memref<1x8x128xf32, #tpu.memory_space<hbm>> -> memref<8x128xf32, #tpu.memory_space<hbm>>
      %dma_start3A_232 = arith.constant 0 : i32
      %dma_start3A_233 = arith.constant 0 : i32
      %dma_start3A_234 = tpu.memref_slice %arg10[%dma_start3A_225, %dma_start3A_232, %dma_start3A_233] : memref<16x8x128xf32, #tpu.memory_space<vmem>> -> memref<1x8x128xf32, #tpu.memory_space<vmem>>
      %dma_start3A_235 = tpu.memref_squeeze %dma_start3A_234 : memref<1x8x128xf32, #tpu.memory_space<vmem>> -> memref<8x128xf32, #tpu.memory_space<vmem>>
      %dma_start3A_236 = tpu.memref_slice %arg5[%squeeze3A_224, %multiple_of3A_217, %multiple_of3A_222] : memref<339x64x5825xf32, #tpu.memory_space<hbm>> -> memref<1x8x128xf32, #tpu.memory_space<hbm>>
      %dma_start3A_237 = tpu.memref_squeeze %dma_start3A_236 : memref<1x8x128xf32, #tpu.memory_space<hbm>> -> memref<8x128xf32, #tpu.memory_space<hbm>>
      tpu.enqueue_dma source(%dma_start3A_237 : memref<8x128xf32, #tpu.memory_space<hbm>>) target(%dma_start3A_235 : memref<8x128xf32, #tpu.memory_space<vmem>>) target_semaphore(%arg20 : memref<!tpu.dma_semaphore, #tpu.memory_space<semaphore_mem>>)
      %slice3A_238 = vector.extract_strided_slice %get3A_17 {offsets = [9], sizes = [1], strides = [1]} : vector<16xi32> to vector<1xi32>
      %squeeze3A_239 = vector.extract %slice3A_238[0] : i32 from vector<1xi32>
      %and3A_240 = arith.constant -8 : i32
      %and3A_241 = arith.andi %squeeze3A_239, %and3A_240 : i32
      %multiple_of3A_242 = tpu.assume_multiple %and3A_241, 8 : i32
      %slice3A_243 = vector.extract_strided_slice %get3A_15 {offsets = [9], sizes = [1], strides = [1]} : vector<16xi32> to vector<1xi32>
      %squeeze3A_244 = vector.extract %slice3A_243[0] : i32 from vector<1xi32>
      %and3A_245 = arith.constant -128 : i32
      %and3A_246 = arith.andi %squeeze3A_244, %and3A_245 : i32
      %multiple_of3A_247 = tpu.assume_multiple %and3A_246, 128 : i32
      %slice3A_248 = vector.extract_strided_slice %get3A_13 {offsets = [9], sizes = [1], strides = [1]} : vector<16xi32> to vector<1xi32>
      %squeeze3A_249 = vector.extract %slice3A_248[0] : i32 from vector<1xi32>
      %dma_start3A_250 = arith.constant 9 : i32
      %dma_start3A_251 = arith.constant 0 : i32
      %dma_start3A_252 = arith.constant 0 : i32
      %dma_start3A_253 = tpu.memref_slice %arg10[%dma_start3A_250, %dma_start3A_251, %dma_start3A_252] : memref<16x8x128xf32, #tpu.memory_space<vmem>> -> memref<1x8x128xf32, #tpu.memory_space<vmem>>
      %dma_start3A_254 = tpu.memref_squeeze %dma_start3A_253 : memref<1x8x128xf32, #tpu.memory_space<vmem>> -> memref<8x128xf32, #tpu.memory_space<vmem>>
      %dma_start3A_255 = tpu.memref_slice %arg5[%squeeze3A_249, %multiple_of3A_242, %multiple_of3A_247] : memref<339x64x5825xf32, #tpu.memory_space<hbm>> -> memref<1x8x128xf32, #tpu.memory_space<hbm>>
      %dma_start3A_256 = tpu.memref_squeeze %dma_start3A_255 : memref<1x8x128xf32, #tpu.memory_space<hbm>> -> memref<8x128xf32, #tpu.memory_space<hbm>>
      %dma_start3A_257 = arith.constant 0 : i32
      %dma_start3A_258 = arith.constant 0 : i32
      %dma_start3A_259 = tpu.memref_slice %arg10[%dma_start3A_250, %dma_start3A_257, %dma_start3A_258] : memref<16x8x128xf32, #tpu.memory_space<vmem>> -> memref<1x8x128xf32, #tpu.memory_space<vmem>>
      %dma_start3A_260 = tpu.memref_squeeze %dma_start3A_259 : memref<1x8x128xf32, #tpu.memory_space<vmem>> -> memref<8x128xf32, #tpu.memory_space<vmem>>
      %dma_start3A_261 = tpu.memref_slice %arg5[%squeeze3A_249, %multiple_of3A_242, %multiple_of3A_247] : memref<339x64x5825xf32, #tpu.memory_space<hbm>> -> memref<1x8x128xf32, #tpu.memory_space<hbm>>
      %dma_start3A_262 = tpu.memref_squeeze %dma_start3A_261 : memref<1x8x128xf32, #tpu.memory_space<hbm>> -> memref<8x128xf32, #tpu.memory_space<hbm>>
      tpu.enqueue_dma source(%dma_start3A_262 : memref<8x128xf32, #tpu.memory_space<hbm>>) target(%dma_start3A_260 : memref<8x128xf32, #tpu.memory_space<vmem>>) target_semaphore(%arg21 : memref<!tpu.dma_semaphore, #tpu.memory_space<semaphore_mem>>)
      %slice3A_263 = vector.extract_strided_slice %get3A_17 {offsets = [10], sizes = [1], strides = [1]} : vector<16xi32> to vector<1xi32>
      %squeeze3A_264 = vector.extract %slice3A_263[0] : i32 from vector<1xi32>
      %and3A_265 = arith.constant -8 : i32
      %and3A_266 = arith.andi %squeeze3A_264, %and3A_265 : i32
      %multiple_of3A_267 = tpu.assume_multiple %and3A_266, 8 : i32
      %slice3A_268 = vector.extract_strided_slice %get3A_15 {offsets = [10], sizes = [1], strides = [1]} : vector<16xi32> to vector<1xi32>
      %squeeze3A_269 = vector.extract %slice3A_268[0] : i32 from vector<1xi32>
      %and3A_270 = arith.constant -128 : i32
      %and3A_271 = arith.andi %squeeze3A_269, %and3A_270 : i32
      %multiple_of3A_272 = tpu.assume_multiple %and3A_271, 128 : i32
      %slice3A_273 = vector.extract_strided_slice %get3A_13 {offsets = [10], sizes = [1], strides = [1]} : vector<16xi32> to vector<1xi32>
      %squeeze3A_274 = vector.extract %slice3A_273[0] : i32 from vector<1xi32>
      %dma_start3A_275 = arith.constant 10 : i32
      %dma_start3A_276 = arith.constant 0 : i32
      %dma_start3A_277 = arith.constant 0 : i32
      %dma_start3A_278 = tpu.memref_slice %arg10[%dma_start3A_275, %dma_start3A_276, %dma_start3A_277] : memref<16x8x128xf32, #tpu.memory_space<vmem>> -> memref<1x8x128xf32, #tpu.memory_space<vmem>>
      %dma_start3A_279 = tpu.memref_squeeze %dma_start3A_278 : memref<1x8x128xf32, #tpu.memory_space<vmem>> -> memref<8x128xf32, #tpu.memory_space<vmem>>
      %dma_start3A_280 = tpu.memref_slice %arg5[%squeeze3A_274, %multiple_of3A_267, %multiple_of3A_272] : memref<339x64x5825xf32, #tpu.memory_space<hbm>> -> memref<1x8x128xf32, #tpu.memory_space<hbm>>
      %dma_start3A_281 = tpu.memref_squeeze %dma_start3A_280 : memref<1x8x128xf32, #tpu.memory_space<hbm>> -> memref<8x128xf32, #tpu.memory_space<hbm>>
      %dma_start3A_282 = arith.constant 0 : i32
      %dma_start3A_283 = arith.constant 0 : i32
      %dma_start3A_284 = tpu.memref_slice %arg10[%dma_start3A_275, %dma_start3A_282, %dma_start3A_283] : memref<16x8x128xf32, #tpu.memory_space<vmem>> -> memref<1x8x128xf32, #tpu.memory_space<vmem>>
      %dma_start3A_285 = tpu.memref_squeeze %dma_start3A_284 : memref<1x8x128xf32, #tpu.memory_space<vmem>> -> memref<8x128xf32, #tpu.memory_space<vmem>>
      %dma_start3A_286 = tpu.memref_slice %arg5[%squeeze3A_274, %multiple_of3A_267, %multiple_of3A_272] : memref<339x64x5825xf32, #tpu.memory_space<hbm>> -> memref<1x8x128xf32, #tpu.memory_space<hbm>>
      %dma_start3A_287 = tpu.memref_squeeze %dma_start3A_286 : memref<1x8x128xf32, #tpu.memory_space<hbm>> -> memref<8x128xf32, #tpu.memory_space<hbm>>
      tpu.enqueue_dma source(%dma_start3A_287 : memref<8x128xf32, #tpu.memory_space<hbm>>) target(%dma_start3A_285 : memref<8x128xf32, #tpu.memory_space<vmem>>) target_semaphore(%arg22 : memref<!tpu.dma_semaphore, #tpu.memory_space<semaphore_mem>>)
      %slice3A_288 = vector.extract_strided_slice %get3A_17 {offsets = [11], sizes = [1], strides = [1]} : vector<16xi32> to vector<1xi32>
      %squeeze3A_289 = vector.extract %slice3A_288[0] : i32 from vector<1xi32>
      %and3A_290 = arith.constant -8 : i32
      %and3A_291 = arith.andi %squeeze3A_289, %and3A_290 : i32
      %multiple_of3A_292 = tpu.assume_multiple %and3A_291, 8 : i32
      %slice3A_293 = vector.extract_strided_slice %get3A_15 {offsets = [11], sizes = [1], strides = [1]} : vector<16xi32> to vector<1xi32>
      %squeeze3A_294 = vector.extract %slice3A_293[0] : i32 from vector<1xi32>
      %and3A_295 = arith.constant -128 : i32
      %and3A_296 = arith.andi %squeeze3A_294, %and3A_295 : i32
      %multiple_of3A_297 = tpu.assume_multiple %and3A_296, 128 : i32
      %slice3A_298 = vector.extract_strided_slice %get3A_13 {offsets = [11], sizes = [1], strides = [1]} : vector<16xi32> to vector<1xi32>
      %squeeze3A_299 = vector.extract %slice3A_298[0] : i32 from vector<1xi32>
      %dma_start3A_300 = arith.constant 11 : i32
      %dma_start3A_301 = arith.constant 0 : i32
      %dma_start3A_302 = arith.constant 0 : i32
      %dma_start3A_303 = tpu.memref_slice %arg10[%dma_start3A_300, %dma_start3A_301, %dma_start3A_302] : memref<16x8x128xf32, #tpu.memory_space<vmem>> -> memref<1x8x128xf32, #tpu.memory_space<vmem>>
      %dma_start3A_304 = tpu.memref_squeeze %dma_start3A_303 : memref<1x8x128xf32, #tpu.memory_space<vmem>> -> memref<8x128xf32, #tpu.memory_space<vmem>>
      %dma_start3A_305 = tpu.memref_slice %arg5[%squeeze3A_299, %multiple_of3A_292, %multiple_of3A_297] : memref<339x64x5825xf32, #tpu.memory_space<hbm>> -> memref<1x8x128xf32, #tpu.memory_space<hbm>>
      %dma_start3A_306 = tpu.memref_squeeze %dma_start3A_305 : memref<1x8x128xf32, #tpu.memory_space<hbm>> -> memref<8x128xf32, #tpu.memory_space<hbm>>
      %dma_start3A_307 = arith.constant 0 : i32
      %dma_start3A_308 = arith.constant 0 : i32
      %dma_start3A_309 = tpu.memref_slice %arg10[%dma_start3A_300, %dma_start3A_307, %dma_start3A_308] : memref<16x8x128xf32, #tpu.memory_space<vmem>> -> memref<1x8x128xf32, #tpu.memory_space<vmem>>
      %dma_start3A_310 = tpu.memref_squeeze %dma_start3A_309 : memref<1x8x128xf32, #tpu.memory_space<vmem>> -> memref<8x128xf32, #tpu.memory_space<vmem>>
      %dma_start3A_311 = tpu.memref_slice %arg5[%squeeze3A_299, %multiple_of3A_292, %multiple_of3A_297] : memref<339x64x5825xf32, #tpu.memory_space<hbm>> -> memref<1x8x128xf32, #tpu.memory_space<hbm>>
      %dma_start3A_312 = tpu.memref_squeeze %dma_start3A_311 : memref<1x8x128xf32, #tpu.memory_space<hbm>> -> memref<8x128xf32, #tpu.memory_space<hbm>>
      tpu.enqueue_dma source(%dma_start3A_312 : memref<8x128xf32, #tpu.memory_space<hbm>>) target(%dma_start3A_310 : memref<8x128xf32, #tpu.memory_space<vmem>>) target_semaphore(%arg23 : memref<!tpu.dma_semaphore, #tpu.memory_space<semaphore_mem>>)
      %slice3A_313 = vector.extract_strided_slice %get3A_17 {offsets = [12], sizes = [1], strides = [1]} : vector<16xi32> to vector<1xi32>
      %squeeze3A_314 = vector.extract %slice3A_313[0] : i32 from vector<1xi32>
      %and3A_315 = arith.constant -8 : i32
      %and3A_316 = arith.andi %squeeze3A_314, %and3A_315 : i32
      %multiple_of3A_317 = tpu.assume_multiple %and3A_316, 8 : i32
      %slice3A_318 = vector.extract_strided_slice %get3A_15 {offsets = [12], sizes = [1], strides = [1]} : vector<16xi32> to vector<1xi32>
      %squeeze3A_319 = vector.extract %slice3A_318[0] : i32 from vector<1xi32>
      %and3A_320 = arith.constant -128 : i32
      %and3A_321 = arith.andi %squeeze3A_319, %and3A_320 : i32
      %multiple_of3A_322 = tpu.assume_multiple %and3A_321, 128 : i32
      %slice3A_323 = vector.extract_strided_slice %get3A_13 {offsets = [12], sizes = [1], strides = [1]} : vector<16xi32> to vector<1xi32>
      %squeeze3A_324 = vector.extract %slice3A_323[0] : i32 from vector<1xi32>
      %dma_start3A_325 = arith.constant 12 : i32
      %dma_start3A_326 = arith.constant 0 : i32
      %dma_start3A_327 = arith.constant 0 : i32
      %dma_start3A_328 = tpu.memref_slice %arg10[%dma_start3A_325, %dma_start3A_326, %dma_start3A_327] : memref<16x8x128xf32, #tpu.memory_space<vmem>> -> memref<1x8x128xf32, #tpu.memory_space<vmem>>
      %dma_start3A_329 = tpu.memref_squeeze %dma_start3A_328 : memref<1x8x128xf32, #tpu.memory_space<vmem>> -> memref<8x128xf32, #tpu.memory_space<vmem>>
      %dma_start3A_330 = tpu.memref_slice %arg5[%squeeze3A_324, %multiple_of3A_317, %multiple_of3A_322] : memref<339x64x5825xf32, #tpu.memory_space<hbm>> -> memref<1x8x128xf32, #tpu.memory_space<hbm>>
      %dma_start3A_331 = tpu.memref_squeeze %dma_start3A_330 : memref<1x8x128xf32, #tpu.memory_space<hbm>> -> memref<8x128xf32, #tpu.memory_space<hbm>>
      %dma_start3A_332 = arith.constant 0 : i32
      %dma_start3A_333 = arith.constant 0 : i32
      %dma_start3A_334 = tpu.memref_slice %arg10[%dma_start3A_325, %dma_start3A_332, %dma_start3A_333] : memref<16x8x128xf32, #tpu.memory_space<vmem>> -> memref<1x8x128xf32, #tpu.memory_space<vmem>>
      %dma_start3A_335 = tpu.memref_squeeze %dma_start3A_334 : memref<1x8x128xf32, #tpu.memory_space<vmem>> -> memref<8x128xf32, #tpu.memory_space<vmem>>
      %dma_start3A_336 = tpu.memref_slice %arg5[%squeeze3A_324, %multiple_of3A_317, %multiple_of3A_322] : memref<339x64x5825xf32, #tpu.memory_space<hbm>> -> memref<1x8x128xf32, #tpu.memory_space<hbm>>
      %dma_start3A_337 = tpu.memref_squeeze %dma_start3A_336 : memref<1x8x128xf32, #tpu.memory_space<hbm>> -> memref<8x128xf32, #tpu.memory_space<hbm>>
      tpu.enqueue_dma source(%dma_start3A_337 : memref<8x128xf32, #tpu.memory_space<hbm>>) target(%dma_start3A_335 : memref<8x128xf32, #tpu.memory_space<vmem>>) target_semaphore(%arg24 : memref<!tpu.dma_semaphore, #tpu.memory_space<semaphore_mem>>)
      %slice3A_338 = vector.extract_strided_slice %get3A_17 {offsets = [13], sizes = [1], strides = [1]} : vector<16xi32> to vector<1xi32>
      %squeeze3A_339 = vector.extract %slice3A_338[0] : i32 from vector<1xi32>
      %and3A_340 = arith.constant -8 : i32
      %and3A_341 = arith.andi %squeeze3A_339, %and3A_340 : i32
      %multiple_of3A_342 = tpu.assume_multiple %and3A_341, 8 : i32
      %slice3A_343 = vector.extract_strided_slice %get3A_15 {offsets = [13], sizes = [1], strides = [1]} : vector<16xi32> to vector<1xi32>
      %squeeze3A_344 = vector.extract %slice3A_343[0] : i32 from vector<1xi32>
      %and3A_345 = arith.constant -128 : i32
      %and3A_346 = arith.andi %squeeze3A_344, %and3A_345 : i32
      %multiple_of3A_347 = tpu.assume_multiple %and3A_346, 128 : i32
      %slice3A_348 = vector.extract_strided_slice %get3A_13 {offsets = [13], sizes = [1], strides = [1]} : vector<16xi32> to vector<1xi32>
      %squeeze3A_349 = vector.extract %slice3A_348[0] : i32 from vector<1xi32>
      %dma_start3A_350 = arith.constant 13 : i32
      %dma_start3A_351 = arith.constant 0 : i32
      %dma_start3A_352 = arith.constant 0 : i32
      %dma_start3A_353 = tpu.memref_slice %arg10[%dma_start3A_350, %dma_start3A_351, %dma_start3A_352] : memref<16x8x128xf32, #tpu.memory_space<vmem>> -> memref<1x8x128xf32, #tpu.memory_space<vmem>>
      %dma_start3A_354 = tpu.memref_squeeze %dma_start3A_353 : memref<1x8x128xf32, #tpu.memory_space<vmem>> -> memref<8x128xf32, #tpu.memory_space<vmem>>
      %dma_start3A_355 = tpu.memref_slice %arg5[%squeeze3A_349, %multiple_of3A_342, %multiple_of3A_347] : memref<339x64x5825xf32, #tpu.memory_space<hbm>> -> memref<1x8x128xf32, #tpu.memory_space<hbm>>
      %dma_start3A_356 = tpu.memref_squeeze %dma_start3A_355 : memref<1x8x128xf32, #tpu.memory_space<hbm>> -> memref<8x128xf32, #tpu.memory_space<hbm>>
      %dma_start3A_357 = arith.constant 0 : i32
      %dma_start3A_358 = arith.constant 0 : i32
      %dma_start3A_359 = tpu.memref_slice %arg10[%dma_start3A_350, %dma_start3A_357, %dma_start3A_358] : memref<16x8x128xf32, #tpu.memory_space<vmem>> -> memref<1x8x128xf32, #tpu.memory_space<vmem>>
      %dma_start3A_360 = tpu.memref_squeeze %dma_start3A_359 : memref<1x8x128xf32, #tpu.memory_space<vmem>> -> memref<8x128xf32, #tpu.memory_space<vmem>>
      %dma_start3A_361 = tpu.memref_slice %arg5[%squeeze3A_349, %multiple_of3A_342, %multiple_of3A_347] : memref<339x64x5825xf32, #tpu.memory_space<hbm>> -> memref<1x8x128xf32, #tpu.memory_space<hbm>>
      %dma_start3A_362 = tpu.memref_squeeze %dma_start3A_361 : memref<1x8x128xf32, #tpu.memory_space<hbm>> -> memref<8x128xf32, #tpu.memory_space<hbm>>
      tpu.enqueue_dma source(%dma_start3A_362 : memref<8x128xf32, #tpu.memory_space<hbm>>) target(%dma_start3A_360 : memref<8x128xf32, #tpu.memory_space<vmem>>) target_semaphore(%arg25 : memref<!tpu.dma_semaphore, #tpu.memory_space<semaphore_mem>>)
      %slice3A_363 = vector.extract_strided_slice %get3A_17 {offsets = [14], sizes = [1], strides = [1]} : vector<16xi32> to vector<1xi32>
      %squeeze3A_364 = vector.extract %slice3A_363[0] : i32 from vector<1xi32>
      %and3A_365 = arith.constant -8 : i32
      %and3A_366 = arith.andi %squeeze3A_364, %and3A_365 : i32
      %multiple_of3A_367 = tpu.assume_multiple %and3A_366, 8 : i32
      %slice3A_368 = vector.extract_strided_slice %get3A_15 {offsets = [14], sizes = [1], strides = [1]} : vector<16xi32> to vector<1xi32>
      %squeeze3A_369 = vector.extract %slice3A_368[0] : i32 from vector<1xi32>
      %and3A_370 = arith.constant -128 : i32
      %and3A_371 = arith.andi %squeeze3A_369, %and3A_370 : i32
      %multiple_of3A_372 = tpu.assume_multiple %and3A_371, 128 : i32
      %slice3A_373 = vector.extract_strided_slice %get3A_13 {offsets = [14], sizes = [1], strides = [1]} : vector<16xi32> to vector<1xi32>
      %squeeze3A_374 = vector.extract %slice3A_373[0] : i32 from vector<1xi32>
      %dma_start3A_375 = arith.constant 14 : i32
      %dma_start3A_376 = arith.constant 0 : i32
      %dma_start3A_377 = arith.constant 0 : i32
      %dma_start3A_378 = tpu.memref_slice %arg10[%dma_start3A_375, %dma_start3A_376, %dma_start3A_377] : memref<16x8x128xf32, #tpu.memory_space<vmem>> -> memref<1x8x128xf32, #tpu.memory_space<vmem>>
      %dma_start3A_379 = tpu.memref_squeeze %dma_start3A_378 : memref<1x8x128xf32, #tpu.memory_space<vmem>> -> memref<8x128xf32, #tpu.memory_space<vmem>>
      %dma_start3A_380 = tpu.memref_slice %arg5[%squeeze3A_374, %multiple_of3A_367, %multiple_of3A_372] : memref<339x64x5825xf32, #tpu.memory_space<hbm>> -> memref<1x8x128xf32, #tpu.memory_space<hbm>>
      %dma_start3A_381 = tpu.memref_squeeze %dma_start3A_380 : memref<1x8x128xf32, #tpu.memory_space<hbm>> -> memref<8x128xf32, #tpu.memory_space<hbm>>
      %dma_start3A_382 = arith.constant 0 : i32
      %dma_start3A_383 = arith.constant 0 : i32
      %dma_start3A_384 = tpu.memref_slice %arg10[%dma_start3A_375, %dma_start3A_382, %dma_start3A_383] : memref<16x8x128xf32, #tpu.memory_space<vmem>> -> memref<1x8x128xf32, #tpu.memory_space<vmem>>
      %dma_start3A_385 = tpu.memref_squeeze %dma_start3A_384 : memref<1x8x128xf32, #tpu.memory_space<vmem>> -> memref<8x128xf32, #tpu.memory_space<vmem>>
      %dma_start3A_386 = tpu.memref_slice %arg5[%squeeze3A_374, %multiple_of3A_367, %multiple_of3A_372] : memref<339x64x5825xf32, #tpu.memory_space<hbm>> -> memref<1x8x128xf32, #tpu.memory_space<hbm>>
      %dma_start3A_387 = tpu.memref_squeeze %dma_start3A_386 : memref<1x8x128xf32, #tpu.memory_space<hbm>> -> memref<8x128xf32, #tpu.memory_space<hbm>>
      tpu.enqueue_dma source(%dma_start3A_387 : memref<8x128xf32, #tpu.memory_space<hbm>>) target(%dma_start3A_385 : memref<8x128xf32, #tpu.memory_space<vmem>>) target_semaphore(%arg26 : memref<!tpu.dma_semaphore, #tpu.memory_space<semaphore_mem>>)
      %slice3A_388 = vector.extract_strided_slice %get3A_17 {offsets = [15], sizes = [1], strides = [1]} : vector<16xi32> to vector<1xi32>
      %squeeze3A_389 = vector.extract %slice3A_388[0] : i32 from vector<1xi32>
      %and3A_390 = arith.constant -8 : i32
      %and3A_391 = arith.andi %squeeze3A_389, %and3A_390 : i32
      %multiple_of3A_392 = tpu.assume_multiple %and3A_391, 8 : i32
      %slice3A_393 = vector.extract_strided_slice %get3A_15 {offsets = [15], sizes = [1], strides = [1]} : vector<16xi32> to vector<1xi32>
      %squeeze3A_394 = vector.extract %slice3A_393[0] : i32 from vector<1xi32>
      %and3A_395 = arith.constant -128 : i32
      %and3A_396 = arith.andi %squeeze3A_394, %and3A_395 : i32
      %multiple_of3A_397 = tpu.assume_multiple %and3A_396, 128 : i32
      %slice3A_398 = vector.extract_strided_slice %get3A_13 {offsets = [15], sizes = [1], strides = [1]} : vector<16xi32> to vector<1xi32>
      %squeeze3A_399 = vector.extract %slice3A_398[0] : i32 from vector<1xi32>
      %dma_start3A_400 = arith.constant 15 : i32
      %dma_start3A_401 = arith.constant 0 : i32
      %dma_start3A_402 = arith.constant 0 : i32
      %dma_start3A_403 = tpu.memref_slice %arg10[%dma_start3A_400, %dma_start3A_401, %dma_start3A_402] : memref<16x8x128xf32, #tpu.memory_space<vmem>> -> memref<1x8x128xf32, #tpu.memory_space<vmem>>
      %dma_start3A_404 = tpu.memref_squeeze %dma_start3A_403 : memref<1x8x128xf32, #tpu.memory_space<vmem>> -> memref<8x128xf32, #tpu.memory_space<vmem>>
      %dma_start3A_405 = tpu.memref_slice %arg5[%squeeze3A_399, %multiple_of3A_392, %multiple_of3A_397] : memref<339x64x5825xf32, #tpu.memory_space<hbm>> -> memref<1x8x128xf32, #tpu.memory_space<hbm>>
      %dma_start3A_406 = tpu.memref_squeeze %dma_start3A_405 : memref<1x8x128xf32, #tpu.memory_space<hbm>> -> memref<8x128xf32, #tpu.memory_space<hbm>>
      %dma_start3A_407 = arith.constant 0 : i32
      %dma_start3A_408 = arith.constant 0 : i32
      %dma_start3A_409 = tpu.memref_slice %arg10[%dma_start3A_400, %dma_start3A_407, %dma_start3A_408] : memref<16x8x128xf32, #tpu.memory_space<vmem>> -> memref<1x8x128xf32, #tpu.memory_space<vmem>>
      %dma_start3A_410 = tpu.memref_squeeze %dma_start3A_409 : memref<1x8x128xf32, #tpu.memory_space<vmem>> -> memref<8x128xf32, #tpu.memory_space<vmem>>
      %dma_start3A_411 = tpu.memref_slice %arg5[%squeeze3A_399, %multiple_of3A_392, %multiple_of3A_397] : memref<339x64x5825xf32, #tpu.memory_space<hbm>> -> memref<1x8x128xf32, #tpu.memory_space<hbm>>
      %dma_start3A_412 = tpu.memref_squeeze %dma_start3A_411 : memref<1x8x128xf32, #tpu.memory_space<hbm>> -> memref<8x128xf32, #tpu.memory_space<hbm>>
      tpu.enqueue_dma source(%dma_start3A_412 : memref<8x128xf32, #tpu.memory_space<hbm>>) target(%dma_start3A_410 : memref<8x128xf32, #tpu.memory_space<vmem>>) target_semaphore(%arg27 : memref<!tpu.dma_semaphore, #tpu.memory_space<semaphore_mem>>)
      %dma_wait3A = arith.constant 0 : i32
      %dma_wait3A_413 = arith.constant 0 : i32
      %dma_wait3A_414 = arith.constant 0 : i32
      %dma_wait3A_415 = tpu.memref_slice %arg10[%dma_wait3A, %dma_wait3A_413, %dma_wait3A_414] : memref<16x8x128xf32, #tpu.memory_space<vmem>> -> memref<1x8x128xf32, #tpu.memory_space<vmem>>
      %dma_wait3A_416 = tpu.memref_squeeze %dma_wait3A_415 : memref<1x8x128xf32, #tpu.memory_space<vmem>> -> memref<8x128xf32, #tpu.memory_space<vmem>>
      %dma_wait3A_417 = tpu.memref_slice %arg5[%squeeze3A_25, %multiple_of3A, %multiple_of3A_23] : memref<339x64x5825xf32, #tpu.memory_space<hbm>> -> memref<1x8x128xf32, #tpu.memory_space<hbm>>
      %dma_wait3A_418 = tpu.memref_squeeze %dma_wait3A_417 : memref<1x8x128xf32, #tpu.memory_space<hbm>> -> memref<8x128xf32, #tpu.memory_space<hbm>>
      %dma_wait3A_419 = arith.constant 0 : i32
      %dma_wait3A_420 = arith.constant 0 : i32
      %dma_wait3A_421 = tpu.memref_slice %arg10[%dma_wait3A, %dma_wait3A_419, %dma_wait3A_420] : memref<16x8x128xf32, #tpu.memory_space<vmem>> -> memref<1x8x128xf32, #tpu.memory_space<vmem>>
      %dma_wait3A_422 = tpu.memref_squeeze %dma_wait3A_421 : memref<1x8x128xf32, #tpu.memory_space<vmem>> -> memref<8x128xf32, #tpu.memory_space<vmem>>
      %dma_wait3A_423 = tpu.memref_slice %arg5[%squeeze3A_25, %multiple_of3A, %multiple_of3A_23] : memref<339x64x5825xf32, #tpu.memory_space<hbm>> -> memref<1x8x128xf32, #tpu.memory_space<hbm>>
      %dma_wait3A_424 = tpu.memref_squeeze %dma_wait3A_423 : memref<1x8x128xf32, #tpu.memory_space<hbm>> -> memref<8x128xf32, #tpu.memory_space<hbm>>
      tpu.wait_dma2 semaphore(%arg12 : memref<!tpu.dma_semaphore, #tpu.memory_space<semaphore_mem>>) src(%dma_wait3A_424 : memref<8x128xf32, #tpu.memory_space<hbm>>) dst(%dma_wait3A_422 : memref<8x128xf32, #tpu.memory_space<vmem>>)
      %dma_wait3A_425 = arith.constant 1 : i32
      %dma_wait3A_426 = arith.constant 0 : i32
      %dma_wait3A_427 = arith.constant 0 : i32
      %dma_wait3A_428 = tpu.memref_slice %arg10[%dma_wait3A_425, %dma_wait3A_426, %dma_wait3A_427] : memref<16x8x128xf32, #tpu.memory_space<vmem>> -> memref<1x8x128xf32, #tpu.memory_space<vmem>>
      %dma_wait3A_429 = tpu.memref_squeeze %dma_wait3A_428 : memref<1x8x128xf32, #tpu.memory_space<vmem>> -> memref<8x128xf32, #tpu.memory_space<vmem>>
      %dma_wait3A_430 = tpu.memref_slice %arg5[%squeeze3A_49, %multiple_of3A_42, %multiple_of3A_47] : memref<339x64x5825xf32, #tpu.memory_space<hbm>> -> memref<1x8x128xf32, #tpu.memory_space<hbm>>
      %dma_wait3A_431 = tpu.memref_squeeze %dma_wait3A_430 : memref<1x8x128xf32, #tpu.memory_space<hbm>> -> memref<8x128xf32, #tpu.memory_space<hbm>>
      %dma_wait3A_432 = arith.constant 0 : i32
      %dma_wait3A_433 = arith.constant 0 : i32
      %dma_wait3A_434 = tpu.memref_slice %arg10[%dma_wait3A_425, %dma_wait3A_432, %dma_wait3A_433] : memref<16x8x128xf32, #tpu.memory_space<vmem>> -> memref<1x8x128xf32, #tpu.memory_space<vmem>>
      %dma_wait3A_435 = tpu.memref_squeeze %dma_wait3A_434 : memref<1x8x128xf32, #tpu.memory_space<vmem>> -> memref<8x128xf32, #tpu.memory_space<vmem>>
      %dma_wait3A_436 = tpu.memref_slice %arg5[%squeeze3A_49, %multiple_of3A_42, %multiple_of3A_47] : memref<339x64x5825xf32, #tpu.memory_space<hbm>> -> memref<1x8x128xf32, #tpu.memory_space<hbm>>
      %dma_wait3A_437 = tpu.memref_squeeze %dma_wait3A_436 : memref<1x8x128xf32, #tpu.memory_space<hbm>> -> memref<8x128xf32, #tpu.memory_space<hbm>>
      tpu.wait_dma2 semaphore(%arg13 : memref<!tpu.dma_semaphore, #tpu.memory_space<semaphore_mem>>) src(%dma_wait3A_437 : memref<8x128xf32, #tpu.memory_space<hbm>>) dst(%dma_wait3A_435 : memref<8x128xf32, #tpu.memory_space<vmem>>)
      %dma_wait3A_438 = arith.constant 2 : i32
      %dma_wait3A_439 = arith.constant 0 : i32
      %dma_wait3A_440 = arith.constant 0 : i32
      %dma_wait3A_441 = tpu.memref_slice %arg10[%dma_wait3A_438, %dma_wait3A_439, %dma_wait3A_440] : memref<16x8x128xf32, #tpu.memory_space<vmem>> -> memref<1x8x128xf32, #tpu.memory_space<vmem>>
      %dma_wait3A_442 = tpu.memref_squeeze %dma_wait3A_441 : memref<1x8x128xf32, #tpu.memory_space<vmem>> -> memref<8x128xf32, #tpu.memory_space<vmem>>
      %dma_wait3A_443 = tpu.memref_slice %arg5[%squeeze3A_74, %multiple_of3A_67, %multiple_of3A_72] : memref<339x64x5825xf32, #tpu.memory_space<hbm>> -> memref<1x8x128xf32, #tpu.memory_space<hbm>>
      %dma_wait3A_444 = tpu.memref_squeeze %dma_wait3A_443 : memref<1x8x128xf32, #tpu.memory_space<hbm>> -> memref<8x128xf32, #tpu.memory_space<hbm>>
      %dma_wait3A_445 = arith.constant 0 : i32
      %dma_wait3A_446 = arith.constant 0 : i32
      %dma_wait3A_447 = tpu.memref_slice %arg10[%dma_wait3A_438, %dma_wait3A_445, %dma_wait3A_446] : memref<16x8x128xf32, #tpu.memory_space<vmem>> -> memref<1x8x128xf32, #tpu.memory_space<vmem>>
      %dma_wait3A_448 = tpu.memref_squeeze %dma_wait3A_447 : memref<1x8x128xf32, #tpu.memory_space<vmem>> -> memref<8x128xf32, #tpu.memory_space<vmem>>
      %dma_wait3A_449 = tpu.memref_slice %arg5[%squeeze3A_74, %multiple_of3A_67, %multiple_of3A_72] : memref<339x64x5825xf32, #tpu.memory_space<hbm>> -> memref<1x8x128xf32, #tpu.memory_space<hbm>>
      %dma_wait3A_450 = tpu.memref_squeeze %dma_wait3A_449 : memref<1x8x128xf32, #tpu.memory_space<hbm>> -> memref<8x128xf32, #tpu.memory_space<hbm>>
      tpu.wait_dma2 semaphore(%arg14 : memref<!tpu.dma_semaphore, #tpu.memory_space<semaphore_mem>>) src(%dma_wait3A_450 : memref<8x128xf32, #tpu.memory_space<hbm>>) dst(%dma_wait3A_448 : memref<8x128xf32, #tpu.memory_space<vmem>>)
      %dma_wait3A_451 = arith.constant 3 : i32
      %dma_wait3A_452 = arith.constant 0 : i32
      %dma_wait3A_453 = arith.constant 0 : i32
      %dma_wait3A_454 = tpu.memref_slice %arg10[%dma_wait3A_451, %dma_wait3A_452, %dma_wait3A_453] : memref<16x8x128xf32, #tpu.memory_space<vmem>> -> memref<1x8x128xf32, #tpu.memory_space<vmem>>
      %dma_wait3A_455 = tpu.memref_squeeze %dma_wait3A_454 : memref<1x8x128xf32, #tpu.memory_space<vmem>> -> memref<8x128xf32, #tpu.memory_space<vmem>>
      %dma_wait3A_456 = tpu.memref_slice %arg5[%squeeze3A_99, %multiple_of3A_92, %multiple_of3A_97] : memref<339x64x5825xf32, #tpu.memory_space<hbm>> -> memref<1x8x128xf32, #tpu.memory_space<hbm>>
      %dma_wait3A_457 = tpu.memref_squeeze %dma_wait3A_456 : memref<1x8x128xf32, #tpu.memory_space<hbm>> -> memref<8x128xf32, #tpu.memory_space<hbm>>
      %dma_wait3A_458 = arith.constant 0 : i32
      %dma_wait3A_459 = arith.constant 0 : i32
      %dma_wait3A_460 = tpu.memref_slice %arg10[%dma_wait3A_451, %dma_wait3A_458, %dma_wait3A_459] : memref<16x8x128xf32, #tpu.memory_space<vmem>> -> memref<1x8x128xf32, #tpu.memory_space<vmem>>
      %dma_wait3A_461 = tpu.memref_squeeze %dma_wait3A_460 : memref<1x8x128xf32, #tpu.memory_space<vmem>> -> memref<8x128xf32, #tpu.memory_space<vmem>>
      %dma_wait3A_462 = tpu.memref_slice %arg5[%squeeze3A_99, %multiple_of3A_92, %multiple_of3A_97] : memref<339x64x5825xf32, #tpu.memory_space<hbm>> -> memref<1x8x128xf32, #tpu.memory_space<hbm>>
      %dma_wait3A_463 = tpu.memref_squeeze %dma_wait3A_462 : memref<1x8x128xf32, #tpu.memory_space<hbm>> -> memref<8x128xf32, #tpu.memory_space<hbm>>
      tpu.wait_dma2 semaphore(%arg15 : memref<!tpu.dma_semaphore, #tpu.memory_space<semaphore_mem>>) src(%dma_wait3A_463 : memref<8x128xf32, #tpu.memory_space<hbm>>) dst(%dma_wait3A_461 : memref<8x128xf32, #tpu.memory_space<vmem>>)
      %dma_wait3A_464 = arith.constant 4 : i32
      %dma_wait3A_465 = arith.constant 0 : i32
      %dma_wait3A_466 = arith.constant 0 : i32
      %dma_wait3A_467 = tpu.memref_slice %arg10[%dma_wait3A_464, %dma_wait3A_465, %dma_wait3A_466] : memref<16x8x128xf32, #tpu.memory_space<vmem>> -> memref<1x8x128xf32, #tpu.memory_space<vmem>>
      %dma_wait3A_468 = tpu.memref_squeeze %dma_wait3A_467 : memref<1x8x128xf32, #tpu.memory_space<vmem>> -> memref<8x128xf32, #tpu.memory_space<vmem>>
      %dma_wait3A_469 = tpu.memref_slice %arg5[%squeeze3A_124, %multiple_of3A_117, %multiple_of3A_122] : memref<339x64x5825xf32, #tpu.memory_space<hbm>> -> memref<1x8x128xf32, #tpu.memory_space<hbm>>
      %dma_wait3A_470 = tpu.memref_squeeze %dma_wait3A_469 : memref<1x8x128xf32, #tpu.memory_space<hbm>> -> memref<8x128xf32, #tpu.memory_space<hbm>>
      %dma_wait3A_471 = arith.constant 0 : i32
      %dma_wait3A_472 = arith.constant 0 : i32
      %dma_wait3A_473 = tpu.memref_slice %arg10[%dma_wait3A_464, %dma_wait3A_471, %dma_wait3A_472] : memref<16x8x128xf32, #tpu.memory_space<vmem>> -> memref<1x8x128xf32, #tpu.memory_space<vmem>>
      %dma_wait3A_474 = tpu.memref_squeeze %dma_wait3A_473 : memref<1x8x128xf32, #tpu.memory_space<vmem>> -> memref<8x128xf32, #tpu.memory_space<vmem>>
      %dma_wait3A_475 = tpu.memref_slice %arg5[%squeeze3A_124, %multiple_of3A_117, %multiple_of3A_122] : memref<339x64x5825xf32, #tpu.memory_space<hbm>> -> memref<1x8x128xf32, #tpu.memory_space<hbm>>
      %dma_wait3A_476 = tpu.memref_squeeze %dma_wait3A_475 : memref<1x8x128xf32, #tpu.memory_space<hbm>> -> memref<8x128xf32, #tpu.memory_space<hbm>>
      tpu.wait_dma2 semaphore(%arg16 : memref<!tpu.dma_semaphore, #tpu.memory_space<semaphore_mem>>) src(%dma_wait3A_476 : memref<8x128xf32, #tpu.memory_space<hbm>>) dst(%dma_wait3A_474 : memref<8x128xf32, #tpu.memory_space<vmem>>)
      %dma_wait3A_477 = arith.constant 5 : i32
      %dma_wait3A_478 = arith.constant 0 : i32
      %dma_wait3A_479 = arith.constant 0 : i32
      %dma_wait3A_480 = tpu.memref_slice %arg10[%dma_wait3A_477, %dma_wait3A_478, %dma_wait3A_479] : memref<16x8x128xf32, #tpu.memory_space<vmem>> -> memref<1x8x128xf32, #tpu.memory_space<vmem>>
      %dma_wait3A_481 = tpu.memref_squeeze %dma_wait3A_480 : memref<1x8x128xf32, #tpu.memory_space<vmem>> -> memref<8x128xf32, #tpu.memory_space<vmem>>
      %dma_wait3A_482 = tpu.memref_slice %arg5[%squeeze3A_149, %multiple_of3A_142, %multiple_of3A_147] : memref<339x64x5825xf32, #tpu.memory_space<hbm>> -> memref<1x8x128xf32, #tpu.memory_space<hbm>>
      %dma_wait3A_483 = tpu.memref_squeeze %dma_wait3A_482 : memref<1x8x128xf32, #tpu.memory_space<hbm>> -> memref<8x128xf32, #tpu.memory_space<hbm>>
      %dma_wait3A_484 = arith.constant 0 : i32
      %dma_wait3A_485 = arith.constant 0 : i32
      %dma_wait3A_486 = tpu.memref_slice %arg10[%dma_wait3A_477, %dma_wait3A_484, %dma_wait3A_485] : memref<16x8x128xf32, #tpu.memory_space<vmem>> -> memref<1x8x128xf32, #tpu.memory_space<vmem>>
      %dma_wait3A_487 = tpu.memref_squeeze %dma_wait3A_486 : memref<1x8x128xf32, #tpu.memory_space<vmem>> -> memref<8x128xf32, #tpu.memory_space<vmem>>
      %dma_wait3A_488 = tpu.memref_slice %arg5[%squeeze3A_149, %multiple_of3A_142, %multiple_of3A_147] : memref<339x64x5825xf32, #tpu.memory_space<hbm>> -> memref<1x8x128xf32, #tpu.memory_space<hbm>>
      %dma_wait3A_489 = tpu.memref_squeeze %dma_wait3A_488 : memref<1x8x128xf32, #tpu.memory_space<hbm>> -> memref<8x128xf32, #tpu.memory_space<hbm>>
      tpu.wait_dma2 semaphore(%arg17 : memref<!tpu.dma_semaphore, #tpu.memory_space<semaphore_mem>>) src(%dma_wait3A_489 : memref<8x128xf32, #tpu.memory_space<hbm>>) dst(%dma_wait3A_487 : memref<8x128xf32, #tpu.memory_space<vmem>>)
      %dma_wait3A_490 = arith.constant 6 : i32
      %dma_wait3A_491 = arith.constant 0 : i32
      %dma_wait3A_492 = arith.constant 0 : i32
      %dma_wait3A_493 = tpu.memref_slice %arg10[%dma_wait3A_490, %dma_wait3A_491, %dma_wait3A_492] : memref<16x8x128xf32, #tpu.memory_space<vmem>> -> memref<1x8x128xf32, #tpu.memory_space<vmem>>
      %dma_wait3A_494 = tpu.memref_squeeze %dma_wait3A_493 : memref<1x8x128xf32, #tpu.memory_space<vmem>> -> memref<8x128xf32, #tpu.memory_space<vmem>>
      %dma_wait3A_495 = tpu.memref_slice %arg5[%squeeze3A_174, %multiple_of3A_167, %multiple_of3A_172] : memref<339x64x5825xf32, #tpu.memory_space<hbm>> -> memref<1x8x128xf32, #tpu.memory_space<hbm>>
      %dma_wait3A_496 = tpu.memref_squeeze %dma_wait3A_495 : memref<1x8x128xf32, #tpu.memory_space<hbm>> -> memref<8x128xf32, #tpu.memory_space<hbm>>
      %dma_wait3A_497 = arith.constant 0 : i32
      %dma_wait3A_498 = arith.constant 0 : i32
      %dma_wait3A_499 = tpu.memref_slice %arg10[%dma_wait3A_490, %dma_wait3A_497, %dma_wait3A_498] : memref<16x8x128xf32, #tpu.memory_space<vmem>> -> memref<1x8x128xf32, #tpu.memory_space<vmem>>
      %dma_wait3A_500 = tpu.memref_squeeze %dma_wait3A_499 : memref<1x8x128xf32, #tpu.memory_space<vmem>> -> memref<8x128xf32, #tpu.memory_space<vmem>>
      %dma_wait3A_501 = tpu.memref_slice %arg5[%squeeze3A_174, %multiple_of3A_167, %multiple_of3A_172] : memref<339x64x5825xf32, #tpu.memory_space<hbm>> -> memref<1x8x128xf32, #tpu.memory_space<hbm>>
      %dma_wait3A_502 = tpu.memref_squeeze %dma_wait3A_501 : memref<1x8x128xf32, #tpu.memory_space<hbm>> -> memref<8x128xf32, #tpu.memory_space<hbm>>
      tpu.wait_dma2 semaphore(%arg18 : memref<!tpu.dma_semaphore, #tpu.memory_space<semaphore_mem>>) src(%dma_wait3A_502 : memref<8x128xf32, #tpu.memory_space<hbm>>) dst(%dma_wait3A_500 : memref<8x128xf32, #tpu.memory_space<vmem>>)
      %dma_wait3A_503 = arith.constant 7 : i32
      %dma_wait3A_504 = arith.constant 0 : i32
      %dma_wait3A_505 = arith.constant 0 : i32
      %dma_wait3A_506 = tpu.memref_slice %arg10[%dma_wait3A_503, %dma_wait3A_504, %dma_wait3A_505] : memref<16x8x128xf32, #tpu.memory_space<vmem>> -> memref<1x8x128xf32, #tpu.memory_space<vmem>>
      %dma_wait3A_507 = tpu.memref_squeeze %dma_wait3A_506 : memref<1x8x128xf32, #tpu.memory_space<vmem>> -> memref<8x128xf32, #tpu.memory_space<vmem>>
      %dma_wait3A_508 = tpu.memref_slice %arg5[%squeeze3A_199, %multiple_of3A_192, %multiple_of3A_197] : memref<339x64x5825xf32, #tpu.memory_space<hbm>> -> memref<1x8x128xf32, #tpu.memory_space<hbm>>
      %dma_wait3A_509 = tpu.memref_squeeze %dma_wait3A_508 : memref<1x8x128xf32, #tpu.memory_space<hbm>> -> memref<8x128xf32, #tpu.memory_space<hbm>>
      %dma_wait3A_510 = arith.constant 0 : i32
      %dma_wait3A_511 = arith.constant 0 : i32
      %dma_wait3A_512 = tpu.memref_slice %arg10[%dma_wait3A_503, %dma_wait3A_510, %dma_wait3A_511] : memref<16x8x128xf32, #tpu.memory_space<vmem>> -> memref<1x8x128xf32, #tpu.memory_space<vmem>>
      %dma_wait3A_513 = tpu.memref_squeeze %dma_wait3A_512 : memref<1x8x128xf32, #tpu.memory_space<vmem>> -> memref<8x128xf32, #tpu.memory_space<vmem>>
      %dma_wait3A_514 = tpu.memref_slice %arg5[%squeeze3A_199, %multiple_of3A_192, %multiple_of3A_197] : memref<339x64x5825xf32, #tpu.memory_space<hbm>> -> memref<1x8x128xf32, #tpu.memory_space<hbm>>
      %dma_wait3A_515 = tpu.memref_squeeze %dma_wait3A_514 : memref<1x8x128xf32, #tpu.memory_space<hbm>> -> memref<8x128xf32, #tpu.memory_space<hbm>>
      tpu.wait_dma2 semaphore(%arg19 : memref<!tpu.dma_semaphore, #tpu.memory_space<semaphore_mem>>) src(%dma_wait3A_515 : memref<8x128xf32, #tpu.memory_space<hbm>>) dst(%dma_wait3A_513 : memref<8x128xf32, #tpu.memory_space<vmem>>)
      %dma_wait3A_516 = arith.constant 8 : i32
      %dma_wait3A_517 = arith.constant 0 : i32
      %dma_wait3A_518 = arith.constant 0 : i32
      %dma_wait3A_519 = tpu.memref_slice %arg10[%dma_wait3A_516, %dma_wait3A_517, %dma_wait3A_518] : memref<16x8x128xf32, #tpu.memory_space<vmem>> -> memref<1x8x128xf32, #tpu.memory_space<vmem>>
      %dma_wait3A_520 = tpu.memref_squeeze %dma_wait3A_519 : memref<1x8x128xf32, #tpu.memory_space<vmem>> -> memref<8x128xf32, #tpu.memory_space<vmem>>
      %dma_wait3A_521 = tpu.memref_slice %arg5[%squeeze3A_224, %multiple_of3A_217, %multiple_of3A_222] : memref<339x64x5825xf32, #tpu.memory_space<hbm>> -> memref<1x8x128xf32, #tpu.memory_space<hbm>>
      %dma_wait3A_522 = tpu.memref_squeeze %dma_wait3A_521 : memref<1x8x128xf32, #tpu.memory_space<hbm>> -> memref<8x128xf32, #tpu.memory_space<hbm>>
      %dma_wait3A_523 = arith.constant 0 : i32
      %dma_wait3A_524 = arith.constant 0 : i32
      %dma_wait3A_525 = tpu.memref_slice %arg10[%dma_wait3A_516, %dma_wait3A_523, %dma_wait3A_524] : memref<16x8x128xf32, #tpu.memory_space<vmem>> -> memref<1x8x128xf32, #tpu.memory_space<vmem>>
      %dma_wait3A_526 = tpu.memref_squeeze %dma_wait3A_525 : memref<1x8x128xf32, #tpu.memory_space<vmem>> -> memref<8x128xf32, #tpu.memory_space<vmem>>
      %dma_wait3A_527 = tpu.memref_slice %arg5[%squeeze3A_224, %multiple_of3A_217, %multiple_of3A_222] : memref<339x64x5825xf32, #tpu.memory_space<hbm>> -> memref<1x8x128xf32, #tpu.memory_space<hbm>>
      %dma_wait3A_528 = tpu.memref_squeeze %dma_wait3A_527 : memref<1x8x128xf32, #tpu.memory_space<hbm>> -> memref<8x128xf32, #tpu.memory_space<hbm>>
      tpu.wait_dma2 semaphore(%arg20 : memref<!tpu.dma_semaphore, #tpu.memory_space<semaphore_mem>>) src(%dma_wait3A_528 : memref<8x128xf32, #tpu.memory_space<hbm>>) dst(%dma_wait3A_526 : memref<8x128xf32, #tpu.memory_space<vmem>>)
      %dma_wait3A_529 = arith.constant 9 : i32
      %dma_wait3A_530 = arith.constant 0 : i32
      %dma_wait3A_531 = arith.constant 0 : i32
      %dma_wait3A_532 = tpu.memref_slice %arg10[%dma_wait3A_529, %dma_wait3A_530, %dma_wait3A_531] : memref<16x8x128xf32, #tpu.memory_space<vmem>> -> memref<1x8x128xf32, #tpu.memory_space<vmem>>
      %dma_wait3A_533 = tpu.memref_squeeze %dma_wait3A_532 : memref<1x8x128xf32, #tpu.memory_space<vmem>> -> memref<8x128xf32, #tpu.memory_space<vmem>>
      %dma_wait3A_534 = tpu.memref_slice %arg5[%squeeze3A_249, %multiple_of3A_242, %multiple_of3A_247] : memref<339x64x5825xf32, #tpu.memory_space<hbm>> -> memref<1x8x128xf32, #tpu.memory_space<hbm>>
      %dma_wait3A_535 = tpu.memref_squeeze %dma_wait3A_534 : memref<1x8x128xf32, #tpu.memory_space<hbm>> -> memref<8x128xf32, #tpu.memory_space<hbm>>
      %dma_wait3A_536 = arith.constant 0 : i32
      %dma_wait3A_537 = arith.constant 0 : i32
      %dma_wait3A_538 = tpu.memref_slice %arg10[%dma_wait3A_529, %dma_wait3A_536, %dma_wait3A_537] : memref<16x8x128xf32, #tpu.memory_space<vmem>> -> memref<1x8x128xf32, #tpu.memory_space<vmem>>
      %dma_wait3A_539 = tpu.memref_squeeze %dma_wait3A_538 : memref<1x8x128xf32, #tpu.memory_space<vmem>> -> memref<8x128xf32, #tpu.memory_space<vmem>>
      %dma_wait3A_540 = tpu.memref_slice %arg5[%squeeze3A_249, %multiple_of3A_242, %multiple_of3A_247] : memref<339x64x5825xf32, #tpu.memory_space<hbm>> -> memref<1x8x128xf32, #tpu.memory_space<hbm>>
      %dma_wait3A_541 = tpu.memref_squeeze %dma_wait3A_540 : memref<1x8x128xf32, #tpu.memory_space<hbm>> -> memref<8x128xf32, #tpu.memory_space<hbm>>
      tpu.wait_dma2 semaphore(%arg21 : memref<!tpu.dma_semaphore, #tpu.memory_space<semaphore_mem>>) src(%dma_wait3A_541 : memref<8x128xf32, #tpu.memory_space<hbm>>) dst(%dma_wait3A_539 : memref<8x128xf32, #tpu.memory_space<vmem>>)
      %dma_wait3A_542 = arith.constant 10 : i32
      %dma_wait3A_543 = arith.constant 0 : i32
      %dma_wait3A_544 = arith.constant 0 : i32
      %dma_wait3A_545 = tpu.memref_slice %arg10[%dma_wait3A_542, %dma_wait3A_543, %dma_wait3A_544] : memref<16x8x128xf32, #tpu.memory_space<vmem>> -> memref<1x8x128xf32, #tpu.memory_space<vmem>>
      %dma_wait3A_546 = tpu.memref_squeeze %dma_wait3A_545 : memref<1x8x128xf32, #tpu.memory_space<vmem>> -> memref<8x128xf32, #tpu.memory_space<vmem>>
      %dma_wait3A_547 = tpu.memref_slice %arg5[%squeeze3A_274, %multiple_of3A_267, %multiple_of3A_272] : memref<339x64x5825xf32, #tpu.memory_space<hbm>> -> memref<1x8x128xf32, #tpu.memory_space<hbm>>
      %dma_wait3A_548 = tpu.memref_squeeze %dma_wait3A_547 : memref<1x8x128xf32, #tpu.memory_space<hbm>> -> memref<8x128xf32, #tpu.memory_space<hbm>>
      %dma_wait3A_549 = arith.constant 0 : i32
      %dma_wait3A_550 = arith.constant 0 : i32
      %dma_wait3A_551 = tpu.memref_slice %arg10[%dma_wait3A_542, %dma_wait3A_549, %dma_wait3A_550] : memref<16x8x128xf32, #tpu.memory_space<vmem>> -> memref<1x8x128xf32, #tpu.memory_space<vmem>>
      %dma_wait3A_552 = tpu.memref_squeeze %dma_wait3A_551 : memref<1x8x128xf32, #tpu.memory_space<vmem>> -> memref<8x128xf32, #tpu.memory_space<vmem>>
      %dma_wait3A_553 = tpu.memref_slice %arg5[%squeeze3A_274, %multiple_of3A_267, %multiple_of3A_272] : memref<339x64x5825xf32, #tpu.memory_space<hbm>> -> memref<1x8x128xf32, #tpu.memory_space<hbm>>
      %dma_wait3A_554 = tpu.memref_squeeze %dma_wait3A_553 : memref<1x8x128xf32, #tpu.memory_space<hbm>> -> memref<8x128xf32, #tpu.memory_space<hbm>>
      tpu.wait_dma2 semaphore(%arg22 : memref<!tpu.dma_semaphore, #tpu.memory_space<semaphore_mem>>) src(%dma_wait3A_554 : memref<8x128xf32, #tpu.memory_space<hbm>>) dst(%dma_wait3A_552 : memref<8x128xf32, #tpu.memory_space<vmem>>)
      %dma_wait3A_555 = arith.constant 11 : i32
      %dma_wait3A_556 = arith.constant 0 : i32
      %dma_wait3A_557 = arith.constant 0 : i32
      %dma_wait3A_558 = tpu.memref_slice %arg10[%dma_wait3A_555, %dma_wait3A_556, %dma_wait3A_557] : memref<16x8x128xf32, #tpu.memory_space<vmem>> -> memref<1x8x128xf32, #tpu.memory_space<vmem>>
      %dma_wait3A_559 = tpu.memref_squeeze %dma_wait3A_558 : memref<1x8x128xf32, #tpu.memory_space<vmem>> -> memref<8x128xf32, #tpu.memory_space<vmem>>
      %dma_wait3A_560 = tpu.memref_slice %arg5[%squeeze3A_299, %multiple_of3A_292, %multiple_of3A_297] : memref<339x64x5825xf32, #tpu.memory_space<hbm>> -> memref<1x8x128xf32, #tpu.memory_space<hbm>>
      %dma_wait3A_561 = tpu.memref_squeeze %dma_wait3A_560 : memref<1x8x128xf32, #tpu.memory_space<hbm>> -> memref<8x128xf32, #tpu.memory_space<hbm>>
      %dma_wait3A_562 = arith.constant 0 : i32
      %dma_wait3A_563 = arith.constant 0 : i32
      %dma_wait3A_564 = tpu.memref_slice %arg10[%dma_wait3A_555, %dma_wait3A_562, %dma_wait3A_563] : memref<16x8x128xf32, #tpu.memory_space<vmem>> -> memref<1x8x128xf32, #tpu.memory_space<vmem>>
      %dma_wait3A_565 = tpu.memref_squeeze %dma_wait3A_564 : memref<1x8x128xf32, #tpu.memory_space<vmem>> -> memref<8x128xf32, #tpu.memory_space<vmem>>
      %dma_wait3A_566 = tpu.memref_slice %arg5[%squeeze3A_299, %multiple_of3A_292, %multiple_of3A_297] : memref<339x64x5825xf32, #tpu.memory_space<hbm>> -> memref<1x8x128xf32, #tpu.memory_space<hbm>>
      %dma_wait3A_567 = tpu.memref_squeeze %dma_wait3A_566 : memref<1x8x128xf32, #tpu.memory_space<hbm>> -> memref<8x128xf32, #tpu.memory_space<hbm>>
      tpu.wait_dma2 semaphore(%arg23 : memref<!tpu.dma_semaphore, #tpu.memory_space<semaphore_mem>>) src(%dma_wait3A_567 : memref<8x128xf32, #tpu.memory_space<hbm>>) dst(%dma_wait3A_565 : memref<8x128xf32, #tpu.memory_space<vmem>>)
      %dma_wait3A_568 = arith.constant 12 : i32
      %dma_wait3A_569 = arith.constant 0 : i32
      %dma_wait3A_570 = arith.constant 0 : i32
      %dma_wait3A_571 = tpu.memref_slice %arg10[%dma_wait3A_568, %dma_wait3A_569, %dma_wait3A_570] : memref<16x8x128xf32, #tpu.memory_space<vmem>> -> memref<1x8x128xf32, #tpu.memory_space<vmem>>
      %dma_wait3A_572 = tpu.memref_squeeze %dma_wait3A_571 : memref<1x8x128xf32, #tpu.memory_space<vmem>> -> memref<8x128xf32, #tpu.memory_space<vmem>>
      %dma_wait3A_573 = tpu.memref_slice %arg5[%squeeze3A_324, %multiple_of3A_317, %multiple_of3A_322] : memref<339x64x5825xf32, #tpu.memory_space<hbm>> -> memref<1x8x128xf32, #tpu.memory_space<hbm>>
      %dma_wait3A_574 = tpu.memref_squeeze %dma_wait3A_573 : memref<1x8x128xf32, #tpu.memory_space<hbm>> -> memref<8x128xf32, #tpu.memory_space<hbm>>
      %dma_wait3A_575 = arith.constant 0 : i32
      %dma_wait3A_576 = arith.constant 0 : i32
      %dma_wait3A_577 = tpu.memref_slice %arg10[%dma_wait3A_568, %dma_wait3A_575, %dma_wait3A_576] : memref<16x8x128xf32, #tpu.memory_space<vmem>> -> memref<1x8x128xf32, #tpu.memory_space<vmem>>
      %dma_wait3A_578 = tpu.memref_squeeze %dma_wait3A_577 : memref<1x8x128xf32, #tpu.memory_space<vmem>> -> memref<8x128xf32, #tpu.memory_space<vmem>>
      %dma_wait3A_579 = tpu.memref_slice %arg5[%squeeze3A_324, %multiple_of3A_317, %multiple_of3A_322] : memref<339x64x5825xf32, #tpu.memory_space<hbm>> -> memref<1x8x128xf32, #tpu.memory_space<hbm>>
      %dma_wait3A_580 = tpu.memref_squeeze %dma_wait3A_579 : memref<1x8x128xf32, #tpu.memory_space<hbm>> -> memref<8x128xf32, #tpu.memory_space<hbm>>
      tpu.wait_dma2 semaphore(%arg24 : memref<!tpu.dma_semaphore, #tpu.memory_space<semaphore_mem>>) src(%dma_wait3A_580 : memref<8x128xf32, #tpu.memory_space<hbm>>) dst(%dma_wait3A_578 : memref<8x128xf32, #tpu.memory_space<vmem>>)
      %dma_wait3A_581 = arith.constant 13 : i32
      %dma_wait3A_582 = arith.constant 0 : i32
      %dma_wait3A_583 = arith.constant 0 : i32
      %dma_wait3A_584 = tpu.memref_slice %arg10[%dma_wait3A_581, %dma_wait3A_582, %dma_wait3A_583] : memref<16x8x128xf32, #tpu.memory_space<vmem>> -> memref<1x8x128xf32, #tpu.memory_space<vmem>>
      %dma_wait3A_585 = tpu.memref_squeeze %dma_wait3A_584 : memref<1x8x128xf32, #tpu.memory_space<vmem>> -> memref<8x128xf32, #tpu.memory_space<vmem>>
      %dma_wait3A_586 = tpu.memref_slice %arg5[%squeeze3A_349, %multiple_of3A_342, %multiple_of3A_347] : memref<339x64x5825xf32, #tpu.memory_space<hbm>> -> memref<1x8x128xf32, #tpu.memory_space<hbm>>
      %dma_wait3A_587 = tpu.memref_squeeze %dma_wait3A_586 : memref<1x8x128xf32, #tpu.memory_space<hbm>> -> memref<8x128xf32, #tpu.memory_space<hbm>>
      %dma_wait3A_588 = arith.constant 0 : i32
      %dma_wait3A_589 = arith.constant 0 : i32
      %dma_wait3A_590 = tpu.memref_slice %arg10[%dma_wait3A_581, %dma_wait3A_588, %dma_wait3A_589] : memref<16x8x128xf32, #tpu.memory_space<vmem>> -> memref<1x8x128xf32, #tpu.memory_space<vmem>>
      %dma_wait3A_591 = tpu.memref_squeeze %dma_wait3A_590 : memref<1x8x128xf32, #tpu.memory_space<vmem>> -> memref<8x128xf32, #tpu.memory_space<vmem>>
      %dma_wait3A_592 = tpu.memref_slice %arg5[%squeeze3A_349, %multiple_of3A_342, %multiple_of3A_347] : memref<339x64x5825xf32, #tpu.memory_space<hbm>> -> memref<1x8x128xf32, #tpu.memory_space<hbm>>
      %dma_wait3A_593 = tpu.memref_squeeze %dma_wait3A_592 : memref<1x8x128xf32, #tpu.memory_space<hbm>> -> memref<8x128xf32, #tpu.memory_space<hbm>>
      tpu.wait_dma2 semaphore(%arg25 : memref<!tpu.dma_semaphore, #tpu.memory_space<semaphore_mem>>) src(%dma_wait3A_593 : memref<8x128xf32, #tpu.memory_space<hbm>>) dst(%dma_wait3A_591 : memref<8x128xf32, #tpu.memory_space<vmem>>)
      %dma_wait3A_594 = arith.constant 14 : i32
      %dma_wait3A_595 = arith.constant 0 : i32
      %dma_wait3A_596 = arith.constant 0 : i32
      %dma_wait3A_597 = tpu.memref_slice %arg10[%dma_wait3A_594, %dma_wait3A_595, %dma_wait3A_596] : memref<16x8x128xf32, #tpu.memory_space<vmem>> -> memref<1x8x128xf32, #tpu.memory_space<vmem>>
      %dma_wait3A_598 = tpu.memref_squeeze %dma_wait3A_597 : memref<1x8x128xf32, #tpu.memory_space<vmem>> -> memref<8x128xf32, #tpu.memory_space<vmem>>
      %dma_wait3A_599 = tpu.memref_slice %arg5[%squeeze3A_374, %multiple_of3A_367, %multiple_of3A_372] : memref<339x64x5825xf32, #tpu.memory_space<hbm>> -> memref<1x8x128xf32, #tpu.memory_space<hbm>>
      %dma_wait3A_600 = tpu.memref_squeeze %dma_wait3A_599 : memref<1x8x128xf32, #tpu.memory_space<hbm>> -> memref<8x128xf32, #tpu.memory_space<hbm>>
      %dma_wait3A_601 = arith.constant 0 : i32
      %dma_wait3A_602 = arith.constant 0 : i32
      %dma_wait3A_603 = tpu.memref_slice %arg10[%dma_wait3A_594, %dma_wait3A_601, %dma_wait3A_602] : memref<16x8x128xf32, #tpu.memory_space<vmem>> -> memref<1x8x128xf32, #tpu.memory_space<vmem>>
      %dma_wait3A_604 = tpu.memref_squeeze %dma_wait3A_603 : memref<1x8x128xf32, #tpu.memory_space<vmem>> -> memref<8x128xf32, #tpu.memory_space<vmem>>
      %dma_wait3A_605 = tpu.memref_slice %arg5[%squeeze3A_374, %multiple_of3A_367, %multiple_of3A_372] : memref<339x64x5825xf32, #tpu.memory_space<hbm>> -> memref<1x8x128xf32, #tpu.memory_space<hbm>>
      %dma_wait3A_606 = tpu.memref_squeeze %dma_wait3A_605 : memref<1x8x128xf32, #tpu.memory_space<hbm>> -> memref<8x128xf32, #tpu.memory_space<hbm>>
      tpu.wait_dma2 semaphore(%arg26 : memref<!tpu.dma_semaphore, #tpu.memory_space<semaphore_mem>>) src(%dma_wait3A_606 : memref<8x128xf32, #tpu.memory_space<hbm>>) dst(%dma_wait3A_604 : memref<8x128xf32, #tpu.memory_space<vmem>>)
      %dma_wait3A_607 = arith.constant 15 : i32
      %dma_wait3A_608 = arith.constant 0 : i32
      %dma_wait3A_609 = arith.constant 0 : i32
      %dma_wait3A_610 = tpu.memref_slice %arg10[%dma_wait3A_607, %dma_wait3A_608, %dma_wait3A_609] : memref<16x8x128xf32, #tpu.memory_space<vmem>> -> memref<1x8x128xf32, #tpu.memory_space<vmem>>
      %dma_wait3A_611 = tpu.memref_squeeze %dma_wait3A_610 : memref<1x8x128xf32, #tpu.memory_space<vmem>> -> memref<8x128xf32, #tpu.memory_space<vmem>>
      %dma_wait3A_612 = tpu.memref_slice %arg5[%squeeze3A_399, %multiple_of3A_392, %multiple_of3A_397] : memref<339x64x5825xf32, #tpu.memory_space<hbm>> -> memref<1x8x128xf32, #tpu.memory_space<hbm>>
      %dma_wait3A_613 = tpu.memref_squeeze %dma_wait3A_612 : memref<1x8x128xf32, #tpu.memory_space<hbm>> -> memref<8x128xf32, #tpu.memory_space<hbm>>
      %dma_wait3A_614 = arith.constant 0 : i32
      %dma_wait3A_615 = arith.constant 0 : i32
      %dma_wait3A_616 = tpu.memref_slice %arg10[%dma_wait3A_607, %dma_wait3A_614, %dma_wait3A_615] : memref<16x8x128xf32, #tpu.memory_space<vmem>> -> memref<1x8x128xf32, #tpu.memory_space<vmem>>
      %dma_wait3A_617 = tpu.memref_squeeze %dma_wait3A_616 : memref<1x8x128xf32, #tpu.memory_space<vmem>> -> memref<8x128xf32, #tpu.memory_space<vmem>>
      %dma_wait3A_618 = tpu.memref_slice %arg5[%squeeze3A_399, %multiple_of3A_392, %multiple_of3A_397] : memref<339x64x5825xf32, #tpu.memory_space<hbm>> -> memref<1x8x128xf32, #tpu.memory_space<hbm>>
      %dma_wait3A_619 = tpu.memref_squeeze %dma_wait3A_618 : memref<1x8x128xf32, #tpu.memory_space<hbm>> -> memref<8x128xf32, #tpu.memory_space<hbm>>
      tpu.wait_dma2 semaphore(%arg27 : memref<!tpu.dma_semaphore, #tpu.memory_space<semaphore_mem>>) src(%dma_wait3A_619 : memref<8x128xf32, #tpu.memory_space<hbm>>) dst(%dma_wait3A_617 : memref<8x128xf32, #tpu.memory_space<vmem>>)
      %iota3A = tpu.iota {dimensions = array<i32: 0>} : vector<16xi32>
      %and3A_620 = arith.constant 7 : i32
      %and3A_621 = vector.broadcast %and3A_620 : i32 to vector<16xi32>
      %and3A_622 = arith.andi %get3A_17, %and3A_621 : vector<16xi32>
      %and3A_623 = arith.constant 127 : i32
      %and3A_624 = vector.broadcast %and3A_623 : i32 to vector<16xi32>
      %and3A_625 = arith.andi %get3A_15, %and3A_624 : vector<16xi32>
      %gather3A = tpu.vector_load_idx %arg10[%iota3A, %and3A_622, %and3A_625] : memref<16x8x128xf32, #tpu.memory_space<vmem>>[vector<16xi32>, vector<16xi32>, vector<16xi32>], vector<16xf32>,
      %swap3A = arith.index_cast %mul3A_12 : i32 to index
      %swap3A_626 = tpu.vector_load %arg11[%swap3A] {strides = array<i32>} : memref<512xf32, #tpu.memory_space<vmem>>, vector<16xf32>,
      tpu.vector_store %arg11[%swap3A], %gather3A {strides = array<i32>} : memref<512xf32, #tpu.memory_space<vmem>>, vector<16xf32>,
      %scan3A_627 = arith.constant 0 : i32
      scf.yield %scan3A_627 : i32
    }
    %scan3A_8 = arith.constant 32 : i32
    "tpu.region"() ({
      %run_scoped3A = tpu.sem_alloc : memref<!tpu.dma_semaphore, #tpu.memory_space<semaphore_mem>>
      %dma_start3A = tpu.memref_slice %arg6[%mul3A_2] : memref<16384xf32, #tpu.memory_space<hbm>> -> memref<512xf32, #tpu.memory_space<hbm>>
      %dma_start3A_9 = tpu.memref_slice %arg6[%mul3A_2] : memref<16384xf32, #tpu.memory_space<hbm>> -> memref<512xf32, #tpu.memory_space<hbm>>
      tpu.enqueue_dma source(%arg11 : memref<512xf32, #tpu.memory_space<vmem>>) target(%dma_start3A_9 : memref<512xf32, #tpu.memory_space<hbm>>) target_semaphore(%run_scoped3A : memref<!tpu.dma_semaphore, #tpu.memory_space<semaphore_mem>>)
      %dma_wait3A = tpu.memref_slice %arg6[%mul3A_2] : memref<16384xf32, #tpu.memory_space<hbm>> -> memref<512xf32, #tpu.memory_space<hbm>>
      %dma_wait3A_10 = tpu.memref_slice %arg6[%mul3A_2] : memref<16384xf32, #tpu.memory_space<hbm>> -> memref<512xf32, #tpu.memory_space<hbm>>
      tpu.wait_dma2 semaphore(%run_scoped3A : memref<!tpu.dma_semaphore, #tpu.memory_space<semaphore_mem>>) src(%arg11 : memref<512xf32, #tpu.memory_space<vmem>>) dst(%dma_wait3A_10 : memref<512xf32, #tpu.memory_space<hbm>>)
      tpu.yield
    }) : () -> ()
    return
  }
}

module attributes {stable_mosaic.version = 14 : i64} {
  func.func @body(%arg0: i32, %arg1: memref<8x64x5825xf32, #tpu.memory_space<vmem>>, %arg2: memref<47104xf32, #tpu.memory_space<vmem>>, %arg3: memref<47104xf32, #tpu.memory_space<vmem>>) attributes {dimension_semantics = [#tpu.dimension_semantics<arbitrary>], iteration_bounds = array<i64: 43>, scalar_prefetch = 0 : i64, scratch_operands = 0 : i64, tpu.core_type = #tpu.core_type<tc>, window_params = [{transform_indices = @transform_0, window_bounds = array<i64: 8, 64, 5825>}, {transform_indices = @transform_1, window_bounds = array<i64: 47104>}, {transform_indices = @transform_2, window_bounds = array<i64: 47104>}]} {
    %get3A = arith.constant 0 : index
    %get3A_0 = arith.constant 0 : index
    %get3A_1 = arith.constant 0 : index
    %get3A_2 = vector.load %arg1[%get3A, %get3A_0, %get3A_1] : memref<8x64x5825xf32, #tpu.memory_space<vmem>>, vector<8x64x5825xf32>
    %reduce_sum3A = arith.constant dense<0.000000e+00> : vector<8x5825xf32>
    %reduce_sum3A_3 = vector.multi_reduction <add>, %get3A_2, %reduce_sum3A [1] : vector<8x64x5825xf32> to vector<8x5825xf32>
    %gt3A = arith.constant 0.000000e+00 : f32
    %gt3A_4 = vector.broadcast %gt3A : f32 to vector<8x64x5825xf32>
    %gt3A_5 = arith.cmpf ogt, %get3A_2, %gt3A_4 : vector<8x64x5825xf32>
    %jit3A = arith.constant 1.000000e+00 : f32
    %jit3A_6 = arith.constant 0.000000e+00 : f32
    %broadcast_in_dim3A = vector.broadcast %jit3A : f32 to vector<8x64x5825xf32>
    %broadcast_in_dim3A_7 = vector.broadcast %jit3A_6 : f32 to vector<8x64x5825xf32>
    %select_n3A = arith.select %gt3A_5, %broadcast_in_dim3A, %broadcast_in_dim3A_7 : vector<8x64x5825xi1>, vector<8x64x5825xf32>
    %reduce_sum3A_8 = arith.constant dense<0.000000e+00> : vector<8x5825xf32>
    %reduce_sum3A_9 = vector.multi_reduction <add>, %select_n3A, %reduce_sum3A_8 [1] : vector<8x64x5825xf32> to vector<8x5825xf32>
    %multiple_of3A = arith.constant 0 : i32
    %multiple_of3A_10 = tpu.assume_multiple %multiple_of3A, 128 : i32
    %slice3A = vector.extract_strided_slice %reduce_sum3A_3 {offsets = [0, 0], sizes = [1, 5825], strides = [1, 1]} : vector<8x5825xf32> to vector<1x5825xf32>
    %squeeze3A = vector.shape_cast %slice3A : vector<1x5825xf32> to vector<5825xf32>
    %swap3A = arith.index_cast %multiple_of3A_10 : i32 to index
    %swap3A_11 = vector.load %arg2[%swap3A] : memref<47104xf32, #tpu.memory_space<vmem>>, vector<5825xf32>
    tpu.vector_store %arg2[%swap3A], %squeeze3A {strides = array<i32>} : memref<47104xf32, #tpu.memory_space<vmem>>, vector<5825xf32>,
    %slice3A_12 = vector.extract_strided_slice %reduce_sum3A_9 {offsets = [0, 0], sizes = [1, 5825], strides = [1, 1]} : vector<8x5825xf32> to vector<1x5825xf32>
    %squeeze3A_13 = vector.shape_cast %slice3A_12 : vector<1x5825xf32> to vector<5825xf32>
    %swap3A_14 = arith.index_cast %multiple_of3A_10 : i32 to index
    %swap3A_15 = vector.load %arg3[%swap3A_14] : memref<47104xf32, #tpu.memory_space<vmem>>, vector<5825xf32>
    tpu.vector_store %arg3[%swap3A_14], %squeeze3A_13 {strides = array<i32>} : memref<47104xf32, #tpu.memory_space<vmem>>, vector<5825xf32>,
    %multiple_of3A_16 = arith.constant 5888 : i32
    %multiple_of3A_17 = tpu.assume_multiple %multiple_of3A_16, 128 : i32
    %slice3A_18 = vector.extract_strided_slice %reduce_sum3A_3 {offsets = [1, 0], sizes = [1, 5825], strides = [1, 1]} : vector<8x5825xf32> to vector<1x5825xf32>
    %squeeze3A_19 = vector.shape_cast %slice3A_18 : vector<1x5825xf32> to vector<5825xf32>
    %swap3A_20 = arith.index_cast %multiple_of3A_17 : i32 to index
    %swap3A_21 = vector.load %arg2[%swap3A_20] : memref<47104xf32, #tpu.memory_space<vmem>>, vector<5825xf32>
    tpu.vector_store %arg2[%swap3A_20], %squeeze3A_19 {strides = array<i32>} : memref<47104xf32, #tpu.memory_space<vmem>>, vector<5825xf32>,
    %slice3A_22 = vector.extract_strided_slice %reduce_sum3A_9 {offsets = [1, 0], sizes = [1, 5825], strides = [1, 1]} : vector<8x5825xf32> to vector<1x5825xf32>
    %squeeze3A_23 = vector.shape_cast %slice3A_22 : vector<1x5825xf32> to vector<5825xf32>
    %swap3A_24 = arith.index_cast %multiple_of3A_17 : i32 to index
    %swap3A_25 = vector.load %arg3[%swap3A_24] : memref<47104xf32, #tpu.memory_space<vmem>>, vector<5825xf32>
    tpu.vector_store %arg3[%swap3A_24], %squeeze3A_23 {strides = array<i32>} : memref<47104xf32, #tpu.memory_space<vmem>>, vector<5825xf32>,
    %multiple_of3A_26 = arith.constant 11776 : i32
    %multiple_of3A_27 = tpu.assume_multiple %multiple_of3A_26, 128 : i32
    %slice3A_28 = vector.extract_strided_slice %reduce_sum3A_3 {offsets = [2, 0], sizes = [1, 5825], strides = [1, 1]} : vector<8x5825xf32> to vector<1x5825xf32>
    %squeeze3A_29 = vector.shape_cast %slice3A_28 : vector<1x5825xf32> to vector<5825xf32>
    %swap3A_30 = arith.index_cast %multiple_of3A_27 : i32 to index
    %swap3A_31 = vector.load %arg2[%swap3A_30] : memref<47104xf32, #tpu.memory_space<vmem>>, vector<5825xf32>
    tpu.vector_store %arg2[%swap3A_30], %squeeze3A_29 {strides = array<i32>} : memref<47104xf32, #tpu.memory_space<vmem>>, vector<5825xf32>,
    %slice3A_32 = vector.extract_strided_slice %reduce_sum3A_9 {offsets = [2, 0], sizes = [1, 5825], strides = [1, 1]} : vector<8x5825xf32> to vector<1x5825xf32>
    %squeeze3A_33 = vector.shape_cast %slice3A_32 : vector<1x5825xf32> to vector<5825xf32>
    %swap3A_34 = arith.index_cast %multiple_of3A_27 : i32 to index
    %swap3A_35 = vector.load %arg3[%swap3A_34] : memref<47104xf32, #tpu.memory_space<vmem>>, vector<5825xf32>
    tpu.vector_store %arg3[%swap3A_34], %squeeze3A_33 {strides = array<i32>} : memref<47104xf32, #tpu.memory_space<vmem>>, vector<5825xf32>,
    %multiple_of3A_36 = arith.constant 17664 : i32
    %multiple_of3A_37 = tpu.assume_multiple %multiple_of3A_36, 128 : i32
    %slice3A_38 = vector.extract_strided_slice %reduce_sum3A_3 {offsets = [3, 0], sizes = [1, 5825], strides = [1, 1]} : vector<8x5825xf32> to vector<1x5825xf32>
    %squeeze3A_39 = vector.shape_cast %slice3A_38 : vector<1x5825xf32> to vector<5825xf32>
    %swap3A_40 = arith.index_cast %multiple_of3A_37 : i32 to index
    %swap3A_41 = vector.load %arg2[%swap3A_40] : memref<47104xf32, #tpu.memory_space<vmem>>, vector<5825xf32>
    tpu.vector_store %arg2[%swap3A_40], %squeeze3A_39 {strides = array<i32>} : memref<47104xf32, #tpu.memory_space<vmem>>, vector<5825xf32>,
    %slice3A_42 = vector.extract_strided_slice %reduce_sum3A_9 {offsets = [3, 0], sizes = [1, 5825], strides = [1, 1]} : vector<8x5825xf32> to vector<1x5825xf32>
    %squeeze3A_43 = vector.shape_cast %slice3A_42 : vector<1x5825xf32> to vector<5825xf32>
    %swap3A_44 = arith.index_cast %multiple_of3A_37 : i32 to index
    %swap3A_45 = vector.load %arg3[%swap3A_44] : memref<47104xf32, #tpu.memory_space<vmem>>, vector<5825xf32>
    tpu.vector_store %arg3[%swap3A_44], %squeeze3A_43 {strides = array<i32>} : memref<47104xf32, #tpu.memory_space<vmem>>, vector<5825xf32>,
    %multiple_of3A_46 = arith.constant 23552 : i32
    %multiple_of3A_47 = tpu.assume_multiple %multiple_of3A_46, 128 : i32
    %slice3A_48 = vector.extract_strided_slice %reduce_sum3A_3 {offsets = [4, 0], sizes = [1, 5825], strides = [1, 1]} : vector<8x5825xf32> to vector<1x5825xf32>
    %squeeze3A_49 = vector.shape_cast %slice3A_48 : vector<1x5825xf32> to vector<5825xf32>
    %swap3A_50 = arith.index_cast %multiple_of3A_47 : i32 to index
    %swap3A_51 = vector.load %arg2[%swap3A_50] : memref<47104xf32, #tpu.memory_space<vmem>>, vector<5825xf32>
    tpu.vector_store %arg2[%swap3A_50], %squeeze3A_49 {strides = array<i32>} : memref<47104xf32, #tpu.memory_space<vmem>>, vector<5825xf32>,
    %slice3A_52 = vector.extract_strided_slice %reduce_sum3A_9 {offsets = [4, 0], sizes = [1, 5825], strides = [1, 1]} : vector<8x5825xf32> to vector<1x5825xf32>
    %squeeze3A_53 = vector.shape_cast %slice3A_52 : vector<1x5825xf32> to vector<5825xf32>
    %swap3A_54 = arith.index_cast %multiple_of3A_47 : i32 to index
    %swap3A_55 = vector.load %arg3[%swap3A_54] : memref<47104xf32, #tpu.memory_space<vmem>>, vector<5825xf32>
    tpu.vector_store %arg3[%swap3A_54], %squeeze3A_53 {strides = array<i32>} : memref<47104xf32, #tpu.memory_space<vmem>>, vector<5825xf32>,
    %multiple_of3A_56 = arith.constant 29440 : i32
    %multiple_of3A_57 = tpu.assume_multiple %multiple_of3A_56, 128 : i32
    %slice3A_58 = vector.extract_strided_slice %reduce_sum3A_3 {offsets = [5, 0], sizes = [1, 5825], strides = [1, 1]} : vector<8x5825xf32> to vector<1x5825xf32>
    %squeeze3A_59 = vector.shape_cast %slice3A_58 : vector<1x5825xf32> to vector<5825xf32>
    %swap3A_60 = arith.index_cast %multiple_of3A_57 : i32 to index
    %swap3A_61 = vector.load %arg2[%swap3A_60] : memref<47104xf32, #tpu.memory_space<vmem>>, vector<5825xf32>
    tpu.vector_store %arg2[%swap3A_60], %squeeze3A_59 {strides = array<i32>} : memref<47104xf32, #tpu.memory_space<vmem>>, vector<5825xf32>,
    %slice3A_62 = vector.extract_strided_slice %reduce_sum3A_9 {offsets = [5, 0], sizes = [1, 5825], strides = [1, 1]} : vector<8x5825xf32> to vector<1x5825xf32>
    %squeeze3A_63 = vector.shape_cast %slice3A_62 : vector<1x5825xf32> to vector<5825xf32>
    %swap3A_64 = arith.index_cast %multiple_of3A_57 : i32 to index
    %swap3A_65 = vector.load %arg3[%swap3A_64] : memref<47104xf32, #tpu.memory_space<vmem>>, vector<5825xf32>
    tpu.vector_store %arg3[%swap3A_64], %squeeze3A_63 {strides = array<i32>} : memref<47104xf32, #tpu.memory_space<vmem>>, vector<5825xf32>,
    %multiple_of3A_66 = arith.constant 35328 : i32
    %multiple_of3A_67 = tpu.assume_multiple %multiple_of3A_66, 128 : i32
    %slice3A_68 = vector.extract_strided_slice %reduce_sum3A_3 {offsets = [6, 0], sizes = [1, 5825], strides = [1, 1]} : vector<8x5825xf32> to vector<1x5825xf32>
    %squeeze3A_69 = vector.shape_cast %slice3A_68 : vector<1x5825xf32> to vector<5825xf32>
    %swap3A_70 = arith.index_cast %multiple_of3A_67 : i32 to index
    %swap3A_71 = vector.load %arg2[%swap3A_70] : memref<47104xf32, #tpu.memory_space<vmem>>, vector<5825xf32>
    tpu.vector_store %arg2[%swap3A_70], %squeeze3A_69 {strides = array<i32>} : memref<47104xf32, #tpu.memory_space<vmem>>, vector<5825xf32>,
    %slice3A_72 = vector.extract_strided_slice %reduce_sum3A_9 {offsets = [6, 0], sizes = [1, 5825], strides = [1, 1]} : vector<8x5825xf32> to vector<1x5825xf32>
    %squeeze3A_73 = vector.shape_cast %slice3A_72 : vector<1x5825xf32> to vector<5825xf32>
    %swap3A_74 = arith.index_cast %multiple_of3A_67 : i32 to index
    %swap3A_75 = vector.load %arg3[%swap3A_74] : memref<47104xf32, #tpu.memory_space<vmem>>, vector<5825xf32>
    tpu.vector_store %arg3[%swap3A_74], %squeeze3A_73 {strides = array<i32>} : memref<47104xf32, #tpu.memory_space<vmem>>, vector<5825xf32>,
    %multiple_of3A_76 = arith.constant 41216 : i32
    %multiple_of3A_77 = tpu.assume_multiple %multiple_of3A_76, 128 : i32
    %slice3A_78 = vector.extract_strided_slice %reduce_sum3A_3 {offsets = [7, 0], sizes = [1, 5825], strides = [1, 1]} : vector<8x5825xf32> to vector<1x5825xf32>
    %squeeze3A_79 = vector.shape_cast %slice3A_78 : vector<1x5825xf32> to vector<5825xf32>
    %swap3A_80 = arith.index_cast %multiple_of3A_77 : i32 to index
    %swap3A_81 = vector.load %arg2[%swap3A_80] : memref<47104xf32, #tpu.memory_space<vmem>>, vector<5825xf32>
    tpu.vector_store %arg2[%swap3A_80], %squeeze3A_79 {strides = array<i32>} : memref<47104xf32, #tpu.memory_space<vmem>>, vector<5825xf32>,
    %slice3A_82 = vector.extract_strided_slice %reduce_sum3A_9 {offsets = [7, 0], sizes = [1, 5825], strides = [1, 1]} : vector<8x5825xf32> to vector<1x5825xf32>
    %squeeze3A_83 = vector.shape_cast %slice3A_82 : vector<1x5825xf32> to vector<5825xf32>
    %swap3A_84 = arith.index_cast %multiple_of3A_77 : i32 to index
    %swap3A_85 = vector.load %arg3[%swap3A_84] : memref<47104xf32, #tpu.memory_space<vmem>>, vector<5825xf32>
    tpu.vector_store %arg3[%swap3A_84], %squeeze3A_83 {strides = array<i32>} : memref<47104xf32, #tpu.memory_space<vmem>>, vector<5825xf32>,
    return
  }
  func.func @transform_0(%arg0: i32) -> (i32, i32, i32) {
    %c0_i32 = arith.constant 0 : i32
    %c0_i32_0 = arith.constant 0 : i32
    %c0_i32_1 = arith.constant 0 : i32
    return %arg0, %c0_i32, %c0_i32_0 : i32, i32, i32
  }
  func.func @transform_1(%arg0: i32) -> i32 {
    %c0_i32 = arith.constant 0 : i32
    return %arg0 : i32
  }
  func.func @transform_2(%arg0: i32) -> i32 {
    %c0_i32 = arith.constant 0 : i32
    return %arg0 : i32
  }
}

</mosaic_0001>

<sc_bundles>
// kernel: kernel.5.cloned.1.call-start
scs
__scs_entry_jumppad:
0x0: {  	(pc) =	sbr.rel $0x88, $3  }
0x1: {  	(tag) =	ssettag $0x0;
	lr =	simm.s32 $0x1  }
0x2: {  	[smem:$0x3F9D] =	sst lr;
	_ =	strace $0xD0000000  }
0x3: {  	_ = 	snop  }
0x4: {  	_ = 	snop  }
0x5: {  	_ = 	snop  }
0x6: {  	_ = 	snop  }
0x7: {  	_ = 	snop  }
__scs_overlays_trampoline_lowered:
0x8: {  	[smem:$0x3FAC] =	sst s0  }
0x9: {  	[smem:$0x3FAD] =	sst s1  }
0xa: {  	[smem:$0x3FAE] =	sst s2  }
0xb: {  	[smem:$0x3FAF] =	sst s3  }
0xc: {  	[smem:$0x3FB0] =	sst s4  }
0xd: {  	[smem:$0x3FB1] =	sst s5  }
0xe: {  	[smem:$0x3FB2] =	sst s6  }
0xf: {  	[smem:$0x3FB3] =	sst s7  }
0x10: {  	[smem:$0x3FB4] =	sst s8  }
0x11: {  	[smem:$0x3FB5] =	sst s9;
	s0 =	simm.s32 @!p0 $0x0  }
0x12: {  	s1 =	sld [smem:$0x3F9B];
	s0 =	simm.s32 @p0 $0x1  }
0x13: {  	[smem:$0x3FB6] =	sst s0;
	s0 =	simm.s32 @!p1 $0x0  }
0x14: {  	s2 =	sld [smem:$0x3F9A];
	s0 =	simm.s32 @p1 $0x1  }
0x15: {  	[smem:$0x3FB7] =	sst s0;
	s0 =	simm.s32 @!p2 $0x0  }
0x16: {  	s3 =	sld [smem:$0x3FDB];
	s0 =	simm.s32 @p2 $0x1  }
0x17: {  	s4 =	simm.s32 $0x1BF5;
	[smem:$0x3FB9] =	sst s0  }
0x18: {  	s0 =	sld [smem:$0x3F9C];
	_ =	swait.ge [sflag:s4], $0x0  }
0x19: {  	s7 =	sld [smem:$0x3F9D]  }
0x1a: {  	s8 =	sadd.s32 $0xFFFFE003, lr  }
0x1b: {  	s9 =	sadd.s32 $0xFFFFFEF7, lr;
	s5 =	simm.s32 $0xFFFFFFFF;
	p2 =	slt.u32 s8, $0xFFFFF086  }
0x1c: {  	p1 =	slt.u32 s9, $0xF7A;
	s5 =	simm.s32 @!p2 $0x0  }
0x1d: {  	s5 =	simm.s32 @p1 $0x1;
	p0 =	seq.s32 s7, s2  }
0x1e: {  	s7 =	smul.u32 @!p0 $0xF7A, s2;
	p2 =	seq.s32 @!p0 s5, $0x0  }
0x1f: {  	s9 =	smul.u32 $0xF7A, s1;
	s8 =	simm.s32 @!p0 $0x1BF5;
	p2 =	por !p2, p0  }
0x20: {  	[sflag:s8] =	ssyncset.s32 @!p0 $0xFFFFF086;
	s6 =	sadd.s32 @!p0 s3, s7;
	s7 =	simm.s32 @!p0 $0x108  }
0x21: {  	s3 =	sadd.s32 s3, s9;
	s6 =	sadd.s32 @!p0 $0x88, s6;
	s7 =	simm.s32 @p2 $0x1082  }
0x22: {  	[simem:s7], [sflag:s8] =	dma.local @!p0 [hbm:s6], $0xF7A  }
0x23: {  	s9 =	sor.u32 $0xD0000000, s2;
	s6 =	simm.s32 $0x108;
	_ =	swait.ge @!p0 [sflag:s8], $0x0  }
0x24: {  	s3 =	sadd.s32 $0x88, s3;
	s6 =	simm.s32 @!p1 $0x1082;
	[sflag:s4] =	ssyncset.s32 $0xFFFFF086  }
0x25: {  	[simem:s6], [sflag:s4] =	dma.local [hbm:s3], $0xF7A  }
0x26: {  	[smem:$0x3F9D] =	sst s1;
	(tag) =	ssettag s2;
	_ =	strace s9  }
0x27: {  	s1 =	sld [smem:$0x3FAD]  }
0x28: {  	s2 =	sld [smem:$0x3FAE]  }
0x29: {  	s4 =	sld [smem:$0x3FB0]  }
0x2a: {  	p0 =	seq.s32 s5, $0x0;
	s5 =	sld [smem:$0x3FB1]  }
0x2b: {  	s6 =	sld [smem:$0x3FB2]  }
0x2c: {  	s7 =	sld [smem:$0x3FB3]  }
0x2d: {  	s3 =	simm.s32 $0x108;
	s8 =	sld [smem:$0x3FB4]  }
0x2e: {  	s3 =	simm.s32 @!p0 $0x1082;
	s9 =	sld [smem:$0x3FB5]  }
0x2f: {  	lr =	sadd.s32 s0, s3;
	s0 =	sld [smem:$0x3FAC]  }
0x30: {  	s3 =	sld [smem:$0x3FAF]  }
0x31: {  	[smem:$0x3FB8] =	sst s10  }
0x32: {  	s10 =	sld [smem:$0x3FB6];
	_ =	sdelay $0x3  }
0x33: {  	p0 =	seq.s32 s10, $0x1;
	s10 =	sld [smem:$0x3FB8];
	_ =	sdelay $0x3  }
0x34: {  	[smem:$0x3FB8] =	sst s10  }
0x35: {  	s10 =	sld [smem:$0x3FB7];
	_ =	sdelay $0x3  }
0x36: {  	p1 =	seq.s32 s10, $0x1;
	s10 =	sld [smem:$0x3FB8];
	_ =	sdelay $0x3  }
0x37: {  	[smem:$0x3FB8] =	sst s10  }
0x38: {  	s10 =	sld [smem:$0x3FB9]  }
0x39: {  	_ = 	snop;
	(pc) =	sbr.ind lr, $3  }
0x3a: {  	_ = 	snop  }
0x3b: {  	_ = 	snop  }
0x3c: {  	p2 =	seq.s32 s10, $0x1;
	s10 =	sld [smem:$0x3FB8]  }
0x3d: {  	_ =	shalt  }
0x3e: {  	_ =	shalt  }
0x3f: {  	_ =	shalt  }
0x40: {  	_ =	shalt  }
0x41: {  	_ =	shalt  }
0x42: {  	_ =	shalt  }
0x43: {  	_ =	shalt  }
0x44: {  	_ =	shalt  }
0x45: {  	_ =	shalt  }
0x46: {  	_ =	shalt  }
0x47: {  	_ =	shalt  }
0x48: {  	_ =	shalt  }
0x49: {  	_ =	shalt  }
0x4a: {  	_ =	shalt  }
0x4b: {  	_ =	shalt  }
0x4c: {  	_ =	shalt  }
0x4d: {  	_ =	shalt  }
0x4e: {  	_ =	shalt  }
0x4f: {  	_ =	shalt  }
0x50: {  	_ =	shalt  }
0x51: {  	_ =	shalt  }
0x52: {  	_ =	shalt  }
0x53: {  	_ =	shalt  }
0x54: {  	_ =	shalt  }
0x55: {  	_ =	shalt  }
0x56: {  	_ =	shalt  }
0x57: {  	_ =	shalt  }
0x58: {  	_ =	shalt  }
0x59: {  	_ =	shalt  }
0x5a: {  	_ =	shalt  }
0x5b: {  	_ =	shalt  }
0x5c: {  	_ =	shalt  }
0x5d: {  	_ =	shalt  }
0x5e: {  	_ =	shalt  }
0x5f: {  	_ =	shalt  }
0x60: {  	_ =	shalt  }
0x61: {  	_ =	shalt  }
0x62: {  	_ =	shalt  }
0x63: {  	_ =	shalt  }
0x64: {  	_ =	shalt  }
0x65: {  	_ =	shalt  }
0x66: {  	_ =	shalt  }
0x67: {  	_ =	shalt  }
0x68: {  	_ =	shalt  }
0x69: {  	_ =	shalt  }
0x6a: {  	_ =	shalt  }
0x6b: {  	_ =	shalt  }
0x6c: {  	_ =	shalt  }
0x6d: {  	_ =	shalt  }
0x6e: {  	_ =	shalt  }
0x6f: {  	_ =	shalt  }
0x70: {  	_ =	shalt  }
0x71: {  	_ =	shalt  }
0x72: {  	_ =	shalt  }
0x73: {  	_ =	shalt  }
0x74: {  	_ =	shalt  }
0x75: {  	_ =	shalt  }
0x76: {  	_ =	shalt  }
0x77: {  	_ =	shalt  }
0x78: {  	_ =	shalt  }
0x79: {  	_ =	shalt  }
0x7a: {  	_ =	shalt  }
0x7b: {  	_ =	shalt  }
0x7c: {  	_ =	shalt  }
0x7d: {  	_ =	shalt  }
0x7e: {  	_ =	shalt  }
0x7f: {  	_ =	shalt  }
0x80: {  	_ =	shalt  }
0x81: {  	_ =	shalt  }
0x82: {  	_ =	shalt  }
0x83: {  	_ =	shalt  }
0x84: {  	_ =	shalt  }
0x85: {  	_ =	shalt  }
0x86: {  	_ =	shalt  }
0x87: {  	_ =	shalt  }
.Lfunc_end0:
.L_simem_size_0:
called_computation_lowered:
.L_overlay_start_0:
0x88: {  	s2 =	sld [smem:$0x3FD9]  }
0x89: {  	s3 =	sld [smem:$0x3FFE];
	_ =	sdelay $0x1  }
0x8a: {  	s1 =	srdreg.scid  }
0x8b: {  	s0 =	sand.u32 $0x1, s1  }
0x8c: {  	s17 =	sshll.u32 s0, $0xA;
	s2 =	sadd.s32 s3, s2  }
0x8d: {  	s2 =	sadd.s32 s2, s17  }
0x8e: {  	[smem:$0x3FC4] =	sst s2  }
0x8f: {  	_ = 	snop  }
0x90: {  	s2 =	sld [smem:$0x3FC9]  }
0x91: {  	s18 =	sld [smem:$0x3FC8]  }
0x92: {  	s4 =	sld [smem:$0x3FC7]  }
0x93: {  	s5 =	sld [smem:$0x3FC6];
	(tm) =	ssettm $0x1  }
0x94: {  	s6 =	sld [smem:$0x3FFB];
	_ =	sdelay $0x3  }
0x95: {  	_ =	strace s6  }
0x96: {  	s6 =	sld [smem:$0x3FFC];
	_ =	sdelay $0x3  }
0x97: {  	_ =	strace s6  }
0x98: {  	s6 =	sld [smem:$0x3FFD];
	_ =	sdelay $0x3  }
0x99: {  	_ =	strace s6  }
0x9a: {  	_ =	strace $0x8FFFFFFF  }
0x9b: {  	s19 =	sld [smem:$0x3FDB];
	_ =	sdelay $0x1  }
0x9c: {  	s7 =	simm.s32 $_scs_section_size  }
0x9d: {  	s8 =	simm.s32 $_size__tile_overlayer_lowered;
	s9 =	simm.s32 $_tile_overlayer_lowered  }
0x9e: {  	s22 =	simm.s32 $0x1BFF;
	s21 =	sshll.u32 s9, $0x1;
	s6 =	sadd.s32 s7, s19  }
0x9f: {  	s10 =	simm.s32 $0x0;
	s20 =	sshll.u32 s8, $0x1;
	s8 =	sadd.s32 s21, s6  }
0xa0: {  	[timem:s10], [sflag:s22] =	dma.local [hbm:s8], s20  }
0xa1: {  	_ =	swait.ge [sflag:s22], s20  }
0xa2: {  	s7 =	ssub.s32 $0x0, s20;
	[sflag:s22] =	ssyncset.done $0x0  }
0xa3: {  	[sflag:s22] =	ssyncadd.s32 s7;
	_ =	sdelay $0x1  }
0xa4: {  	s23 =	simm.s32 $0x1B8B  }
0xa5: {  	_ =	swait.ge [sflag:s23], $0x1  }
0xa6: {  	[sflag:s23] =	ssyncset.done $0x0  }
0xa7: {  	s25 =	simm.s32 $0x1B8E;
	s24 =	sld [smem:$0x3FFE];
	[sflag:s23] =	ssyncadd.s32 $0xFFFFFFFF  }
0xa8: {  	s26 =	simm.s32 $execute0_lowered;
	[smem:$0x3FD2] =	sst s25  }
0xa9: {  	s8 =	sshll.u32 s26, $0x1;
	_ =	strace $0x80000046;
	[dreg:$0x1] =	wrdreg $0xFFFFFFFF  }
0xaa: {  	s28 =	simm.s32 $_size_execute0_lowered;
	s6 =	sadd.s32 s6, s8;
	[dreg:$0x0] =	wrdreg $0x0  }
0xab: {  	s8 =	sshll.u32 s28, $0x1;
	[dreg:$0x2] =	wrdreg s6  }
0xac: {  	[dreg:$0x3] =	wrdreg s8  }
0xad: {  	[dreg:$0x4] =	wrdreg $0xC0  }
0xae: {  	_ =	task [dreg:s10], $0x5FFFF  }
0xaf: {  	[dreg:$0x1] =	wrdreg $0xFFFFFFFF  }
0xb0: {  	[dreg:$0x0] =	wrdreg $0x60  }
0xb1: {  	[dreg:$0x2] =	wrdreg s2  }
0xb2: {  	[dreg:$0x3] =	wrdreg s18  }
0xb3: {  	[dreg:$0x4] =	wrdreg s4  }
0xb4: {  	[dreg:$0x5] =	wrdreg s5  }
0xb5: {  	[dreg:$0x6] =	wrdreg s24  }
0xb6: {  	[dreg:$0x7] =	wrdreg $0x9  }
0xb7: {  	_ =	task.clear_ibuf [dreg:s10], $0x8FFFF;
	_ =	strace $0x90000046  }
0xb8: {  	s29 =	simm.s32 $0x9;
	_ =	strace $0x80000048  }
0xb9: {  	_ =	swait.ge [sflag:s29], $0x1  }
0xba: {  	[sflag:s29] =	ssyncadd.s32 $0xFFFFFFFF  }
0xbb: {  	_ =	strace $0x90000048  }
0xbc: {  	_ =	sfence  }
0xbd: {  	s30 =	sld [smem:$0x0];
	_ =	sdelay $0x2  }
0xbe: {  	s31 =	sshll.u32 s1, $0xD;
	s1 =	sshrl.u32 s1, $0x2  }
0xbf: {  	s3 =	sand.u32 $0x4000, s31;
	s1 =	sadd.s32 s1, s30  }
0xc0: {  	s0 =	sor.u32 s3, s0;
	s1 =	sshll.u32 s1, $0x11  }
0xc1: {  	s0 =	sor.u32 s1, s0  }
0xc2: {  	s0 =	sadd.s32 $0x8F2B, s0  }
0xc3: {  	[sflag:s0] =	ssyncadd.remote.s32 $0x1  }
0xc4: {  	_ =	sfence.sel $0xFFFF  }
0xc5: {  	[dreg:$0x0] =	wrdreg $0xFFFFFFFF;
	(pc) =	sbr.abs _section_cstart, $3  }
0xc6: {  	[dreg:$0x1] =	wrdreg $0xFFFFFFFF  }
0xc7: {  	_ =	task.clear_ibuf [dreg:s10], $0x2FFFF;
	_ =	strace $0x9FFFFFFF  }
0xc8: {  	(tm) =	ssettm $0x7FFFFFFF  }
0xc9: {  	_ =	shalt  }
tec
execute0_lowered:
.L_overlay_start_1:
0x0: {  	(tag) =	ssettag $0x1  }
0x1: {  	s0 =	rddreg [dreg:$0x0]  }
0x2: {  	s2 =	rddreg [dreg:$0x1]  }
0x3: {  	s4 =	rddreg [dreg:$0x2]  }
0x4: {  	s29 =	rddreg [dreg:$0x3]  }
0x5: {  	s5 =	rddreg [dreg:$0x4];
	s1 =	simm.s32 $0x0  }
0x6: {  	s7 =	simm.s32 $0xA00;
	[smem:$0x7FF] =	sst s1  }
0x7: {  	s11 =	simm.s32 $0xE00;
	_ =	strace $0x80000047;
	[dreg:$0x6] =	wrdreg s7  }
0x8: {  	s12 =	simm.s32 $0x1200;
	[dreg:$0x7] =	wrdreg s11  }
0x9: {  	s13 =	simm.s32 $0x1600;
	[dreg:$0x8] =	wrdreg s12  }
0xa: {  	s14 =	simm.s32 $0x1A00;
	[dreg:$0x9] =	wrdreg s13  }
0xb: {  	s15 =	simm.s32 $0x1E00;
	[dreg:$0xa] =	wrdreg s14  }
0xc: {  	s17 =	simm.s32 $0x2200;
	[dreg:$0xb] =	wrdreg s15  }
0xd: {  	s10 =	srdreg.scid;
	s18 =	simm.s32 $0x2600;
	[dreg:$0xc] =	wrdreg s17  }
0xe: {  	s3 =	stileid.u32;
	s19 =	simm.s32 $0x2A00;
	[dreg:$0xd] =	wrdreg s18  }
0xf: {  	s20 =	simm.s32 $0x2E00;
	s22 =	simm.s32 $0x3200;
	[dreg:$0xe] =	wrdreg s19  }
0x10: {  	s24 =	simm.s32 $0x3600;
	s25 =	simm.s32 $0x3A00;
	[dreg:$0xf] =	wrdreg s20  }
0x11: {  	s26 =	simm.s32 $0x3E00;
	s31 =	simm.s32 $0x4200;
	[dreg:$0x10] =	wrdreg s22  }
0x12: {  	s28 =	simm.s32 $0x600;
	s6 =	simm.s32 $0x1;
	[dreg:$0x11] =	wrdreg s24  }
0x13: {  	s30 =	simm.s32 $0x5;
	s1 =	sand.u32 $0x1, s10;
	[dreg:$0x12] =	wrdreg s25  }
0x14: {  	s8 =	sshll.u32 s3, $0x7;
	s9 =	sshll.u32 s1, $0x6;
	[dreg:$0x13] =	wrdreg s26  }
0x15: {  	s1 =	ssub.s32 $0x2, s1;
	[dreg:$0x14] =	wrdreg s31;
	s8 =	sor.u32 s9, s8  }
0x16: {  	s24 =	simm.s32 $0x2;
	s25 =	simm.s32 $0x3;
	s0 =	sadd.s32 s0, s8  }
0x17: {  	s16 =	sshrl.u32 s1, $0x1;
	s2 =	sadd.s32 s2, s8;
	[dreg:$0x19] =	wrdreg s0  }
0x18: {  	s5 =	sadd.s32 s8, s5;
	s21 =	sadd.s32 s4, s8;
	[dreg:$0x1a] =	wrdreg s2  }
0x19: {  	s1 =	ssub.s32 s1, s16;
	[dreg:$0x1b] =	wrdreg s21;
	s23 =	sadd.s32 $0xA00, s5  }
0x1a: {  	v0 =	vlaneseq.u32;
	s26 =	simm.s32 $0x4;
	s1 =	smax.u32 s1, $0x1;
	[dreg:$0x1c] =	wrdreg s23  }
0x1b: {  	v0 =	vmul.u32 $0x400, v0;
	s2 =	simm.s32 $0x0;
	[dreg:$0x1d] =	wrdreg s1;
	s1 =	simm.s32 $0x11  }
.LBB2_1:
0x1c: {  	[dreg:$0x1e] =	wrdreg s2  }
0x1d: {  	s3 =	simm.s32 $0x0;
	s0 =	rddreg [dreg:$0x19]  }
0x1e: {  	[tilespmem:s3], [sflag:$0x11] =	stream.linear.gather [hbm4b:s0+s3], $0x200, $0x38;
	[tilespmem:$0x4800] =	vst v63  }
0x1f: {  	_ =	swait.ge [sflag:s1], $0x200  }
0x20: {  	[sflag:s1] =	ssyncset.done $0x0  }
0x21: {  	s13 =	simm.s32 $0x200;
	s12 =	rddreg [dreg:$0x1a];
	[sflag:s1] =	ssyncadd.s32 $0xFFFFFE00  }
0x22: {  	[tilespmem:s13], [sflag:$0x11] =	stream.linear.gather [hbm4b:s12+s3], $0x200, $0x38;
	[tilespmem:$0x4800] =	vst v63  }
0x23: {  	_ =	swait.ge [sflag:s1], $0x200  }
0x24: {  	[sflag:s1] =	ssyncset.done $0x0  }
0x25: {  	s15 =	simm.s32 $0x400;
	s14 =	rddreg [dreg:$0x1b];
	[sflag:s1] =	ssyncadd.s32 $0xFFFFFE00  }
0x26: {  	[tilespmem:s15], [sflag:$0x11] =	stream.linear.gather [hbm4b:s14+s3], $0x200, $0x38;
	[tilespmem:$0x4800] =	vst v63  }
0x27: {  	_ =	swait.ge [sflag:s1], $0x200  }
0x28: {  	[sflag:s1] =	ssyncset.done $0x0  }
0x29: {  	s16 =	simm.s32 $0x0;
	[sflag:s1] =	ssyncadd.s32 $0xFFFFFE00  }
0x2a: {  	v1 =	vld [tilespmem:s16+$0x400]  }
0x2b: {  	v2 =	vld [tilespmem:s16+$0x0];
	_ =	sdelay $0x4  }
0x2c: {  	v4 =	vshrl.u32 v1, $0x3;
	v3 =	vmul.u32 $0x5C000, v2  }
0x2d: {  	v2 =	vld [tilespmem:s16+$0x200];
	v4 =	vmul.u32 $0xB800, v4  }
0x2e: {  	(v2sf) =	vpush v3, $0xE  }
0x2f: {  	(v2sf) =	vpush v4, $0xC  }
0x30: {  	(v2sf) =	vpush v4, $0xA  }
0x31: {  	(v2sf) =	vpush v3, $0xD  }
0x32: {  	v5 =	vshll.u32 v2, $0x3;
	(v2sf) =	vpush v3, $0xA  }
0x33: {  	(v2sf) =	vpush v5, $0x7  }
0x34: {  	(v2sf) =	vpush v4, $0x7  }
0x35: {  	(v2sf) =	vpush v4, $0x6  }
0x36: {  	(v2sf) =	vpush v4, $0xB  }
0x37: {  	(v2sf) =	vpush v5, $0x6  }
0x38: {  	(v2sf) =	vpush v3, $0xB  }
0x39: {  	(v2sf) =	vpush v5, $0xB  }
0x3a: {  	(v2sf) =	vpush v3, $0x8  }
0x3b: {  	(v2sf) =	vpush v3, $0x6  }
0x3c: {  	(v2sf) =	vpush v3, $0x7  }
0x3d: {  	(v2sf) =	vpush v5, $0x5;
	s18 =	spop (v2sf)  }
0x3e: {  	(v2sf) =	vpush v3, $0x5;
	s19 =	spop (v2sf)  }
0x3f: {  	(v2sf) =	vpush v5, $0x4;
	s20 =	spop (v2sf)  }
0x40: {  	(v2sf) =	vpush v4, $0x4;
	s21 =	spop (v2sf)  }
0x41: {  	(v2sf) =	vpush v4, $0x5;
	s22 =	spop (v2sf)  }
0x42: {  	(v2sf) =	vpush v3, $0x3;
	s23 =	spop (v2sf)  }
0x43: {  	(v2sf) =	vpush v5, $0x3;
	s31 =	spop (v2sf)  }
0x44: {  	(v2sf) =	vpush v3, $0x4;
	s14 =	spop (v2sf)  }
0x45: {  	(v2sf) =	vpush v4, $0x3;
	s1 =	spop (v2sf)  }
0x46: {  	(v2sf) =	vpush v3, $0x2;
	s16 =	spop (v2sf)  }
0x47: {  	(v2sf) =	vpush v4, $0x1;
	s2 =	spop (v2sf)  }
0x48: {  	(v2sf) =	vpush v5, $0x2;
	s4 =	spop (v2sf)  }
0x49: {  	s17 =	simm.s32 $0x0;
	(v2sf) =	vpush v4, $0x2;
	s13 =	spop (v2sf)  }
0x4a: {  	[dreg:$0x15] =	wrdreg s17;
	(v2sf) =	vpush v4, $0x0;
	s17 =	spop (v2sf)  }
0x4b: {  	(v2sf) =	vpush v3, $0x1;
	s15 =	spop (v2sf)  }
0x4c: {  	[dreg:$0x1f] =	wrdreg s18;
	(v2sf) =	vpush v5, $0x1;
	s18 =	spop (v2sf)  }
0x4d: {  	[smem:$0x7FC] =	sst s19;
	(v2sf) =	vpush v5, $0x0;
	s19 =	spop (v2sf)  }
0x4e: {  	[smem:$0x7F8] =	sst s20;
	(v2sf) =	vpush v3, $0x0;
	s20 =	spop (v2sf)  }
0x4f: {  	[smem:$0x7FD] =	sst s21;
	s21 =	spop (v2sf)  }
0x50: {  	[smem:$0x7F7] =	sst s22;
	s22 =	spop (v2sf)  }
0x51: {  	[smem:$0x7F5] =	sst s23;
	s23 =	spop (v2sf)  }
0x52: {  	[smem:$0x7FB] =	sst s1;
	s1 =	spop (v2sf)  }
0x53: {  	[smem:$0x7F6] =	sst s31;
	s31 =	spop (v2sf)  }
0x54: {  	s0 =	spop (v2sf)  }
0x55: {  	s9 =	spop (v2sf)  }
0x56: {  	s10 =	spop (v2sf)  }
0x57: {  	s7 =	spop (v2sf)  }
0x58: {  	s8 =	spop (v2sf)  }
0x59: {  	[smem:$0x7F9] =	sst s4;
	s4 =	spop (v2sf)  }
0x5a: {  	s5 =	spop (v2sf)  }
0x5b: {  	[smem:$0x7FA] =	sst s2;
	s2 =	spop (v2sf)  }
0x5c: {  	s11 =	spop (v2sf)  }
0x5d: {  	s11 =	sand.u32 $0x7FFFFC00, s11;
	s12 =	spop (v2sf)  }
0x5e: {  	s2 =	sand.u32 $0x7FFFFC00, s2;
	s11 =	sadd.s32 s12, s11  }
0x5f: {  	s2 =	sadd.s32 s5, s2;
	s4 =	sadd.s32 s4, s11  }
0x60: {  	s2 =	sadd.s32 s10, s2;
	s4 =	sshrl.u32 s4, $0x3  }
0x61: {  	s2 =	sshrl.u32 s2, $0x3;
	s4 =	sadd.s32 s29, s4  }
0x62: {  	[tilespmem:s28], [sflag:$0x1] =	stream.linear.gather [hbm4b:s4+s3], $0x400, $0x38;
	[tilespmem:$0x4800] =	vst v63  }
0x63: {  	s5 =	rddreg [dreg:$0x6];
	s10 =	sand.u32 $0x7FFFFC00, s7;
	s2 =	sadd.s32 s29, s2  }
0x64: {  	[tilespmem:s5], [sflag:$0x2] =	stream.linear.gather [hbm4b:s2+s3], $0x400, $0x38;
	[tilespmem:$0x4800] =	vst v63  }
0x65: {  	s2 =	sadd.s32 s9, s10  }
0x66: {  	s2 =	sadd.s32 s8, s2  }
0x67: {  	s2 =	sshrl.u32 s2, $0x3  }
0x68: {  	s12 =	sand.u32 $0x7FFFFC00, s1;
	s11 =	rddreg [dreg:$0x7];
	s2 =	sadd.s32 s29, s2  }
0x69: {  	[tilespmem:s11], [sflag:$0x3] =	stream.linear.gather [hbm4b:s2+s3], $0x400, $0x38;
	[tilespmem:$0x4800] =	vst v63  }
0x6a: {  	s2 =	sadd.s32 s23, s12  }
0x6b: {  	s2 =	sadd.s32 s0, s2  }
0x6c: {  	s2 =	sshrl.u32 s2, $0x3  }
0x6d: {  	s28 =	rddreg [dreg:$0x8];
	s0 =	sand.u32 $0x7FFFFC00, s20;
	s2 =	sadd.s32 s29, s2  }
0x6e: {  	[tilespmem:s28], [sflag:$0x4] =	stream.linear.gather [hbm4b:s2+s3], $0x400, $0x38;
	[tilespmem:$0x4800] =	vst v63  }
0x6f: {  	s2 =	sadd.s32 s31, s0  }
0x70: {  	s2 =	sadd.s32 s21, s2  }
0x71: {  	s2 =	sshrl.u32 s2, $0x3  }
0x72: {  	(v2sf) =	vpush v5, $0x8;
	s1 =	rddreg [dreg:$0x9];
	s5 =	sand.u32 $0x7FFFFC00, s18;
	s2 =	sadd.s32 s29, s2  }
0x73: {  	[tilespmem:s1], [sflag:$0x5] =	stream.linear.gather [hbm4b:s2+s3], $0x400, $0x38;
	[tilespmem:$0x4800] =	vst v63  }
0x74: {  	(v2sf) =	vpush v3, $0x9;
	s2 =	sadd.s32 s19, s5  }
0x75: {  	(v2sf) =	vpush v4, $0x8;
	s2 =	sadd.s32 s22, s2  }
0x76: {  	s2 =	sshrl.u32 s2, $0x3  }
0x77: {  	s7 =	rddreg [dreg:$0xa];
	s8 =	sand.u32 $0x7FFFFC00, s16;
	s2 =	sadd.s32 s29, s2  }
0x78: {  	(v2sf) =	vpush v5, $0x9;
	[tilespmem:s7], [sflag:$0x6] =	stream.linear.gather [hbm4b:s2+s3], $0x400, $0x38;
	[tilespmem:$0x4800] =	vst v63  }
0x79: {  	s10 =	sld [smem:$0x7F5];
	s2 =	sadd.s32 s17, s8  }
0x7a: {  	(v2sf) =	vpush v5, $0xA;
	s2 =	sadd.s32 s14, s2  }
0x7b: {  	(v2sf) =	vpush v4, $0x9;
	s9 =	rddreg [dreg:$0xb];
	s2 =	sshrl.u32 s2, $0x3  }
0x7c: {  	s11 =	sand.u32 $0x7FFFFC00, s10;
	s12 =	sld [smem:$0x7F6];
	s2 =	sadd.s32 s29, s2  }
0x7d: {  	[tilespmem:s9], [sflag:$0x7] =	stream.linear.gather [hbm4b:s2+s3], $0x400, $0x38;
	[tilespmem:$0x4800] =	vst v63  }
0x7e: {  	s2 =	sadd.s32 s15, s11  }
0x7f: {  	s2 =	sadd.s32 s12, s2  }
0x80: {  	s2 =	sshrl.u32 s2, $0x3  }
0x81: {  	s14 =	rddreg [dreg:$0xc];
	s15 =	spop (v2sf);
	s2 =	sadd.s32 s29, s2  }
0x82: {  	[tilespmem:s14], [sflag:$0x8] =	stream.linear.gather [hbm4b:s2+s3], $0x400, $0x38;
	[tilespmem:$0x4800] =	vst v63  }
0x83: {  	s16 =	spop (v2sf);
	s2 =	sand.u32 $0x7FFFFC00, s15  }
0x84: {  	s17 =	spop (v2sf);
	s2 =	sadd.s32 s13, s2  }
0x85: {  	s2 =	sadd.s32 s17, s2  }
0x86: {  	s2 =	sshrl.u32 s2, $0x3  }
0x87: {  	s18 =	rddreg [dreg:$0xd];
	s19 =	spop (v2sf);
	s2 =	sadd.s32 s29, s2  }
0x88: {  	(v2sf) =	vpush v5, $0xC;
	[tilespmem:s18], [sflag:$0x9] =	stream.linear.gather [hbm4b:s2+s3], $0x400, $0x38;
	[tilespmem:$0x4800] =	vst v63  }
0x89: {  	s20 =	spop (v2sf);
	s2 =	sand.u32 $0x7FFFFC00, s19  }
0x8a: {  	(v2sf) =	vpush v3, $0xC;
	s21 =	spop (v2sf);
	s2 =	sadd.s32 s16, s2  }
0x8b: {  	s28 =	sld [smem:$0x7F7];
	s2 =	sadd.s32 s21, s2  }
0x8c: {  	s31 =	sld [smem:$0x7F8];
	s2 =	sshrl.u32 s2, $0x3  }
0x8d: {  	s22 =	rddreg [dreg:$0xe];
	s23 =	sand.u32 $0x7FFFFC00, s20;
	s2 =	sadd.s32 s29, s2  }
0x8e: {  	(v2sf) =	vpush v5, $0xD;
	[tilespmem:s22], [sflag:$0xA] =	stream.linear.gather [hbm4b:s2+s3], $0x400, $0x38;
	[tilespmem:$0x4800] =	vst v63  }
0x8f: {  	s4 =	sld [smem:$0x7F9];
	s2 =	sadd.s32 s28, s23  }
0x90: {  	s1 =	rddreg [dreg:$0xf];
	s2 =	sadd.s32 s31, s2  }
0x91: {  	s7 =	sld [smem:$0x7FA];
	(v2sf) =	vpush v4, $0xD;
	s2 =	sshrl.u32 s2, $0x3  }
0x92: {  	s5 =	sand.u32 $0x7FFFFC00, s4;
	s8 =	sld [smem:$0x7FB];
	s2 =	sadd.s32 s29, s2  }
0x93: {  	[tilespmem:s1], [sflag:$0xB] =	stream.linear.gather [hbm4b:s2+s3], $0x400, $0x38;
	[tilespmem:$0x4800] =	vst v63  }
0x94: {  	(v2sf) =	vpush v5, $0xE;
	s2 =	sadd.s32 s7, s5  }
0x95: {  	s2 =	sadd.s32 s8, s2  }
0x96: {  	s9 =	rddreg [dreg:$0x10];
	s2 =	sshrl.u32 s2, $0x3  }
0x97: {  	s12 =	sld [smem:$0x7FC];
	(v2sf) =	vpush v4, $0xE;
	s10 =	spop (v2sf);
	s2 =	sadd.s32 s29, s2  }
0x98: {  	[tilespmem:s9], [sflag:$0xC] =	stream.linear.gather [hbm4b:s2+s3], $0x400, $0x38;
	[tilespmem:$0x4800] =	vst v63  }
0x99: {  	s11 =	spop (v2sf);
	s2 =	sand.u32 $0x7FFFFC00, s10  }
0x9a: {  	(v2sf) =	vpush v5, $0xF;
	s2 =	sadd.s32 s11, s2  }
0x9b: {  	s2 =	sadd.s32 s12, s2  }
0x9c: {  	s15 =	sld [smem:$0x7FD];
	(v2sf) =	vpush v3, $0xF;
	s2 =	sshrl.u32 s2, $0x3  }
0x9d: {  	s13 =	rddreg [dreg:$0x11];
	s14 =	spop (v2sf);
	(v2sf) =	vpush v4, $0xF;
	s2 =	sadd.s32 s29, s2  }
0x9e: {  	[tilespmem:s13], [sflag:$0xD] =	stream.linear.gather [hbm4b:s2+s3], $0x400, $0x38;
	[tilespmem:$0x4800] =	vst v63  }
0x9f: {  	s2 =	sand.u32 $0x7FFFFC00, s14  }
0xa0: {  	s16 =	spop (v2sf);
	s2 =	sadd.s32 s15, s2  }
0xa1: {  	s2 =	sadd.s32 s16, s2  }
0xa2: {  	s2 =	sshrl.u32 s2, $0x3  }
0xa3: {  	s17 =	rddreg [dreg:$0x12];
	s18 =	spop (v2sf);
	s2 =	sadd.s32 s29, s2  }
0xa4: {  	[tilespmem:s17], [sflag:$0xE] =	stream.linear.gather [hbm4b:s2+s3], $0x400, $0x38;
	[tilespmem:$0x4800] =	vst v63  }
0xa5: {  	s19 =	rddreg [dreg:$0x1f];
	s2 =	sand.u32 $0x7FFFFC00, s18  }
0xa6: {  	s20 =	spop (v2sf);
	s2 =	sadd.s32 s19, s2  }
0xa7: {  	s2 =	sadd.s32 s20, s2  }
0xa8: {  	s2 =	sshrl.u32 s2, $0x3  }
0xa9: {  	s21 =	rddreg [dreg:$0x13];
	s22 =	spop (v2sf);
	s2 =	sadd.s32 s29, s2  }
0xaa: {  	[tilespmem:s21], [sflag:$0xF] =	stream.linear.gather [hbm4b:s2+s3], $0x400, $0x38;
	[tilespmem:$0x4800] =	vst v63  }
0xab: {  	s23 =	spop (v2sf);
	s2 =	sand.u32 $0x7FFFFC00, s22  }
0xac: {  	s28 =	spop (v2sf);
	s2 =	sadd.s32 s23, s2  }
0xad: {  	s2 =	sadd.s32 s28, s2  }
0xae: {  	s2 =	sshrl.u32 s2, $0x3  }
0xaf: {  	s31 =	rddreg [dreg:$0x14];
	s2 =	sadd.s32 s29, s2  }
0xb0: {  	[tilespmem:s31], [sflag:$0x10] =	stream.linear.gather [hbm4b:s2+s3], $0x400, $0x38;
	[tilespmem:$0x4800] =	vst v63  }
0xb1: {  	_ =	swait.ge [sflag:s6], $0x400  }
0xb2: {  	[sflag:s6] =	ssyncset.done $0x0  }
0xb3: {  	[sflag:s6] =	ssyncadd.s32 $0xFFFFFC00  }
0xb4: {  	_ =	swait.ge [sflag:s24], $0x400  }
0xb5: {  	[sflag:s24] =	ssyncset.done $0x0  }
0xb6: {  	[sflag:s24] =	ssyncadd.s32 $0xFFFFFC00  }
0xb7: {  	_ =	swait.ge [sflag:s25], $0x400  }
0xb8: {  	[sflag:s25] =	ssyncset.done $0x0  }
0xb9: {  	[sflag:s25] =	ssyncadd.s32 $0xFFFFFC00  }
0xba: {  	_ =	swait.ge [sflag:s26], $0x400  }
0xbb: {  	[sflag:s26] =	ssyncset.done $0x0  }
0xbc: {  	[sflag:s26] =	ssyncadd.s32 $0xFFFFFC00  }
0xbd: {  	v1 =	vshll.u32 v1, $0x7;
	_ =	swait.ge [sflag:s30], $0x400  }
0xbe: {  	v1 =	vand.u32 $0x380, v1;
	v2 =	vand.u32 $0x7F, v2;
	[sflag:s30] =	ssyncset.done $0x0  }
0xbf: {  	v1 =	vor.u32 v1, v2;
	s2 =	simm.s32 $0x40;
	[sflag:s30] =	ssyncadd.s32 $0xFFFFFC00  }
.LBB2_2:
0xc0: {  	s0 =	simm.s32 $0x6  }
0xc1: {  	_ =	swait.ge [sflag:s0], $0x400  }
0xc2: {  	[sflag:s0] =	ssyncset.done $0x0  }
0xc3: {  	s14 =	simm.s32 $0x7;
	[sflag:s0] =	ssyncadd.s32 $0xFFFFFC00  }
0xc4: {  	_ =	swait.ge [sflag:s14], $0x400  }
0xc5: {  	[sflag:s14] =	ssyncset.done $0x0  }
0xc6: {  	s15 =	simm.s32 $0x8;
	[sflag:s14] =	ssyncadd.s32 $0xFFFFFC00  }
0xc7: {  	_ =	swait.ge [sflag:s15], $0x400  }
0xc8: {  	[sflag:s15] =	ssyncset.done $0x0  }
0xc9: {  	s16 =	simm.s32 $0x9;
	[sflag:s15] =	ssyncadd.s32 $0xFFFFFC00  }
0xca: {  	_ =	swait.ge [sflag:s16], $0x400  }
0xcb: {  	[sflag:s16] =	ssyncset.done $0x0  }
0xcc: {  	s17 =	simm.s32 $0xA;
	[sflag:s16] =	ssyncadd.s32 $0xFFFFFC00  }
0xcd: {  	_ =	swait.ge [sflag:s17], $0x400  }
0xce: {  	[sflag:s17] =	ssyncset.done $0x0  }
0xcf: {  	s18 =	simm.s32 $0xB;
	[sflag:s17] =	ssyncadd.s32 $0xFFFFFC00  }
0xd0: {  	_ =	swait.ge [sflag:s18], $0x400  }
0xd1: {  	[sflag:s18] =	ssyncset.done $0x0  }
0xd2: {  	s19 =	simm.s32 $0xC;
	[sflag:s18] =	ssyncadd.s32 $0xFFFFFC00  }
0xd3: {  	_ =	swait.ge [sflag:s19], $0x400  }
0xd4: {  	[sflag:s19] =	ssyncset.done $0x0  }
0xd5: {  	s20 =	simm.s32 $0xD;
	[sflag:s19] =	ssyncadd.s32 $0xFFFFFC00  }
0xd6: {  	_ =	swait.ge [sflag:s20], $0x400  }
0xd7: {  	[sflag:s20] =	ssyncset.done $0x0  }
0xd8: {  	s21 =	simm.s32 $0xE;
	[sflag:s20] =	ssyncadd.s32 $0xFFFFFC00  }
0xd9: {  	_ =	swait.ge [sflag:s21], $0x400  }
0xda: {  	[sflag:s21] =	ssyncset.done $0x0  }
0xdb: {  	s22 =	simm.s32 $0xF;
	[sflag:s21] =	ssyncadd.s32 $0xFFFFFC00  }
0xdc: {  	_ =	swait.ge [sflag:s22], $0x400  }
0xdd: {  	[sflag:s22] =	ssyncset.done $0x0  }
0xde: {  	s23 =	simm.s32 $0x10;
	[sflag:s22] =	ssyncadd.s32 $0xFFFFFC00  }
0xdf: {  	_ =	swait.ge [sflag:s23], $0x400  }
0xe0: {  	s4 =	smov.u32 s2;
	[sflag:s23] =	ssyncset.done $0x0  }
0xe1: {  	s4 =	sshra.s32 s4, $0x2;
	[sflag:s23] =	ssyncadd.s32 $0xFFFFFC00  }
0xe2: {  	v2 =	vld [tilespmem:s4+$0x400]  }
0xe3: {  	v3 =	vld [tilespmem:s4+$0x0];
	_ =	sdelay $0x4  }
0xe4: {  	v4 =	vshrl.u32 v2, $0x3;
	v3 =	vmul.u32 $0x5C000, v3  }
0xe5: {  	v5 =	vld [tilespmem:s4+$0x200];
	v6 =	vshll.u32 v2, $0x7;
	v2 =	vmul.u32 $0xB800, v4  }
0xe6: {  	(v2sf) =	vpush v3, $0xE  }
0xe7: {  	(v2sf) =	vpush v2, $0xC  }
0xe8: {  	(v2sf) =	vpush v2, $0xA  }
0xe9: {  	(v2sf) =	vpush v3, $0xD  }
0xea: {  	v62 =	vshll.u32 v5, $0x3;
	(v2sf) =	vpush v3, $0xA  }
0xeb: {  	(v2sf) =	vpush v62, $0x7  }
0xec: {  	(v2sf) =	vpush v2, $0x7  }
0xed: {  	(v2sf) =	vpush v2, $0x6  }
0xee: {  	(v2sf) =	vpush v2, $0xB  }
0xef: {  	(v2sf) =	vpush v62, $0x6  }
0xf0: {  	(v2sf) =	vpush v3, $0xB  }
0xf1: {  	(v2sf) =	vpush v62, $0xB  }
0xf2: {  	(v2sf) =	vpush v3, $0x8  }
0xf3: {  	(v2sf) =	vpush v3, $0x6  }
0xf4: {  	(v2sf) =	vpush v3, $0x7  }
0xf5: {  	(v2sf) =	vpush v62, $0x5;
	s31 =	spop (v2sf)  }
0xf6: {  	(v2sf) =	vpush v3, $0x5;
	s11 =	spop (v2sf)  }
0xf7: {  	s26 =	smov.u32 s4;
	(v2sf) =	vpush v62, $0x4;
	s4 =	spop (v2sf)  }
0xf8: {  	(v2sf) =	vpush v2, $0x4;
	s1 =	spop (v2sf)  }
0xf9: {  	(v2sf) =	vpush v2, $0x5;
	s9 =	spop (v2sf)  }
0xfa: {  	s25 =	rddreg [dreg:$0x15];
	(v2sf) =	vpush v3, $0x3;
	s20 =	spop (v2sf)  }
0xfb: {  	[dreg:$0x15] =	wrdreg s26;
	(v2sf) =	vpush v62, $0x3;
	s17 =	spop (v2sf)  }
0xfc: {  	s3 =	rddreg [dreg:$0x12];
	(v2sf) =	vpush v3, $0x4;
	s22 =	spop (v2sf)  }
0xfd: {  	v1 =	vor.u32 v0, v1;
	s30 =	rddreg [dreg:$0x6];
	(v2sf) =	vpush v2, $0x3;
	s5 =	spop (v2sf)  }
0xfe: {  	[dreg:$0x17] =	wrdreg s3;
	(v2sf) =	vpush v3, $0x2;
	s21 =	spop (v2sf)  }
0xff: {  	[dreg:$0x16] =	wrdreg s31;
	(v2sf) =	vpush v2, $0x1;
	s7 =	spop (v2sf)  }
0x100: {  	s24 =	simm.s32 $0x600;
	s31 =	rddreg [dreg:$0xe];
	(v2sf) =	vpush v62, $0x2;
	s8 =	spop (v2sf)  }
0x101: {  	s3 =	smov.u32 s29;
	[dreg:$0x18] =	wrdreg s1;
	(v2sf) =	vpush v2, $0x2;
	s15 =	spop (v2sf)  }
0x102: {  	v1 =	vld.idx.msk [tilespmem:v1+s24+$0x0], $0xffff;
	s21 =	sand.u32 $0x7FFFFC00, s21;
	s8 =	sand.u32 $0x7FFFFC00, s8;
	(v2sf) =	vpush v2, $0x0;
	s24 =	spop (v2sf)  }
0x103: {  	s7 =	sadd.s32 s7, s8;
	s8 =	rddreg [dreg:$0xf];
	(v2sf) =	vpush v3, $0x1;
	s23 =	spop (v2sf)  }
0x104: {  	s7 =	sadd.s32 s5, s7;
	s5 =	rddreg [dreg:$0x11];
	(v2sf) =	vpush v62, $0x1;
	s12 =	spop (v2sf)  }
0x105: {  	s24 =	sadd.s32 s24, s21;
	s21 =	rddreg [dreg:$0x8];
	(v2sf) =	vpush v62, $0x0;
	s13 =	spop (v2sf)  }
0x106: {  	s7 =	sshrl.u32 s7, $0x3;
	s24 =	sadd.s32 s22, s24;
	(v2sf) =	vpush v3, $0x0;
	s16 =	spop (v2sf)  }
0x107: {  	s14 =	sand.u32 $0x7FFFFC00, s12;
	s12 =	rddreg [dreg:$0xd];
	s26 =	spop (v2sf)  }
0x108: {  	s24 =	sshrl.u32 s24, $0x3;
	s14 =	sadd.s32 s13, s14;
	s6 =	spop (v2sf)  }
0x109: {  	[tilespmem:s25+$0x4600] =	vst v1;
	s13 =	rddreg [dreg:$0xc];
	s25 =	sand.u32 $0x7FFFFC00, s16;
	(v2sf) =	vpush v62, $0x8;
	s28 =	spop (v2sf)  }
0x10a: {  	s16 =	sadd.s32 s6, s14;
	s14 =	rddreg [dreg:$0xb];
	s19 =	spop (v2sf);
	(v2sf) =	vpush v3, $0x9  }
0x10b: {  	s6 =	sand.u32 $0x7FFFFC00, s20;
	s18 =	sshrl.u32 s16, $0x3;
	s10 =	spop (v2sf)  }
0x10c: {  	s16 =	rddreg [dreg:$0xa];
	s29 =	sand.u32 $0x7FFFFC00, s19;
	s1 =	spop (v2sf)  }
0x10d: {  	(v2sf) =	vpush v2, $0x8;
	s0 =	sadd.s32 s10, s25;
	s28 =	sadd.s32 s28, s29;
	s29 =	spop (v2sf)  }
0x10e: {  	s19 =	rddreg [dreg:$0x9];
	s0 =	sadd.s32 s26, s0;
	s26 =	spop (v2sf)  }
0x10f: {  	s10 =	rddreg [dreg:$0x7];
	s25 =	sadd.s32 s1, s28;
	(v2sf) =	vpush v62, $0x9;
	s28 =	spop (v2sf)  }
0x110: {  	s22 =	sshrl.u32 s0, $0x3;
	s25 =	sshrl.u32 s25, $0x3;
	s20 =	spop (v2sf)  }
0x111: {  	s0 =	sadd.s32 s23, s6;
	(v2sf) =	vpush v62, $0xA;
	s28 =	sand.u32 $0x7FFFFC00, s28;
	s1 =	spop (v2sf)  }
0x112: {  	s0 =	sadd.s32 s17, s0;
	s28 =	sadd.s32 s29, s28;
	s29 =	spop (v2sf)  }
0x113: {  	s25 =	sadd.s32 s3, s25;
	s0 =	sshrl.u32 s0, $0x3;
	(v2sf) =	vpush v2, $0x9;
	s6 =	spop (v2sf)  }
0x114: {  	s0 =	sadd.s32 s3, s0;
	s23 =	sand.u32 $0x7FFFFC00, s6;
	s6 =	spop (v2sf)  }
0x115: {  	s20 =	sadd.s32 s20, s28;
	s17 =	spop (v2sf);
	s6 =	sand.u32 $0x7FFFFC00, s6  }
0x116: {  	(v2sf) =	vpush v62, $0xC;
	s23 =	sadd.s32 s29, s23;
	s29 =	smov.u32 s3;
	s6 =	sadd.s32 s17, s6  }
0x117: {  	s23 =	sadd.s32 s26, s23;
	s17 =	sadd.s32 s3, s24;
	s1 =	sadd.s32 s1, s6  }
0x118: {  	s23 =	sshrl.u32 s23, $0x3;
	s26 =	spop (v2sf);
	s1 =	sshrl.u32 s1, $0x3  }
0x119: {  	s6 =	sand.u32 $0x7FFFFC00, s26;
	s24 =	spop (v2sf);
	s1 =	sadd.s32 s3, s1  }
0x11a: {  	(v2sf) =	vpush v3, $0xC;
	s6 =	sadd.s32 s15, s6;
	s3 =	simm.s32 $0x0;
	s15 =	simm.s32 $0x600  }
0x11b: {  	[tilespmem:s15], [sflag:$0x1] =	stream.linear.gather [hbm4b:s1+s3], $0x400, $0x38;
	[tilespmem:$0x4800] =	vst v63  }
0x11c: {  	s20 =	sshrl.u32 s20, $0x3;
	s23 =	sadd.s32 s29, s23;
	(v2sf) =	vpush v62, $0xD;
	s26 =	spop (v2sf)  }
0x11d: {  	[tilespmem:s30], [sflag:$0x2] =	stream.linear.gather [hbm4b:s23+s3], $0x400, $0x38;
	[tilespmem:$0x4800] =	vst v63  }
0x11e: {  	s18 =	sadd.s32 s29, s18;
	s23 =	sadd.s32 s29, s20;
	s15 =	spop (v2sf)  }
0x11f: {  	[tilespmem:s10], [sflag:$0x3] =	stream.linear.gather [hbm4b:s23+s3], $0x400, $0x38;
	[tilespmem:$0x4800] =	vst v63  }
0x120: {  	s1 =	sadd.s32 s29, s22;
	s6 =	sadd.s32 s26, s6;
	s20 =	spop (v2sf);
	(v2sf) =	vpush v2, $0xD  }
0x121: {  	[tilespmem:s21], [sflag:$0x4] =	stream.linear.gather [hbm4b:s25+s3], $0x400, $0x38;
	[tilespmem:$0x4800] =	vst v63  }
0x122: {  	s6 =	sshrl.u32 s6, $0x3;
	s15 =	sand.u32 $0x7FFFFC00, s15;
	s23 =	spop (v2sf);
	(v2sf) =	vpush v62, $0xE  }
0x123: {  	s6 =	sadd.s32 s29, s6;
	s22 =	sadd.s32 s24, s15;
	s21 =	rddreg [dreg:$0x18]  }
0x124: {  	[tilespmem:s19], [sflag:$0x5] =	stream.linear.gather [hbm4b:s1+s3], $0x400, $0x38;
	[tilespmem:$0x4800] =	vst v63  }
0x125: {  	s10 =	sadd.s32 s23, s22;
	s22 =	sand.u32 $0x7FFFFC00, s20;
	s23 =	spop (v2sf);
	(v2sf) =	vpush v2, $0xE  }
0x126: {  	[tilespmem:s16], [sflag:$0x6] =	stream.linear.gather [hbm4b:s18+s3], $0x400, $0x38;
	[tilespmem:$0x4800] =	vst v63  }
0x127: {  	s9 =	sadd.s32 s9, s22;
	s20 =	sshrl.u32 s10, $0x3;
	s10 =	sadd.s32 s29, s7  }
0x128: {  	[tilespmem:s14], [sflag:$0x7] =	stream.linear.gather [hbm4b:s17+s3], $0x400, $0x38;
	[tilespmem:$0x4800] =	vst v63  }
0x129: {  	s4 =	sadd.s32 s4, s9;
	s9 =	sand.u32 $0x7FFFFC00, s23;
	s15 =	spop (v2sf)  }
0x12a: {  	(v2sf) =	vpush v62, $0xF;
	[tilespmem:s13], [sflag:$0x8] =	stream.linear.gather [hbm4b:s0+s3], $0x400, $0x38;
	[tilespmem:$0x4800] =	vst v63  }
0x12b: {  	s23 =	rddreg [dreg:$0x10];
	s1 =	sshrl.u32 s4, $0x3;
	s19 =	spop (v2sf)  }
0x12c: {  	(v2sf) =	vpush v3, $0xF;
	[tilespmem:s12], [sflag:$0x9] =	stream.linear.gather [hbm4b:s6+s3], $0x400, $0x38;
	[tilespmem:$0x4800] =	vst v63  }
0x12d: {  	s1 =	sadd.s32 s29, s1;
	s4 =	sadd.s32 s15, s9;
	s0 =	sadd.s32 s29, s20;
	(v2sf) =	vpush v2, $0xF  }
0x12e: {  	[tilespmem:s31], [sflag:$0xA] =	stream.linear.gather [hbm4b:s0+s3], $0x400, $0x38;
	[tilespmem:$0x4800] =	vst v63  }
0x12f: {  	s4 =	sadd.s32 s11, s4;
	s13 =	rddreg [dreg:$0x16];
	s22 =	spop (v2sf)  }
0x130: {  	[tilespmem:s8], [sflag:$0xB] =	stream.linear.gather [hbm4b:s1+s3], $0x400, $0x38;
	[tilespmem:$0x4800] =	vst v63  }
0x131: {  	s9 =	sand.u32 $0x7FFFFC00, s19;
	s4 =	sshrl.u32 s4, $0x3;
	s31 =	spop (v2sf)  }
0x132: {  	[tilespmem:s23], [sflag:$0xC] =	stream.linear.gather [hbm4b:s10+s3], $0x400, $0x38;
	[tilespmem:$0x4800] =	vst v63  }
0x133: {  	s9 =	sadd.s32 s21, s9;
	s12 =	sadd.s32 s29, s4;
	s11 =	sand.u32 $0x7FFFFC00, s31  }
0x134: {  	s6 =	sadd.s32 s22, s9;
	s14 =	spop (v2sf);
	s1 =	sadd.s32 s13, s11  }
0x135: {  	[tilespmem:s5], [sflag:$0xD] =	stream.linear.gather [hbm4b:s12+s3], $0x400, $0x38;
	[tilespmem:$0x4800] =	vst v63  }
0x136: {  	s6 =	sshrl.u32 s6, $0x3;
	s1 =	sadd.s32 s14, s1  }
0x137: {  	s20 =	rddreg [dreg:$0x17];
	s15 =	sadd.s32 s29, s6;
	s1 =	sshrl.u32 s1, $0x3  }
0x138: {  	[tilespmem:s20], [sflag:$0xE] =	stream.linear.gather [hbm4b:s15+s3], $0x400, $0x38;
	[tilespmem:$0x4800] =	vst v63  }
0x139: {  	s18 =	rddreg [dreg:$0x13];
	s16 =	spop (v2sf);
	s21 =	sadd.s32 s29, s1  }
0x13a: {  	[tilespmem:s18], [sflag:$0xF] =	stream.linear.gather [hbm4b:s21+s3], $0x400, $0x38;
	[tilespmem:$0x4800] =	vst v63  }
0x13b: {  	s4 =	sand.u32 $0x7FFFFC00, s16;
	s17 =	spop (v2sf)  }
0x13c: {  	s4 =	sadd.s32 s17, s4;
	s19 =	spop (v2sf)  }
0x13d: {  	s22 =	sadd.s32 s19, s4  }
0x13e: {  	s31 =	sshrl.u32 s22, $0x3  }
0x13f: {  	s23 =	rddreg [dreg:$0x14];
	s6 =	simm.s32 $0x1;
	s0 =	sadd.s32 s29, s31  }
0x140: {  	[tilespmem:s23], [sflag:$0x10] =	stream.linear.gather [hbm4b:s0+s3], $0x400, $0x38;
	[tilespmem:$0x4800] =	vst v63  }
0x141: {  	_ =	swait.ge [sflag:s6], $0x400  }
0x142: {  	[sflag:s6] =	ssyncset.done $0x0  }
0x143: {  	s24 =	simm.s32 $0x2;
	[sflag:s6] =	ssyncadd.s32 $0xFFFFFC00  }
0x144: {  	_ =	swait.ge [sflag:s24], $0x400  }
0x145: {  	[sflag:s24] =	ssyncset.done $0x0  }
0x146: {  	s25 =	simm.s32 $0x3;
	[sflag:s24] =	ssyncadd.s32 $0xFFFFFC00  }
0x147: {  	_ =	swait.ge [sflag:s25], $0x400  }
0x148: {  	[sflag:s25] =	ssyncset.done $0x0  }
0x149: {  	s26 =	simm.s32 $0x4;
	[sflag:s25] =	ssyncadd.s32 $0xFFFFFC00  }
0x14a: {  	p0 =	sne.s32 s2, $0x7C0;
	_ =	swait.ge [sflag:s26], $0x400  }
.Ltmp0:
0x14b: {  	[sflag:s26] =	ssyncset.done $0x0;
	(pc) =	sbr.rel @p0 .LBB2_2-.Ltmp0, $4  }
0x14c: {  	s30 =	simm.s32 $0x5;
	[sflag:s26] =	ssyncadd.s32 $0xFFFFFC00  }
0x14d: {  	_ =	swait.ge [sflag:s30], $0x400  }
0x14e: {  	s2 =	sadd.s32 $0x40, s2;
	v1 =	vand.u32 $0x7F, v5;
	v63 =	vand.u32 $0x380, v6;
	[sflag:s30] =	ssyncset.done $0x0  }
0x14f: {  	v1 =	vor.u32 v63, v1;
	s28 =	simm.s32 $0x600;
	s1 =	simm.s32 $0x0;
	[sflag:s30] =	ssyncadd.s32 $0xFFFFFC00  }
0x150: {  	s0 =	simm.s32 $0x6  }
0x151: {  	_ =	swait.ge [sflag:s0], $0x400  }
0x152: {  	[sflag:s0] =	ssyncset.done $0x0  }
0x153: {  	s11 =	simm.s32 $0x7;
	[sflag:s0] =	ssyncadd.s32 $0xFFFFFC00  }
0x154: {  	_ =	swait.ge [sflag:s11], $0x400  }
0x155: {  	[sflag:s11] =	ssyncset.done $0x0  }
0x156: {  	s12 =	simm.s32 $0x8;
	[sflag:s11] =	ssyncadd.s32 $0xFFFFFC00  }
0x157: {  	_ =	swait.ge [sflag:s12], $0x400  }
0x158: {  	[sflag:s12] =	ssyncset.done $0x0  }
0x159: {  	s13 =	simm.s32 $0x9;
	[sflag:s12] =	ssyncadd.s32 $0xFFFFFC00  }
0x15a: {  	_ =	swait.ge [sflag:s13], $0x400  }
0x15b: {  	[sflag:s13] =	ssyncset.done $0x0  }
0x15c: {  	s14 =	simm.s32 $0xA;
	[sflag:s13] =	ssyncadd.s32 $0xFFFFFC00  }
0x15d: {  	_ =	swait.ge [sflag:s14], $0x400  }
0x15e: {  	[sflag:s14] =	ssyncset.done $0x0  }
0x15f: {  	s15 =	simm.s32 $0xB;
	[sflag:s14] =	ssyncadd.s32 $0xFFFFFC00  }
0x160: {  	_ =	swait.ge [sflag:s15], $0x400  }
0x161: {  	[sflag:s15] =	ssyncset.done $0x0  }
0x162: {  	s16 =	simm.s32 $0xC;
	[sflag:s15] =	ssyncadd.s32 $0xFFFFFC00  }
0x163: {  	_ =	swait.ge [sflag:s16], $0x400  }
0x164: {  	[sflag:s16] =	ssyncset.done $0x0  }
0x165: {  	s17 =	simm.s32 $0xD;
	[sflag:s16] =	ssyncadd.s32 $0xFFFFFC00  }
0x166: {  	_ =	swait.ge [sflag:s17], $0x400  }
0x167: {  	[sflag:s17] =	ssyncset.done $0x0  }
0x168: {  	s18 =	simm.s32 $0xE;
	[sflag:s17] =	ssyncadd.s32 $0xFFFFFC00  }
0x169: {  	_ =	swait.ge [sflag:s18], $0x400  }
0x16a: {  	[sflag:s18] =	ssyncset.done $0x0  }
0x16b: {  	s19 =	simm.s32 $0xF;
	[sflag:s18] =	ssyncadd.s32 $0xFFFFFC00  }
0x16c: {  	_ =	swait.ge [sflag:s19], $0x400  }
0x16d: {  	v1 =	vor.u32 v0, v1;
	[sflag:s19] =	ssyncset.done $0x0  }
0x16e: {  	s20 =	simm.s32 $0x10;
	[sflag:s19] =	ssyncadd.s32 $0xFFFFFC00  }
0x16f: {  	_ =	swait.ge [sflag:s20], $0x400  }
0x170: {  	[sflag:s20] =	ssyncset.done $0x0  }
0x171: {  	[sflag:s20] =	ssyncadd.s32 $0xFFFFFC00  }
0x172: {  	v1 =	vld.idx.msk [tilespmem:v1+s28+$0x0], $0xffff;
	_ =	sdelay $0x3  }
0x173: {  	s21 =	rddreg [dreg:$0x15]  }
0x174: {  	s2 =	simm.s32 $0x4600;
	s22 =	rddreg [dreg:$0x1c];
	[tilespmem:s21+$0x4600] =	vst v1  }
0x175: {  	[hbm4b:s22+s1] =	stream.linear.scatter [tilespmem:s2], [sflag:$0x11], $0x200, $0x38;
	[tilespmem:$0x4800] =	vst v63  }
0x176: {  	s1 =	simm.s32 $0x11  }
0x177: {  	_ =	swait.ge [sflag:s1], $0x200  }
0x178: {  	s23 =	rddreg [dreg:$0x1e]  }
0x179: {  	s31 =	rddreg [dreg:$0x1d];
	s2 =	sadd.s32 $0x1, s23  }
0x17a: {  	p0 =	sne.s32 s2, s31  }
.Ltmp1:
0x17b: {  	_ = 	snop;
	(pc) =	sbr.rel @p0 .LBB2_1-.Ltmp1, $3  }
0x17c: {  	_ =	sdelay $0x1  }
0x17d: {  	[sflag:s1] =	ssyncset.done $0x0  }
0x17e: {  	[sflag:s1] =	ssyncadd.s32 $0xFFFFFE00  }
0x17f: {  	_ =	sfence.sel $0x180000  }
0x180: {  	[bflag:$0x0] =	sbarrier.arrive $0xFFFF  }
0x181: {  	_ =	strace $0x90000047  }
0x182: {  	s0 =	stileid.u32;
	[bflag:$0x2] =	sbarrier.arrive $0xFFFF  }
0x183: {  	p0 =	sne.s32 s0, $0x0;
	s0 =	rddreg [dreg:$0x5]  }
0x184: {  	s0 =	sadd.s32 @!p0 $0x100000, s0  }
0x185: {  	[sflag:s0] =	ssyncadd.tile.s32 @!p0 $0x1;
	_ =	shalt  }
.Lfunc_end2:
_tile_overlayer_lowered:
.L_overlay_start_2:
0x186: {  	(tag) =	ssettag $0x2  }
0x187: {  	s0 =	rddreg [dreg:$0x0];
	s2 =	stileid.u32  }
0x188: {  	s1 =	rddreg [dreg:$0x1];
	p0 =	sne.s32 s2, $0x0  }
0x189: {  	s3 =	rddreg [dreg:$0x2];
	[bflag:$0x3] =	sbarrier.arrive $0xFFFF;
	s2 =	simm.s32 @!p0 $0x1C11  }
0x18a: {  	[timem:s3], [sflag:s2] =	dma.local @!p0 [hbm:s0], s1  }
0x18b: {  	s0 =	simm.s32 @!p0 $0x11  }
0x18c: {  	_ =	swait.ge @!p0 [sflag:s0], s1  }
0x18d: {  	s1 =	ssub.s32 @!p0 $0x0, s1;
	[sflag:s0] =	ssyncset.done @!p0 $0x0  }
0x18e: {  	[sflag:s0] =	ssyncadd.s32 @!p0 s1  }
0x18f: {  	[bflag:$0x3] =	sbarrier.arrive $0xFFFF  }
0x190: {  	_ =	shalt  }

// kernel: kernel.8.cloned.1.call-start
scs
__scs_entry_jumppad:
0x0: {  	(pc) =	sbr.rel $0x88, $3  }
0x1: {  	(tag) =	ssettag $0x0;
	lr =	simm.s32 $0x1  }
0x2: {  	[smem:$0x3F9D] =	sst lr;
	_ =	strace $0xD0000000  }
0x3: {  	_ = 	snop  }
0x4: {  	_ = 	snop  }
0x5: {  	_ = 	snop  }
0x6: {  	_ = 	snop  }
0x7: {  	_ = 	snop  }
__scs_overlays_trampoline_lowered:
0x8: {  	[smem:$0x3FAC] =	sst s0  }
0x9: {  	[smem:$0x3FAD] =	sst s1  }
0xa: {  	[smem:$0x3FAE] =	sst s2  }
0xb: {  	[smem:$0x3FAF] =	sst s3  }
0xc: {  	[smem:$0x3FB0] =	sst s4  }
0xd: {  	[smem:$0x3FB1] =	sst s5  }
0xe: {  	[smem:$0x3FB2] =	sst s6  }
0xf: {  	[smem:$0x3FB3] =	sst s7  }
0x10: {  	[smem:$0x3FB4] =	sst s8  }
0x11: {  	[smem:$0x3FB5] =	sst s9;
	s0 =	simm.s32 @!p0 $0x0  }
0x12: {  	s1 =	sld [smem:$0x3F9B];
	s0 =	simm.s32 @p0 $0x1  }
0x13: {  	[smem:$0x3FB6] =	sst s0;
	s0 =	simm.s32 @!p1 $0x0  }
0x14: {  	s2 =	sld [smem:$0x3F9A];
	s0 =	simm.s32 @p1 $0x1  }
0x15: {  	[smem:$0x3FB7] =	sst s0;
	s0 =	simm.s32 @!p2 $0x0  }
0x16: {  	s3 =	sld [smem:$0x3FDB];
	s0 =	simm.s32 @p2 $0x1  }
0x17: {  	s4 =	simm.s32 $0x1BF5;
	[smem:$0x3FB9] =	sst s0  }
0x18: {  	s0 =	sld [smem:$0x3F9C];
	_ =	swait.ge [sflag:s4], $0x0  }
0x19: {  	s7 =	sld [smem:$0x3F9D]  }
0x1a: {  	s8 =	sadd.s32 $0xFFFFE003, lr  }
0x1b: {  	s9 =	sadd.s32 $0xFFFFFEF7, lr;
	s5 =	simm.s32 $0xFFFFFFFF;
	p2 =	slt.u32 s8, $0xFFFFF086  }
0x1c: {  	p1 =	slt.u32 s9, $0xF7A;
	s5 =	simm.s32 @!p2 $0x0  }
0x1d: {  	s5 =	simm.s32 @p1 $0x1;
	p0 =	seq.s32 s7, s2  }
0x1e: {  	s7 =	smul.u32 @!p0 $0xF7A, s2;
	p2 =	seq.s32 @!p0 s5, $0x0  }
0x1f: {  	s9 =	smul.u32 $0xF7A, s1;
	s8 =	simm.s32 @!p0 $0x1BF5;
	p2 =	por !p2, p0  }
0x20: {  	[sflag:s8] =	ssyncset.s32 @!p0 $0xFFFFF086;
	s6 =	sadd.s32 @!p0 s3, s7;
	s7 =	simm.s32 @!p0 $0x108  }
0x21: {  	s3 =	sadd.s32 s3, s9;
	s6 =	sadd.s32 @!p0 $0x88, s6;
	s7 =	simm.s32 @p2 $0x1082  }
0x22: {  	[simem:s7], [sflag:s8] =	dma.local @!p0 [hbm:s6], $0xF7A  }
0x23: {  	s9 =	sor.u32 $0xD0000000, s2;
	s6 =	simm.s32 $0x108;
	_ =	swait.ge @!p0 [sflag:s8], $0x0  }
0x24: {  	s3 =	sadd.s32 $0x88, s3;
	s6 =	simm.s32 @!p1 $0x1082;
	[sflag:s4] =	ssyncset.s32 $0xFFFFF086  }
0x25: {  	[simem:s6], [sflag:s4] =	dma.local [hbm:s3], $0xF7A  }
0x26: {  	[smem:$0x3F9D] =	sst s1;
	(tag) =	ssettag s2;
	_ =	strace s9  }
0x27: {  	s1 =	sld [smem:$0x3FAD]  }
0x28: {  	s2 =	sld [smem:$0x3FAE]  }
0x29: {  	s4 =	sld [smem:$0x3FB0]  }
0x2a: {  	p0 =	seq.s32 s5, $0x0;
	s5 =	sld [smem:$0x3FB1]  }
0x2b: {  	s6 =	sld [smem:$0x3FB2]  }
0x2c: {  	s7 =	sld [smem:$0x3FB3]  }
0x2d: {  	s3 =	simm.s32 $0x108;
	s8 =	sld [smem:$0x3FB4]  }
0x2e: {  	s3 =	simm.s32 @!p0 $0x1082;
	s9 =	sld [smem:$0x3FB5]  }
0x2f: {  	lr =	sadd.s32 s0, s3;
	s0 =	sld [smem:$0x3FAC]  }
0x30: {  	s3 =	sld [smem:$0x3FAF]  }
0x31: {  	[smem:$0x3FB8] =	sst s10  }
0x32: {  	s10 =	sld [smem:$0x3FB6];
	_ =	sdelay $0x3  }
0x33: {  	p0 =	seq.s32 s10, $0x1;
	s10 =	sld [smem:$0x3FB8];
	_ =	sdelay $0x3  }
0x34: {  	[smem:$0x3FB8] =	sst s10  }
0x35: {  	s10 =	sld [smem:$0x3FB7];
	_ =	sdelay $0x3  }
0x36: {  	p1 =	seq.s32 s10, $0x1;
	s10 =	sld [smem:$0x3FB8];
	_ =	sdelay $0x3  }
0x37: {  	[smem:$0x3FB8] =	sst s10  }
0x38: {  	s10 =	sld [smem:$0x3FB9]  }
0x39: {  	_ = 	snop;
	(pc) =	sbr.ind lr, $3  }
0x3a: {  	_ = 	snop  }
0x3b: {  	_ = 	snop  }
0x3c: {  	p2 =	seq.s32 s10, $0x1;
	s10 =	sld [smem:$0x3FB8]  }
0x3d: {  	_ =	shalt  }
0x3e: {  	_ =	shalt  }
0x3f: {  	_ =	shalt  }
0x40: {  	_ =	shalt  }
0x41: {  	_ =	shalt  }
0x42: {  	_ =	shalt  }
0x43: {  	_ =	shalt  }
0x44: {  	_ =	shalt  }
0x45: {  	_ =	shalt  }
0x46: {  	_ =	shalt  }
0x47: {  	_ =	shalt  }
0x48: {  	_ =	shalt  }
0x49: {  	_ =	shalt  }
0x4a: {  	_ =	shalt  }
0x4b: {  	_ =	shalt  }
0x4c: {  	_ =	shalt  }
0x4d: {  	_ =	shalt  }
0x4e: {  	_ =	shalt  }
0x4f: {  	_ =	shalt  }
0x50: {  	_ =	shalt  }
0x51: {  	_ =	shalt  }
0x52: {  	_ =	shalt  }
0x53: {  	_ =	shalt  }
0x54: {  	_ =	shalt  }
0x55: {  	_ =	shalt  }
0x56: {  	_ =	shalt  }
0x57: {  	_ =	shalt  }
0x58: {  	_ =	shalt  }
0x59: {  	_ =	shalt  }
0x5a: {  	_ =	shalt  }
0x5b: {  	_ =	shalt  }
0x5c: {  	_ =	shalt  }
0x5d: {  	_ =	shalt  }
0x5e: {  	_ =	shalt  }
0x5f: {  	_ =	shalt  }
0x60: {  	_ =	shalt  }
0x61: {  	_ =	shalt  }
0x62: {  	_ =	shalt  }
0x63: {  	_ =	shalt  }
0x64: {  	_ =	shalt  }
0x65: {  	_ =	shalt  }
0x66: {  	_ =	shalt  }
0x67: {  	_ =	shalt  }
0x68: {  	_ =	shalt  }
0x69: {  	_ =	shalt  }
0x6a: {  	_ =	shalt  }
0x6b: {  	_ =	shalt  }
0x6c: {  	_ =	shalt  }
0x6d: {  	_ =	shalt  }
0x6e: {  	_ =	shalt  }
0x6f: {  	_ =	shalt  }
0x70: {  	_ =	shalt  }
0x71: {  	_ =	shalt  }
0x72: {  	_ =	shalt  }
0x73: {  	_ =	shalt  }
0x74: {  	_ =	shalt  }
0x75: {  	_ =	shalt  }
0x76: {  	_ =	shalt  }
0x77: {  	_ =	shalt  }
0x78: {  	_ =	shalt  }
0x79: {  	_ =	shalt  }
0x7a: {  	_ =	shalt  }
0x7b: {  	_ =	shalt  }
0x7c: {  	_ =	shalt  }
0x7d: {  	_ =	shalt  }
0x7e: {  	_ =	shalt  }
0x7f: {  	_ =	shalt  }
0x80: {  	_ =	shalt  }
0x81: {  	_ =	shalt  }
0x82: {  	_ =	shalt  }
0x83: {  	_ =	shalt  }
0x84: {  	_ =	shalt  }
0x85: {  	_ =	shalt  }
0x86: {  	_ =	shalt  }
0x87: {  	_ =	shalt  }
.Lfunc_end0:
.L_simem_size_0:
called_computation.1_lowered:
.L_overlay_start_0:
0x88: {  	s2 =	sld [smem:$0x3FD9]  }
0x89: {  	s3 =	sld [smem:$0x3FFE];
	_ =	sdelay $0x1  }
0x8a: {  	s1 =	srdreg.scid  }
0x8b: {  	s0 =	sand.u32 $0x1, s1  }
0x8c: {  	s17 =	sshll.u32 s0, $0xA;
	s2 =	sadd.s32 s3, s2  }
0x8d: {  	s2 =	sadd.s32 s2, s17  }
0x8e: {  	[smem:$0x3FC4] =	sst s2  }
0x8f: {  	_ = 	snop  }
0x90: {  	s2 =	sld [smem:$0x3FC9]  }
0x91: {  	s18 =	sld [smem:$0x3FC8]  }
0x92: {  	s4 =	sld [smem:$0x3FD0];
	(tm) =	ssettm $0x1  }
0x93: {  	s5 =	sld [smem:$0x3FFB];
	_ =	sdelay $0x3  }
0x94: {  	_ =	strace s5  }
0x95: {  	s5 =	sld [smem:$0x3FFC];
	_ =	sdelay $0x3  }
0x96: {  	_ =	strace s5  }
0x97: {  	s5 =	sld [smem:$0x3FFD];
	_ =	sdelay $0x3  }
0x98: {  	_ =	strace s5  }
0x99: {  	_ =	strace $0x8FFFFFFF  }
0x9a: {  	s19 =	sld [smem:$0x3FDB];
	_ =	sdelay $0x1  }
0x9b: {  	s6 =	simm.s32 $_scs_section_size  }
0x9c: {  	s7 =	simm.s32 $_size__tile_overlayer_lowered;
	s8 =	simm.s32 $_tile_overlayer_lowered  }
0x9d: {  	s22 =	simm.s32 $0x1BFF;
	s21 =	sshll.u32 s8, $0x1;
	s5 =	sadd.s32 s6, s19  }
0x9e: {  	s9 =	simm.s32 $0x0;
	s20 =	sshll.u32 s7, $0x1;
	s7 =	sadd.s32 s21, s5  }
0x9f: {  	[timem:s9], [sflag:s22] =	dma.local [hbm:s7], s20  }
0xa0: {  	_ =	swait.ge [sflag:s22], s20  }
0xa1: {  	s6 =	ssub.s32 $0x0, s20;
	[sflag:s22] =	ssyncset.done $0x0  }
0xa2: {  	[sflag:s22] =	ssyncadd.s32 s6;
	_ =	sdelay $0x1  }
0xa3: {  	s23 =	simm.s32 $0x1B8B  }
0xa4: {  	_ =	swait.ge [sflag:s23], $0x1  }
0xa5: {  	[sflag:s23] =	ssyncset.done $0x0  }
0xa6: {  	s25 =	simm.s32 $0x1B8E;
	s24 =	sld [smem:$0x3FFE];
	[sflag:s23] =	ssyncadd.s32 $0xFFFFFFFF  }
0xa7: {  	s26 =	simm.s32 $execute0_lowered;
	[smem:$0x3FD2] =	sst s25  }
0xa8: {  	s7 =	sshll.u32 s26, $0x1;
	_ =	strace $0x80000049;
	[dreg:$0x1] =	wrdreg $0xFFFFFFFF  }
0xa9: {  	s28 =	simm.s32 $_size_execute0_lowered;
	s5 =	sadd.s32 s5, s7;
	[dreg:$0x0] =	wrdreg $0x0  }
0xaa: {  	s7 =	sshll.u32 s28, $0x1;
	[dreg:$0x2] =	wrdreg s5  }
0xab: {  	[dreg:$0x3] =	wrdreg s7  }
0xac: {  	[dreg:$0x4] =	wrdreg $0xC0  }
0xad: {  	_ =	task [dreg:s9], $0x5FFFF  }
0xae: {  	[dreg:$0x1] =	wrdreg $0xFFFFFFFF  }
0xaf: {  	[dreg:$0x0] =	wrdreg $0x60  }
0xb0: {  	[dreg:$0x2] =	wrdreg s2  }
0xb1: {  	[dreg:$0x3] =	wrdreg s18  }
0xb2: {  	[dreg:$0x4] =	wrdreg s24  }
0xb3: {  	[dreg:$0x5] =	wrdreg s4  }
0xb4: {  	[dreg:$0x6] =	wrdreg $0x9  }
0xb5: {  	_ =	task.clear_ibuf [dreg:s9], $0x7FFFF;
	_ =	strace $0x90000049  }
0xb6: {  	s29 =	simm.s32 $0x9;
	_ =	strace $0x8000004B  }
0xb7: {  	_ =	swait.ge [sflag:s29], $0x1  }
0xb8: {  	[sflag:s29] =	ssyncadd.s32 $0xFFFFFFFF  }
0xb9: {  	_ =	strace $0x9000004B  }
0xba: {  	_ =	sfence  }
0xbb: {  	s30 =	sld [smem:$0x0];
	_ =	sdelay $0x2  }
0xbc: {  	s31 =	sshll.u32 s1, $0xD;
	s1 =	sshrl.u32 s1, $0x2  }
0xbd: {  	s3 =	sand.u32 $0x4000, s31;
	s1 =	sadd.s32 s1, s30  }
0xbe: {  	s0 =	sor.u32 s3, s0;
	s1 =	sshll.u32 s1, $0x11  }
0xbf: {  	s0 =	sor.u32 s1, s0  }
0xc0: {  	s0 =	sadd.s32 $0x8F2B, s0  }
0xc1: {  	[sflag:s0] =	ssyncadd.remote.s32 $0x1  }
0xc2: {  	_ =	sfence.sel $0xFFFF  }
0xc3: {  	[dreg:$0x0] =	wrdreg $0xFFFFFFFF;
	(pc) =	sbr.abs _section_cstart, $3  }
0xc4: {  	[dreg:$0x1] =	wrdreg $0xFFFFFFFF  }
0xc5: {  	_ =	task.clear_ibuf [dreg:s9], $0x2FFFF;
	_ =	strace $0x9FFFFFFF  }
0xc6: {  	(tm) =	ssettm $0x7FFFFFFF  }
0xc7: {  	_ =	shalt  }
tec
execute0_lowered:
.L_overlay_start_1:
0x0: {  	(tag) =	ssettag $0x1  }
0x1: {  	s5 =	rddreg [dreg:$0x0]  }
0x2: {  	s6 =	rddreg [dreg:$0x1]  }
0x3: {  	s4 =	rddreg [dreg:$0x2]  }
0x4: {  	s8 =	rddreg [dreg:$0x3];
	s2 =	srdreg.scid  }
0x5: {  	s0 =	rddreg [dreg:$0x4];
	s1 =	stileid.u32  }
0x6: {  	s12 =	simm.s32 $0xA00;
	s13 =	simm.s32 $0x400;
	s14 =	simm.s32 $0x600  }
0x7: {  	s15 =	simm.s32 $0x800;
	s16 =	simm.s32 $0x1;
	s17 =	simm.s32 $0x2  }
0x8: {  	s18 =	simm.s32 $0xC00;
	s3 =	sand.u32 $0x1, s2;
	s2 =	simm.s32 $0x0  }
0x9: {  	s7 =	sshll.u32 s1, $0x7;
	s9 =	sshll.u32 s3, $0x6;
	[smem:$0x7FF] =	sst s2  }
0xa: {  	s10 =	ssub.s32 $0x2, s3;
	s3 =	sadd.s32 $0x1200, s4;
	s9 =	sor.u32 s9, s7  }
0xb: {  	_ =	strace $0x8000004A;
	s11 =	sshrl.u32 s10, $0x1;
	s7 =	sadd.s32 s9, s4  }
0xc: {  	s4 =	sadd.s32 $0x3F000, s4;
	s10 =	ssub.s32 s10, s11;
	s5 =	sadd.s32 s5, s9  }
0xd: {  	s6 =	sadd.s32 s6, s9;
	s8 =	sadd.s32 s8, s9;
	s11 =	simm.s32 $0x200  }
0xe: {  	v0 =	vimm.f32 $0.0e+00;
	s7 =	sadd.s32 $0xA00, s7;
	s9 =	smax.u32 s10, $0x1;
	s10 =	simm.s32 $0x3  }
.LBB2_1:
0xf: {  	[tilespmem:s2], [sflag:$0x3] =	stream.linear.gather [hbm4b:s5+s2], $0x200, $0x38;
	[tilespmem:$0xE00] =	vst v63  }
0x10: {  	_ =	swait.ge [sflag:s10], $0x200  }
0x11: {  	[sflag:s10] =	ssyncset.done $0x0  }
0x12: {  	[sflag:s10] =	ssyncadd.s32 $0xFFFFFE00  }
0x13: {  	[tilespmem:s11], [sflag:$0x3] =	stream.linear.gather [hbm4b:s6+s2], $0x200, $0x38;
	[tilespmem:$0xE00] =	vst v63  }
0x14: {  	_ =	swait.ge [sflag:s10], $0x200  }
0x15: {  	[sflag:s10] =	ssyncset.done $0x0  }
0x16: {  	[sflag:s10] =	ssyncadd.s32 $0xFFFFFE00  }
0x17: {  	[tilespmem:s12], [sflag:$0x3] =	stream.linear.gather [hbm4b:s7+s2], $0x200, $0x38;
	[tilespmem:$0xE00] =	vst v63  }
0x18: {  	_ =	swait.ge [sflag:s10], $0x200  }
0x19: {  	[sflag:s10] =	ssyncset.done $0x0  }
0x1a: {  	[sflag:s10] =	ssyncadd.s32 $0xFFFFFE00  }
0x1b: {  	v1 =	vld [tilespmem:$0x0]  }
0x1c: {  	v2 =	vld [tilespmem:$0x200]  }
0x1d: {  	v3 =	vld [tilespmem:$0x10]  }
0x1e: {  	v4 =	vld [tilespmem:$0x210]  }
0x1f: {  	v5 =	vld [tilespmem:$0x20]  }
0x20: {  	v6 =	vld [tilespmem:$0x220]  }
0x21: {  	v7 =	vld [tilespmem:$0x30]  }
0x22: {  	v8 =	vld [tilespmem:$0x230]  }
0x23: {  	v9 =	vld [tilespmem:$0x40]  }
0x24: {  	v10 =	vld [tilespmem:$0x240]  }
0x25: {  	v11 =	vld [tilespmem:$0x50]  }
0x26: {  	v12 =	vld [tilespmem:$0x250]  }
0x27: {  	v13 =	vld [tilespmem:$0x60]  }
0x28: {  	v14 =	vld [tilespmem:$0x260]  }
0x29: {  	v15 =	vld [tilespmem:$0x70]  }
0x2a: {  	v16 =	vld [tilespmem:$0x270]  }
0x2b: {  	v17 =	vld [tilespmem:$0x80]  }
0x2c: {  	v18 =	vld [tilespmem:$0x280]  }
0x2d: {  	v19 =	vld [tilespmem:$0x90]  }
0x2e: {  	v20 =	vld [tilespmem:$0x290]  }
0x2f: {  	v21 =	vld [tilespmem:$0xA0]  }
0x30: {  	v22 =	vld [tilespmem:$0x2A0]  }
0x31: {  	v23 =	vld [tilespmem:$0xB0]  }
0x32: {  	v24 =	vld [tilespmem:$0x2B0]  }
0x33: {  	v25 =	vld [tilespmem:$0xC0]  }
0x34: {  	v26 =	vld [tilespmem:$0x2C0]  }
0x35: {  	v27 =	vld [tilespmem:$0xD0]  }
0x36: {  	v28 =	vld [tilespmem:$0x2D0]  }
0x37: {  	v29 =	vld [tilespmem:$0xE0]  }
0x38: {  	v30 =	vld [tilespmem:$0x2E0]  }
0x39: {  	v31 =	vld [tilespmem:$0xF0]  }
0x3a: {  	v32 =	vld [tilespmem:$0x2F0]  }
0x3b: {  	v33 =	vld [tilespmem:$0x100]  }
0x3c: {  	v34 =	vld [tilespmem:$0x300]  }
0x3d: {  	v35 =	vld [tilespmem:$0x110]  }
0x3e: {  	v36 =	vld [tilespmem:$0x310];
	v1 =	vmul.u32 $0x1700, v1  }
0x3f: {  	v37 =	vld [tilespmem:$0x120];
	v3 =	vmul.u32 $0x1700, v3  }
0x40: {  	v54 =	vld [tilespmem:$0x320];
	v1 =	vadd.s32 v2, v1;
	v2 =	vmul.u32 $0x1700, v5  }
0x41: {  	v55 =	vld [tilespmem:$0x130];
	[tilespmem:$0x400] =	vst v1;
	v1 =	vadd.s32 v4, v3;
	v3 =	vmul.u32 $0x1700, v7  }
0x42: {  	v56 =	vld [tilespmem:$0x330];
	[tilespmem:$0x410] =	vst v1;
	v1 =	vadd.s32 v6, v2;
	v2 =	vmul.u32 $0x1700, v9  }
0x43: {  	v57 =	vld [tilespmem:$0x140];
	[tilespmem:$0x420] =	vst v1;
	v1 =	vadd.s32 v8, v3;
	v3 =	vmul.u32 $0x1700, v11  }
0x44: {  	v58 =	vld [tilespmem:$0x340];
	[tilespmem:$0x430] =	vst v1;
	v1 =	vadd.s32 v10, v2;
	v2 =	vmul.u32 $0x1700, v13  }
0x45: {  	v59 =	vld [tilespmem:$0x150];
	[tilespmem:$0x440] =	vst v1;
	v1 =	vadd.s32 v12, v3;
	v3 =	vmul.u32 $0x1700, v15  }
0x46: {  	v60 =	vld [tilespmem:$0x350];
	[tilespmem:$0x450] =	vst v1;
	v1 =	vadd.s32 v14, v2;
	v2 =	vmul.u32 $0x1700, v17  }
0x47: {  	v61 =	vld [tilespmem:$0x160];
	[tilespmem:$0x460] =	vst v1;
	v1 =	vadd.s32 v16, v3;
	v3 =	vmul.u32 $0x1700, v19  }
0x48: {  	v62 =	vld [tilespmem:$0x360];
	[tilespmem:$0x470] =	vst v1;
	v1 =	vadd.s32 v18, v2;
	v2 =	vmul.u32 $0x1700, v21  }
0x49: {  	v63 =	vld [tilespmem:$0x170];
	[tilespmem:$0x480] =	vst v1;
	v1 =	vadd.s32 v20, v3;
	v3 =	vmul.u32 $0x1700, v23  }
0x4a: {  	v38 =	vld [tilespmem:$0x1B0];
	[tilespmem:$0x490] =	vst v1;
	v1 =	vadd.s32 v22, v2;
	v2 =	vmul.u32 $0x1700, v25  }
0x4b: {  	v39 =	vld [tilespmem:$0x3B0];
	[tilespmem:$0x4A0] =	vst v1;
	v1 =	vadd.s32 v24, v3;
	v3 =	vmul.u32 $0x1700, v27  }
0x4c: {  	v40 =	vld [tilespmem:$0x1C0];
	[tilespmem:$0x4B0] =	vst v1;
	v1 =	vadd.s32 v26, v2;
	v2 =	vmul.u32 $0x1700, v29  }
0x4d: {  	v41 =	vld [tilespmem:$0x3C0];
	[tilespmem:$0x4C0] =	vst v1;
	v1 =	vadd.s32 v28, v3;
	v3 =	vmul.u32 $0x1700, v31  }
0x4e: {  	v42 =	vld [tilespmem:$0x1D0];
	[tilespmem:$0x4D0] =	vst v1;
	v1 =	vadd.s32 v30, v2;
	v2 =	vmul.u32 $0x1700, v33  }
0x4f: {  	v25 =	vld [tilespmem:$0x370];
	[tilespmem:$0x4E0] =	vst v1;
	v1 =	vadd.s32 v32, v3;
	v3 =	vmul.u32 $0x1700, v35  }
0x50: {  	v27 =	vld [tilespmem:$0x180];
	[tilespmem:$0x4F0] =	vst v1;
	v1 =	vadd.s32 v34, v2;
	v2 =	vmul.u32 $0x1700, v37  }
0x51: {  	v29 =	vld [tilespmem:$0x380];
	[tilespmem:$0x500] =	vst v1;
	v1 =	vadd.s32 v36, v3;
	v3 =	vmul.u32 $0x1700, v55  }
0x52: {  	v31 =	vld [tilespmem:$0x190];
	[tilespmem:$0x510] =	vst v1;
	v1 =	vadd.s32 v54, v2;
	v2 =	vmul.u32 $0x1700, v57  }
0x53: {  	v35 =	vld [tilespmem:$0x1A0];
	[tilespmem:$0x520] =	vst v1;
	v1 =	vadd.s32 v56, v3;
	v3 =	vmul.u32 $0x1700, v59  }
0x54: {  	v33 =	vld [tilespmem:$0x390];
	[tilespmem:$0x530] =	vst v1;
	v1 =	vadd.s32 v58, v2;
	v2 =	vmul.u32 $0x1700, v61  }
0x55: {  	v37 =	vld [tilespmem:$0x3A0];
	[tilespmem:$0x540] =	vst v1;
	v1 =	vadd.s32 v60, v3;
	v3 =	vmul.u32 $0x1700, v63  }
0x56: {  	v43 =	vld [tilespmem:$0x3D0];
	[tilespmem:$0x550] =	vst v1;
	v1 =	vadd.s32 v62, v2;
	v2 =	vmul.u32 $0x1700, v27  }
0x57: {  	v44 =	vld [tilespmem:$0x1E0];
	[tilespmem:$0x560] =	vst v1;
	v1 =	vadd.s32 v25, v3;
	v3 =	vmul.u32 $0x1700, v31  }
0x58: {  	v45 =	vld [tilespmem:$0x1F0];
	[tilespmem:$0x570] =	vst v1;
	v1 =	vadd.s32 v29, v2;
	v2 =	vmul.u32 $0x1700, v35  }
0x59: {  	v46 =	vld [tilespmem:$0x3E0];
	[tilespmem:$0x580] =	vst v1;
	v1 =	vadd.s32 v33, v3;
	v3 =	vmul.u32 $0x1700, v38  }
0x5a: {  	v47 =	vld [tilespmem:$0x3F0];
	[tilespmem:$0x590] =	vst v1;
	v1 =	vadd.s32 v37, v2;
	v2 =	vmul.u32 $0x1700, v40  }
0x5b: {  	[tilespmem:$0x5A0] =	vst v1;
	v1 =	vadd.s32 v39, v3;
	v3 =	vmul.u32 $0x1700, v42  }
0x5c: {  	[tilespmem:$0x5B0] =	vst v1;
	v1 =	vadd.s32 v41, v2;
	v2 =	vmul.u32 $0x1700, v44  }
0x5d: {  	[tilespmem:$0x5C0] =	vst v1;
	v1 =	vadd.s32 v43, v3;
	v3 =	vmul.u32 $0x1700, v45  }
0x5e: {  	[tilespmem:$0x5D0] =	vst v1;
	v1 =	vadd.s32 v46, v2  }
0x5f: {  	[tilespmem:$0x5E0] =	vst v1;
	v1 =	vadd.s32 v47, v3  }
0x60: {  	[tilespmem:$0x5F0] =	vst v1  }
0x61: {  	[tilespmem:s14], [sflag:$0x1] =	stream.indirect.gather [hbm4b:s3+s11], $0x1, s13, s11, $0xb8;
	[tilespmem:$0xE00] =	vst v63  }
0x62: {  	_ = 	snop  }
0x63: {  	[tilespmem:s15], [sflag:$0x2] =	stream.indirect.gather [hbm4b:s4+s11], $0x1, s13, s11, $0xb8;
	[tilespmem:$0xE00] =	vst v63  }
0x64: {  	_ =	swait.ge [sflag:s16], $0x200  }
0x65: {  	[sflag:s16] =	ssyncset.done $0x0  }
0x66: {  	[sflag:s16] =	ssyncadd.s32 $0xFFFFFE00  }
0x67: {  	_ =	swait.ge [sflag:s17], $0x200  }
0x68: {  	[sflag:s17] =	ssyncset.done $0x0  }
0x69: {  	[sflag:s17] =	ssyncadd.s32 $0xFFFFFE00  }
0x6a: {  	v1 =	vld [tilespmem:$0x600]  }
0x6b: {  	v2 =	vld [tilespmem:$0x800]  }
0x6c: {  	v3 =	vld [tilespmem:$0xA00]  }
0x6d: {  	v48 =	vld [tilespmem:$0x610]  }
0x6e: {  	v49 =	vld [tilespmem:$0x810]  }
0x6f: {  	v50 =	vld [tilespmem:$0xA10]  }
0x70: {  	v51 =	vld [tilespmem:$0x620]  }
0x71: {  	v52 =	vld [tilespmem:$0x820]  }
0x72: {  	v53 =	vld [tilespmem:$0xA20]  }
0x73: {  	v54 =	vld [tilespmem:$0x630]  }
0x74: {  	v55 =	vld [tilespmem:$0x830]  }
0x75: {  	v56 =	vld [tilespmem:$0xA30]  }
0x76: {  	v58 =	vld [tilespmem:$0x640]  }
0x77: {  	v59 =	vld [tilespmem:$0x840]  }
0x78: {  	v60 =	vld [tilespmem:$0xA40]  }
0x79: {  	v17 =	vld [tilespmem:$0x650]  }
0x7a: {  	v62 =	vld [tilespmem:$0x850]  }
0x7b: {  	v63 =	vld [tilespmem:$0xA50]  }
0x7c: {  	v21 =	vld [tilespmem:$0xA60]  }
0x7d: {  	v24 =	vld [tilespmem:$0xA70]  }
0x7e: {  	v11 =	vld [tilespmem:$0x690]  }
0x7f: {  	v9 =	vld [tilespmem:$0xA90]  }
0x80: {  	v16 =	vld [tilespmem:$0xAA0];
	vm0 =	vgt.f32 v3, $0.0e+00  }
0x81: {  	v28 =	vld [tilespmem:$0x6A0];
	vm14 =	vgt.f32 v50, $0.0e+00;
	vm15 =	vgt.f32 v53, $0.0e+00;
	v1 =	vsub.f32 v1, v3  }
0x82: {  	v25 =	vld [tilespmem:$0x680];
	vm1 =	vgt.f32 v56, $0.0e+00;
	vm5 =	vgt.f32 v60, $0.0e+00;
	vm7 =	vgt.f32 v63, $0.0e+00  }
0x83: {  	v18 =	vld [tilespmem:$0xAD0];
	vm8 =	vgt.f32 v21, $0.0e+00;
	vm10 =	vgt.f32 v24, $0.0e+00;
	v57 =	vsel vm0, $0x3F800000, v0  }
0x84: {  	v29 =	vld [tilespmem:$0x6D0];
	vm12 =	vgt.f32 v9, $0.0e+00;
	v10 =	vsub.f32 v54, v56;
	v2 =	vsub.f32 v2, v57  }
0x85: {  	v47 =	vld [tilespmem:$0x8A0];
	vm13 =	vgt.f32 v16, $0.0e+00;
	v14 =	vsub.f32 v58, v60;
	v9 =	vsub.f32 v11, v9  }
0x86: {  	v27 =	vld [tilespmem:$0xA80];
	v16 =	vsub.f32 v28, v16;
	v61 =	vsel vm14, $0x3F800000, v0;
	(erf) = vrcp.f32 v2  }
0x87: {  	v37 =	vld [tilespmem:$0x860];
	v36 =	vsel vm15, $0x3F800000, v0;
	v45 =	vsel vm7, $0x3F800000, v0;
	v5 =	vsub.f32 v49, v61  }
0x88: {  	v38 =	vld [tilespmem:$0x870];
	v54 =	vsel vm12, $0x3F800000, v0;
	v58 =	vsel vm13, $0x3F800000, v0;
	vm12 =	vgt.f32 v18, $0.0e+00  }
0x89: {  	v20 =	vld [tilespmem:$0x660];
	v18 =	vsub.f32 v29, v18;
	v8 =	vsub.f32 v52, v36;
	(erf) = vrcp.f32 v5  }
0x8a: {  	v46 =	vsel vm8, $0x3F800000, v0;
	v13 =	vsub.f32 v62, v45;
	v52 =	vld [tilespmem:$0xAB0];
	v15 =	vsub.f32 v47, v58  }
0x8b: {  	v19 =	vld [tilespmem:$0x6B0];
	v49 =	vsel vm10, $0x3F800000, v0;
	v62 =	vsub.f32 v17, v63;
	v45 =	vsub.f32 v25, v27  }
0x8c: {  	vm4 =	vgt.f32 v2, $0.0e+00;
	v2 =	vsub.f32 v48, v50;
	v50 =	vld [tilespmem:$0x8B0];
	(erf) = vrcp.f32 v8  }
0x8d: {  	vm11 =	vgt.f32 v27, $0.0e+00;
	v27 =	vld [tilespmem:$0xAF0];
	v23 =	vsub.f32 v38, v49;
	v48 =	vsub.f32 v37, v46  }
0x8e: {  	v22 =	vld [tilespmem:$0x670];
	v38 =	vsub.f32 v20, v21;
	vm6 =	vgt.f32 v5, $0.0e+00;
	vm9 =	vgt.f32 v8, $0.0e+00  }
0x8f: {  	v43 =	vld [tilespmem:$0x890];
	vm8 =	vgt.f32 v23, $0.0e+00;
	vm7 =	vgt.f32 v48, $0.0e+00;
	vm15 =	vgt.f32 v52, $0.0e+00;
	v3 =	vpop (erf)  }
0x90: {  	v39 =	vld [tilespmem:$0x880];
	v63 =	vsel vm15, $0x3F800000, v0;
	v1 =	vmul.f32 v3, v1;
	v3 =	vsel vm1, $0x3F800000, v0  }
0x91: {  	v26 =	vld [tilespmem:$0x6C0];
	v17 =	vsub.f32 v50, v63;
	v41 =	vsub.f32 v55, v3;
	v3 =	vsel vm5, $0x3F800000, v0  }
0x92: {  	v30 =	vld [tilespmem:$0x6E0];
	v52 =	vsub.f32 v19, v52;
	vm15 =	vgt.f32 v27, $0.0e+00;
	v40 =	vpop (erf);
	v42 =	vsub.f32 v59, v3  }
0x93: {  	v56 =	vld [tilespmem:$0x8C0];
	vm13 =	vgt.f32 v17, $0.0e+00;
	v2 =	vmul.f32 v40, v2;
	(erf) = vrcp.f32 v41  }
0x94: {  	v55 =	vsub.f32 v43, v54;
	vm5 =	vgt.f32 v13, $0.0e+00;
	v59 =	vld [tilespmem:$0xAC0];
	(erf) = vrcp.f32 v42  }
0x95: {  	v28 =	vld [tilespmem:$0xB00];
	v44 =	vpop (erf);
	v1 =	vnsel vm4, $0x0, v1;
	v3 =	vsub.f32 v51, v53;
	(erf) = vrcp.f32 v13  }
0x96: {  	vm4 =	vgt.f32 v42, $0.0e+00;
	v42 =	vsub.f32 v22, v24;
	v22 =	vld [tilespmem:$0x700];
	(erf) = vrcp.f32 v48  }
0x97: {  	v51 =	vsel vm11, $0x3F800000, v0;
	vm11 =	vgt.f32 v15, $0.0e+00;
	(erf) = vrcp.f32 v23;
	v23 =	vld [tilespmem:$0xB10]  }
0x98: {  	v34 =	vld [tilespmem:$0x6F0];
	v53 =	vsub.f32 v39, v51;
	vm14 =	vgt.f32 v41, $0.0e+00;
	v7 =	vmul.f32 v44, v3  }
0x99: {  	v61 =	vld [tilespmem:$0x8D0];
	vm10 =	vgt.f32 v55, $0.0e+00;
	v3 =	vnsel vm6, $0x0, v2;
	vm6 =	vgt.f32 v59, $0.0e+00  }
0x9a: {  	v44 =	vld [tilespmem:$0x8F0];
	v2 =	vnsel vm9, $0x0, v7;
	(erf) = vrcp.f32 v53;
	v41 =	vsel vm6, $0x3F800000, v0  }
0x9b: {  	v21 =	vld [tilespmem:$0xAE0];
	vm9 =	vgt.f32 v53, $0.0e+00;
	(erf) = vrcp.f32 v55;
	v13 =	vsub.f32 v56, v41  }
0x9c: {  	v53 =	vld [tilespmem:$0x910];
	v55 =	vsel vm12, $0x3F800000, v0;
	v22 =	vsub.f32 v22, v28;
	v57 =	vpop (erf);
	vm6 =	vgt.f32 v23, $0.0e+00  }
0x9d: {  	v60 =	vpop (erf);
	v5 =	vmul.f32 v57, v10;
	(erf) = vrcp.f32 v15;
	v57 =	vsub.f32 v26, v59  }
0x9e: {  	v31 =	vld [tilespmem:$0xB20];
	v59 =	vsel vm15, $0x3F800000, v0;
	v6 =	vmul.f32 v60, v14;
	v14 =	vsub.f32 v61, v55  }
0x9f: {  	v39 =	vld [tilespmem:$0x8E0];
	v36 =	vpop (erf);
	v24 =	vsub.f32 v44, v59;
	v44 =	vsel vm6, $0x3F800000, v0;
	v55 =	vsub.f32 v34, v27  }
0xa0: {  	v32 =	vld [tilespmem:$0xB30];
	v5 =	vnsel vm14, $0x0, v5;
	v37 =	vmul.f32 v36, v62;
	v40 =	vpop (erf);
	(erf) = vrcp.f32 v17  }
0xa1: {  	v33 =	vld [tilespmem:$0xBB0];
	vm14 =	vgt.f32 v21, $0.0e+00;
	v15 =	vsub.f32 v53, v44;
	v21 =	vsub.f32 v30, v21  }
0xa2: {  	v49 =	vld [tilespmem:$0x900];
	v4 =	vnsel vm4, $0x0, v6;
	v10 =	vmul.f32 v40, v38;
	v43 =	vpop (erf);
	(erf) = vrcp.f32 v13  }
0xa3: {  	v19 =	vld [tilespmem:$0xB40];
	v58 =	vsel vm14, $0x3F800000, v0;
	vm4 =	vgt.f32 v13, $0.0e+00;
	v6 =	vnsel vm5, $0x0, v37  }
0xa4: {  	v63 =	vld [tilespmem:$0x720];
	v46 =	vpop (erf);
	v8 =	vmul.f32 v43, v42;
	v20 =	vsub.f32 v39, v58;
	vm5 =	vgt.f32 v28, $0.0e+00  }
0xa5: {  	v56 =	vld [tilespmem:$0x920];
	vm15 =	vgt.f32 v15, $0.0e+00;
	v7 =	vnsel vm7, $0x0, v10;
	v48 =	vmul.f32 v46, v45  }
0xa6: {  	v61 =	vld [tilespmem:$0x930];
	v47 =	vpop (erf);
	(erf) = vrcp.f32 v14;
	v62 =	vsel vm5, $0x3F800000, v0;
	vm7 =	vgt.f32 v31, $0.0e+00  }
0xa7: {  	v27 =	vld [tilespmem:$0x770];
	v9 =	vmul.f32 v47, v9;
	v10 =	vnsel vm8, $0x0, v8;
	(erf) = vrcp.f32 v20  }
0xa8: {  	v59 =	vld [tilespmem:$0x970];
	v25 =	vsub.f32 v49, v62;
	v46 =	vsel vm7, $0x3F800000, v0;
	vm8 =	vgt.f32 v32, $0.0e+00  }
0xa9: {  	v45 =	vld [tilespmem:$0x940];
	vm12 =	vgt.f32 v20, $0.0e+00;
	v62 =	vsub.f32 v63, v31;
	v11 =	vnsel vm9, $0x0, v48  }
0xaa: {  	v47 =	vld [tilespmem:$0xB50];
	(erf) = vrcp.f32 v24;
	v17 =	vsub.f32 v56, v46;
	v38 =	vsel vm8, $0x3F800000, v0  }
0xab: {  	v48 =	vld [tilespmem:$0x730];
	vm9 =	vgt.f32 v19, $0.0e+00;
	v8 =	vnsel vm10, $0x0, v9;
	v26 =	vsub.f32 v61, v38;
	v50 =	vpop (erf)  }
0xac: {  	v44 =	vld [tilespmem:$0x990];
	v39 =	vsel vm9, $0x3F800000, v0;
	vm10 =	vgt.f32 v14, $0.0e+00;
	v54 =	vpop (erf);
	(erf) = vrcp.f32 v25  }
0xad: {  	v49 =	vld [tilespmem:$0x950];
	vm14 =	vgt.f32 v25, $0.0e+00;
	v51 =	vmul.f32 v50, v16;
	v60 =	vpop (erf);
	(erf) = vrcp.f32 v15  }
0xae: {  	v16 =	vld [tilespmem:$0x710];
	v36 =	vsub.f32 v45, v39;
	vm5 =	vgt.f32 v26, $0.0e+00;
	(erf) = vrcp.f32 v17  }
0xaf: {  	v50 =	vld [tilespmem:$0x740];
	v9 =	vnsel vm11, $0x0, v51;
	v12 =	vmul.f32 v54, v52;
	(erf) = vrcp.f32 v26  }
0xb0: {  	v25 =	vld [tilespmem:$0xB90];
	vm11 =	vgt.f32 v47, $0.0e+00;
	v42 =	vsub.f32 v48, v32;
	v13 =	vmul.f32 v60, v57  }
0xb1: {  	v51 =	vld [tilespmem:$0x750];
	vm6 =	vgt.f32 v36, $0.0e+00;
	v53 =	vsel vm11, $0x3F800000, v0;
	v12 =	vnsel vm13, $0x0, v12  }
0xb2: {  	v32 =	vld [tilespmem:$0xB80];
	v40 =	vpop (erf);
	v30 =	vsub.f32 v49, v53;
	vm13 =	vgt.f32 v24, $0.0e+00;
	v13 =	vnsel vm4, $0x0, v13  }
0xb3: {  	v57 =	vld [tilespmem:$0xB60];
	v52 =	vmul.f32 v40, v18;
	(erf) = vrcp.f32 v36;
	v56 =	vpop (erf);
	v16 =	vsub.f32 v16, v23  }
0xb4: {  	v18 =	vld [tilespmem:$0x760];
	vm4 =	vgt.f32 v17, $0.0e+00;
	v19 =	vsub.f32 v50, v19;
	v21 =	vmul.f32 v56, v21;
	v58 =	vpop (erf)  }
0xb5: {  	v23 =	vld [tilespmem:$0xB70];
	(erf) = vrcp.f32 v30;
	vm9 =	vgt.f32 v30, $0.0e+00;
	vm11 =	vgt.f32 v25, $0.0e+00;
	v60 =	vpop (erf)  }
0xb6: {  	[tilespmem:$0xC20] =	vst v2;
	v28 =	vld [tilespmem:$0xBF0];
	v14 =	vnsel vm10, $0x0, v52;
	v20 =	vmul.f32 v58, v55;
	v2 =	vsub.f32 v51, v47;
	v61 =	vpop (erf)  }
0xb7: {  	v36 =	vld [tilespmem:$0x790];
	vm10 =	vgt.f32 v32, $0.0e+00;
	v55 =	vsel vm11, $0x3F800000, v0;
	v21 =	vnsel vm12, $0x0, v21;
	v41 =	vpop (erf)  }
0xb8: {  	[tilespmem:$0xC70] =	vst v10;
	v54 =	vld [tilespmem:$0x960];
	vm7 =	vgt.f32 v57, $0.0e+00;
	v10 =	vsub.f32 v44, v55;
	v20 =	vnsel vm13, $0x0, v20;
	v43 =	vpop (erf)  }
0xb9: {  	v48 =	vld [tilespmem:$0x9B0];
	v47 =	vsel vm7, $0x3F800000, v0;
	vm13 =	vgt.f32 v33, $0.0e+00;
	v17 =	vmul.f32 v43, v42  }
0xba: {  	[tilespmem:$0xC00] =	vst v1;
	v63 =	vld [tilespmem:$0x980];
	vm8 =	vgt.f32 v23, $0.0e+00;
	v53 =	vsub.f32 v18, v57;
	v58 =	vsel vm13, $0x3F800000, v0  }
0xbb: {  	[tilespmem:$0xC10] =	vst v3;
	v38 =	vmul.f32 v61, v16;
	v16 =	vmul.f32 v41, v62;
	v3 =	vnsel vm5, $0x0, v17;
	v17 =	vld [tilespmem:$0xBA0]  }
0xbc: {  	v46 =	vld [tilespmem:$0x9A0];
	[tilespmem:$0xCD0] =	vst v14;
	v14 =	vsub.f32 v36, v25;
	v22 =	vmul.f32 v60, v22;
	v49 =	vsel vm8, $0x3F800000, v0;
	v45 =	vpop (erf)  }
0xbd: {  	[tilespmem:$0xC30] =	vst v5;
	v24 =	vld [tilespmem:$0xBD0];
	v1 =	vnsel vm4, $0x0, v16;
	v16 =	vmul.f32 v45, v19;
	v19 =	vsub.f32 v54, v47  }
0xbe: {  	[tilespmem:$0xC40] =	vst v4;
	v18 =	vld [tilespmem:$0xBC0];
	v60 =	vsub.f32 v48, v58;
	v5 =	vsub.f32 v59, v49;
	v54 =	vsel vm10, $0x3F800000, v0  }
0xbf: {  	[tilespmem:$0xC60] =	vst v7;
	v30 =	vld [tilespmem:$0xBE0];
	v22 =	vnsel vm14, $0x0, v22;
	v7 =	vsub.f32 v63, v54;
	(erf) = vrcp.f32 v19  }
0xc0: {  	[tilespmem:$0xC50] =	vst v6;
	v52 =	vld [tilespmem:$0x9C0];
	vm11 =	vgt.f32 v60, $0.0e+00;
	(erf) = vrcp.f32 v5;
	vm12 =	vgt.f32 v17, $0.0e+00  }
0xc1: {  	[tilespmem:$0xC80] =	vst v11;
	v59 =	vld [tilespmem:$0x9D0];
	v15 =	vnsel vm15, $0x0, v38;
	(erf) = vrcp.f32 v7;
	v56 =	vsel vm12, $0x3F800000, v0  }
0xc2: {  	[tilespmem:$0xC90] =	vst v8;
	v61 =	vld [tilespmem:$0x9E0];
	vm15 =	vgt.f32 v24, $0.0e+00;
	v42 =	vsub.f32 v27, v23;
	v57 =	vsub.f32 v46, v56  }
0xc3: {  	[tilespmem:$0xCA0] =	vst v9;
	vm7 =	vgt.f32 v5, $0.0e+00;
	vm14 =	vgt.f32 v18, $0.0e+00;
	v63 =	vld [tilespmem:$0x9F0];
	(erf) = vrcp.f32 v10  }
0xc4: {  	v34 =	vld [tilespmem:$0x780];
	[tilespmem:$0xCB0] =	vst v12;
	v50 =	vpop (erf);
	v35 =	vsel vm15, $0x3F800000, v0;
	v62 =	vsel vm14, $0x3F800000, v0;
	(erf) = vrcp.f32 v57  }
0xc5: {  	[tilespmem:$0xCC0] =	vst v13;
	v49 =	vld [tilespmem:$0x7D0];
	vm4 =	vgt.f32 v30, $0.0e+00;
	v12 =	vsub.f32 v52, v62;
	(erf) = vrcp.f32 v60  }
0xc6: {  	[tilespmem:$0xCE0] =	vst v21;
	v37 =	vsel vm4, $0x3F800000, v0;
	vm5 =	vgt.f32 v28, $0.0e+00;
	v39 =	vsub.f32 v59, v35  }
0xc7: {  	[tilespmem:$0xCF0] =	vst v20;
	v41 =	vld [tilespmem:$0x7A0];
	v38 =	vsel vm5, $0x3F800000, v0;
	v11 =	vsub.f32 v61, v37;
	(erf) = vrcp.f32 v12  }
0xc8: {  	[tilespmem:$0xD00] =	vst v22;
	v43 =	vld [tilespmem:$0x7B0];
	v2 =	vmul.f32 v50, v2;
	v21 =	vsub.f32 v63, v38;
	v40 =	vpop (erf);
	(erf) = vrcp.f32 v39  }
0xc9: {  	[tilespmem:$0xD20] =	vst v1;
	v1 =	vsub.f32 v34, v32;
	v51 =	vnsel vm6, $0x0, v16;
	v44 =	vpop (erf);
	(erf) = vrcp.f32 v11  }
0xca: {  	[tilespmem:$0xD10] =	vst v15;
	vm6 =	vgt.f32 v19, $0.0e+00;
	v58 =	vsub.f32 v49, v24;
	v46 =	vld [tilespmem:$0x7C0];
	v45 =	vpop (erf);
	(erf) = vrcp.f32 v21  }
0xcb: {  	v54 =	vld [tilespmem:$0x7F0];
	[tilespmem:$0xD30] =	vst v3;
	v2 =	vnsel vm9, $0x0, v2;
	v6 =	vmul.f32 v40, v53;
	v3 =	vmul.f32 v44, v42  }
0xcc: {  	v52 =	vld [tilespmem:$0x7E0];
	vm8 =	vgt.f32 v7, $0.0e+00;
	[tilespmem:$0xD40] =	vst v51;
	v51 =	vsub.f32 v41, v17;
	v47 =	vpop (erf);
	v1 =	vmul.f32 v45, v1  }
0xcd: {  	[tilespmem:$0xD50] =	vst v2;
	v48 =	vnsel vm6, $0x0, v6;
	v2 =	vnsel vm7, $0x0, v3;
	v3 =	vsub.f32 v43, v33;
	v53 =	vpop (erf)  }
0xce: {  	vm9 =	vgt.f32 v10, $0.0e+00;
	v50 =	vmul.f32 v47, v14;
	[tilespmem:$0xD60] =	vst v48;
	v1 =	vnsel vm8, $0x0, v1;
	v55 =	vpop (erf)  }
0xcf: {  	[tilespmem:$0xD70] =	vst v2;
	v56 =	vmul.f32 v53, v51;
	v2 =	vmul.f32 v55, v3;
	v3 =	vsub.f32 v46, v18  }
0xd0: {  	v62 =	vsub.f32 v54, v28;
	vm10 =	vgt.f32 v57, $0.0e+00;
	v4 =	vnsel vm9, $0x0, v50;
	[tilespmem:$0xD80] =	vst v1;
	v57 =	vpop (erf)  }
0xd1: {  	v60 =	vsub.f32 v52, v30;
	[tilespmem:$0xD90] =	vst v4;
	v1 =	vnsel vm10, $0x0, v56;
	v59 =	vpop (erf);
	v3 =	vmul.f32 v57, v3  }
0xd2: {  	vm12 =	vgt.f32 v12, $0.0e+00;
	v2 =	vnsel vm11, $0x0, v2;
	v61 =	vpop (erf);
	[tilespmem:$0xDA0] =	vst v1;
	v1 =	vmul.f32 v59, v58  }
0xd3: {  	vm13 =	vgt.f32 v39, $0.0e+00;
	[tilespmem:$0xDB0] =	vst v2;
	v63 =	vpop (erf);
	v2 =	vnsel vm12, $0x0, v3;
	v3 =	vmul.f32 v61, v60  }
0xd4: {  	vm14 =	vgt.f32 v11, $0.0e+00;
	v1 =	vnsel vm13, $0x0, v1;
	[tilespmem:$0xDC0] =	vst v2;
	v2 =	vmul.f32 v63, v62  }
0xd5: {  	vm15 =	vgt.f32 v21, $0.0e+00;
	[tilespmem:$0xDD0] =	vst v1;
	v1 =	vnsel vm14, $0x0, v3  }
0xd6: {  	p0 =	sne.s32 s9, $0x1;
	[tilespmem:$0xDE0] =	vst v1;
	v1 =	vnsel vm15, $0x0, v2  }
.Ltmp0:
0xd7: {  	[tilespmem:$0xDF0] =	vst v1;
	(pc) =	sbr.rel @p0 .LBB2_1-.Ltmp0, $4  }
0xd8: {  	[hbm4b:s8+s2] =	stream.linear.scatter [tilespmem:s18], [sflag:$0x3], $0x200, $0x38;
	[tilespmem:$0xE00] =	vst v63  }
0xd9: {  	_ =	swait.ge [sflag:s10], $0x200  }
0xda: {  	[sflag:s10] =	ssyncset.done $0x0  }
0xdb: {  	s9 =	sadd.s32 $0xFFFFFFFF, s9;
	[sflag:s10] =	ssyncadd.s32 $0xFFFFFE00  }
0xdc: {  	_ =	sfence.sel $0x180000  }
0xdd: {  	[bflag:$0x0] =	sbarrier.arrive $0xFFFF  }
0xde: {  	p0 =	sne.s32 s1, $0x0;
	_ =	strace $0x9000004A  }
0xdf: {  	s0 =	sadd.s32 @!p0 $0x100000, s0;
	[bflag:$0x2] =	sbarrier.arrive $0xFFFF  }
0xe0: {  	[sflag:s0] =	ssyncadd.tile.s32 @!p0 $0x1;
	_ =	shalt  }
.Lfunc_end2:
_tile_overlayer_lowered:
.L_overlay_start_2:
0xe1: {  	(tag) =	ssettag $0x2  }
0xe2: {  	s0 =	rddreg [dreg:$0x0];
	s2 =	stileid.u32  }
0xe3: {  	s1 =	rddreg [dreg:$0x1];
	p0 =	sne.s32 s2, $0x0  }
0xe4: {  	s3 =	rddreg [dreg:$0x2];
	[bflag:$0x3] =	sbarrier.arrive $0xFFFF;
	s2 =	simm.s32 @!p0 $0x1C03  }
0xe5: {  	[timem:s3], [sflag:s2] =	dma.local @!p0 [hbm:s0], s1  }
0xe6: {  	s0 =	simm.s32 @!p0 $0x3  }
0xe7: {  	_ =	swait.ge @!p0 [sflag:s0], s1  }
0xe8: {  	s1 =	ssub.s32 @!p0 $0x0, s1;
	[sflag:s0] =	ssyncset.done @!p0 $0x0  }
0xe9: {  	[sflag:s0] =	ssyncadd.s32 @!p0 s1  }
0xea: {  	[bflag:$0x3] =	sbarrier.arrive $0xFFFF  }
0xeb: {  	_ =	shalt  }

</sc_bundles>
